<compile_context>
chip_gen: v7x
topology: tpu7x:2x2x1
jax: 0.10.2.dev20260603
libtpu: 0.0.44.dev20260713+nightly
codegen_flags: <defaults>
</compile_context>

<pallas_src>
import jax
import jax.numpy as jnp
from jax import lax
from jax.experimental import pallas as pl
from jax.experimental.pallas import tpu as pltpu
from jax.experimental.pallas import tpu_sc as plsc

_H, _W, _KH, _KW = 768, 768, 3, 3
_K = _KH * _KW
_N = _H * _W * _K
_M = _H * _W
_NWORK = 32
_NPW = _N // _NWORK
_MPW = _M // _NWORK
_NBUF = 4
_C = 20736
_CM = _C // _K
_NCH = _NPW // _C
_L = 16
_GRP = _L * _K


def _sc_body(mask_hbm, s_hbm, out_hbm, *scr):
    s_bufs = scr[0:_NBUF]
    m_bufs = scr[_NBUF:2 * _NBUF]
    in_sems = scr[2 * _NBUF:3 * _NBUF]
    out_sems = scr[3 * _NBUF:4 * _NBUF]

    wid = lax.axis_index("s") * 2 + lax.axis_index("c")
    s_base = wid * _NPW
    m_base = wid * _MPW

    iota = lax.iota(jnp.int32, _L)
    idxk = [(iota + (_L * k)) // _K for k in range(_K)]

    def start_in(c):
        slot = c % _NBUF
        pltpu.make_async_copy(
            s_hbm.at[pl.ds(s_base + c * _C, _C)], s_bufs[slot], in_sems[slot]
        ).start()
        pltpu.make_async_copy(
            mask_hbm.at[pl.ds(m_base + c * _CM, _CM)], m_bufs[slot], in_sems[slot]
        ).start()

    def wait_in(c):
        slot = c % _NBUF
        pltpu.make_async_copy(
            s_hbm.at[pl.ds(s_base + c * _C, _C)], s_bufs[slot], in_sems[slot]
        ).wait()
        pltpu.make_async_copy(
            mask_hbm.at[pl.ds(m_base + c * _CM, _CM)], m_bufs[slot], in_sems[slot]
        ).wait()

    def start_out(c):
        slot = c % _NBUF
        pltpu.make_async_copy(
            s_bufs[slot], out_hbm.at[pl.ds(s_base + c * _C, _C)], out_sems[slot]
        ).start()

    def wait_out(c):
        slot = c % _NBUF
        pltpu.make_async_copy(
            s_bufs[slot], out_hbm.at[pl.ds(s_base + c * _C, _C)], out_sems[slot]
        ).wait()

    def compute(c):
        slot = c % _NBUF
        s_buf = s_bufs[slot]
        m_buf = m_bufs[slot]

        def group(g, carry):
            base = g * _GRP
            moff = jnp.broadcast_to(g * _L, (_L,))
            for k in range(_K):
                sv = s_buf[pl.ds(base + k * _L, _L)]
                mk = plsc.load_gather(m_buf, [moff + idxk[k]])
                s_buf[pl.ds(base + k * _L, _L)] = mk * sv
            return carry

        lax.fori_loop(0, _C // _GRP, group, 0)

    for c in range(_NBUF - 1):
        start_in(c)
    for c in range(_NCH):
        wait_in(c)
        compute(c)
        start_out(c)
        nxt = c + _NBUF - 1
        if nxt < _NCH:
            if c >= 1:
                wait_out(c - 1)
            start_in(nxt)
    for c in range(max(0, _NCH - _NBUF), _NCH):
        wait_out(c)


def kernel(mask, s_tensor):
    s_flat = s_tensor.reshape(_N)
    m_flat = mask.reshape(_M)
    mesh = plsc.VectorSubcoreMesh(core_axis_name="c", subcore_axis_name="s")
    out = pl.kernel(
        _sc_body,
        mesh=mesh,
        out_type=jax.ShapeDtypeStruct((_N,), jnp.float32),
        compiler_params=pltpu.CompilerParams(needs_layout_passes=False),
        scratch_types=(
            [pltpu.VMEM((_C,), jnp.float32) for _ in range(_NBUF)]
            + [pltpu.VMEM((_CM,), jnp.float32) for _ in range(_NBUF)]
            + [pltpu.SemaphoreType.DMA for _ in range(2 * _NBUF)]
        ),
    )(m_flat, s_flat)
    return out.reshape(_H, _W, _KH, _KW)

# --- scband reference (transcript-rebuilt; emitter-appended) ---
"""Pipeline reference for scband-sparse-tensor-10110353014931 (READ-ONLY COPY).

The authoritative reference and input builder live on the scoring server;
editing this copy changes nothing except your own understanding.
"""

import jax, jax.numpy as jnp
import numpy as np

TENSOR_SIZE = (768, 768, 3, 3)
INITIAL_SPARSITY = 0.9
SUB_KERNEL_GRANULARITY = 2


def setup_inputs(seed: int = 0) -> dict:
    key = jax.random.key(seed)
    k1, k2 = jax.random.split(key)
    # init_parameters: uniform(-stdv, stdv), stdv = 1/sqrt(prod(size[1:]))
    stdv = 1.0 / np.sqrt(np.prod(TENSOR_SIZE[1:]))
    s_tensor = jax.random.uniform(k1, TENSOR_SIZE, minval=-stdv, maxval=stdv, dtype=jnp.float32)
    # binary mask over first sub_kernel_granularity dims with density (1 - initial_sparsity)
    mask = (jax.random.uniform(k2, TENSOR_SIZE[:SUB_KERNEL_GRANULARITY]) < (1.0 - INITIAL_SPARSITY)).astype(jnp.float32)
    # reinitialize_unused(reinitialize_unused_to_zero=True): zero out masked-off positions
    s_tensor = s_tensor * mask[:, :, None, None]
    return {"mask": mask, "s_tensor": s_tensor}


def reference(mask, s_tensor):
    # conv_tensor branch: mask.view(*mask.size() + (1,)*(4 - sub_kernel_granularity)) * s_tensor
    return mask[:, :, None, None] * s_tensor

if __name__ == "__main__":
    import jax
    _d = setup_inputs()
    print(jax.jit(kernel)(*tuple(_d.values())))

</pallas_src>

<mosaic_0001>
#map = affine_map<(d0, d1) -> (0)>
module attributes {stable_mosaic.version = 14 : i64} {
  func.func @_sc_body(%arg0: i32, %arg1: i32, %arg2: memref<589824xf32, #tpu.memory_space<hbm>>, %arg3: memref<5308416xf32, #tpu.memory_space<hbm>>, %arg4: memref<5308416xf32, #tpu.memory_space<hbm>>, %arg5: memref<20736xf32, #tpu.memory_space<vmem>>, %arg6: memref<20736xf32, #tpu.memory_space<vmem>>, %arg7: memref<20736xf32, #tpu.memory_space<vmem>>, %arg8: memref<20736xf32, #tpu.memory_space<vmem>>, %arg9: memref<2304xf32, #tpu.memory_space<vmem>>, %arg10: memref<2304xf32, #tpu.memory_space<vmem>>, %arg11: memref<2304xf32, #tpu.memory_space<vmem>>, %arg12: memref<2304xf32, #tpu.memory_space<vmem>>, %arg13: memref<!tpu.dma_semaphore, #tpu.memory_space<semaphore_mem>>, %arg14: memref<!tpu.dma_semaphore, #tpu.memory_space<semaphore_mem>>, %arg15: memref<!tpu.dma_semaphore, #tpu.memory_space<semaphore_mem>>, %arg16: memref<!tpu.dma_semaphore, #tpu.memory_space<semaphore_mem>>, %arg17: memref<!tpu.dma_semaphore, #tpu.memory_space<semaphore_mem>>, %arg18: memref<!tpu.dma_semaphore, #tpu.memory_space<semaphore_mem>>, %arg19: memref<!tpu.dma_semaphore, #tpu.memory_space<semaphore_mem>>, %arg20: memref<!tpu.dma_semaphore, #tpu.memory_space<semaphore_mem>>) attributes {dimension_semantics = [#tpu.dimension_semantics<core_parallel>, #tpu.dimension_semantics<subcore_parallel>], iteration_bounds = array<i64: 2, 16>, scalar_prefetch = 0 : i64, scratch_operands = 16 : i64, tpu.core_type = #tpu.core_type<sc_vector_subcore>, window_params = [{transform_indices = #map}, {transform_indices = #map}, {transform_indices = #map}]} {
    %mul3A = arith.constant 2 : i32
    %mul3A_0 = arith.muli %arg1, %mul3A : i32
    %add3A = arith.addi %mul3A_0, %arg0 : i32
    %mul3A_1 = arith.constant 165888 : i32
    %mul3A_2 = arith.muli %add3A, %mul3A_1 : i32
    %mul3A_3 = arith.constant 18432 : i32
    %mul3A_4 = arith.muli %add3A, %mul3A_3 : i32
    %iota3A = tpu.iota {dimensions = array<i32: 0>} : vector<16xi32>
    %add3A_5 = arith.constant 0 : i32
    %add3A_6 = vector.broadcast %add3A_5 : i32 to vector<16xi32>
    %add3A_7 = arith.addi %iota3A, %add3A_6 : vector<16xi32>
    %jit3A = arith.constant 9 : i32
    %div3A = vector.broadcast %jit3A : i32 to vector<16xi32>
    %div3A_8 = arith.divsi %add3A_7, %div3A : vector<16xi32>
    %sign3A = arith.constant 0 : i32
    %sign3A_9 = vector.broadcast %sign3A : i32 to vector<16xi32>
    %sign3A_10 = arith.cmpi sgt, %add3A_7, %sign3A_9 : vector<16xi32>
    %sign3A_11 = arith.extui %sign3A_10 : vector<16xi1> to vector<16xi32>
    %sign3A_12 = arith.constant 0 : i32
    %sign3A_13 = vector.broadcast %sign3A_12 : i32 to vector<16xi32>
    %sign3A_14 = arith.cmpi slt, %add3A_7, %sign3A_13 : vector<16xi32>
    %sign3A_15 = arith.extui %sign3A_14 : vector<16xi1> to vector<16xi32>
    %sign3A_16 = arith.subi %sign3A_11, %sign3A_15 : vector<16xi32>
    %sign3A_17 = arith.constant 0 : i32
    %sign3A_18 = arith.cmpi sgt, %jit3A, %sign3A_17 : i32
    %sign3A_19 = arith.extui %sign3A_18 : i1 to i32
    %sign3A_20 = arith.constant 0 : i32
    %sign3A_21 = arith.cmpi slt, %jit3A, %sign3A_20 : i32
    %sign3A_22 = arith.extui %sign3A_21 : i1 to i32
    %sign3A_23 = arith.subi %sign3A_19, %sign3A_22 : i32
    %ne3A = vector.broadcast %sign3A_23 : i32 to vector<16xi32>
    %ne3A_24 = arith.cmpi ne, %sign3A_16, %ne3A : vector<16xi32>
    %rem3A = vector.broadcast %jit3A : i32 to vector<16xi32>
    %rem3A_25 = arith.remsi %add3A_7, %rem3A : vector<16xi32>
    %ne3A_26 = arith.constant 0 : i32
    %ne3A_27 = vector.broadcast %ne3A_26 : i32 to vector<16xi32>
    %ne3A_28 = arith.cmpi ne, %rem3A_25, %ne3A_27 : vector<16xi32>
    %and3A = arith.andi %ne3A_24, %ne3A_28 : vector<16xi1>
    %sub3A = arith.constant 1 : i32
    %sub3A_29 = vector.broadcast %sub3A : i32 to vector<16xi32>
    %sub3A_30 = arith.subi %div3A_8, %sub3A_29 : vector<16xi32>
    %select_n3A = arith.select %and3A, %sub3A_30, %div3A_8 : vector<16xi1>, vector<16xi32>
    %add3A_31 = arith.constant 16 : i32
    %add3A_32 = vector.broadcast %add3A_31 : i32 to vector<16xi32>
    %add3A_33 = arith.addi %iota3A, %add3A_32 : vector<16xi32>
    %jit3A_34 = arith.constant 9 : i32
    %div3A_35 = vector.broadcast %jit3A_34 : i32 to vector<16xi32>
    %div3A_36 = arith.divsi %add3A_33, %div3A_35 : vector<16xi32>
    %sign3A_37 = arith.constant 0 : i32
    %sign3A_38 = vector.broadcast %sign3A_37 : i32 to vector<16xi32>
    %sign3A_39 = arith.cmpi sgt, %add3A_33, %sign3A_38 : vector<16xi32>
    %sign3A_40 = arith.extui %sign3A_39 : vector<16xi1> to vector<16xi32>
    %sign3A_41 = arith.constant 0 : i32
    %sign3A_42 = vector.broadcast %sign3A_41 : i32 to vector<16xi32>
    %sign3A_43 = arith.cmpi slt, %add3A_33, %sign3A_42 : vector<16xi32>
    %sign3A_44 = arith.extui %sign3A_43 : vector<16xi1> to vector<16xi32>
    %sign3A_45 = arith.subi %sign3A_40, %sign3A_44 : vector<16xi32>
    %sign3A_46 = arith.constant 0 : i32
    %sign3A_47 = arith.cmpi sgt, %jit3A_34, %sign3A_46 : i32
    %sign3A_48 = arith.extui %sign3A_47 : i1 to i32
    %sign3A_49 = arith.constant 0 : i32
    %sign3A_50 = arith.cmpi slt, %jit3A_34, %sign3A_49 : i32
    %sign3A_51 = arith.extui %sign3A_50 : i1 to i32
    %sign3A_52 = arith.subi %sign3A_48, %sign3A_51 : i32
    %ne3A_53 = vector.broadcast %sign3A_52 : i32 to vector<16xi32>
    %ne3A_54 = arith.cmpi ne, %sign3A_45, %ne3A_53 : vector<16xi32>
    %rem3A_55 = vector.broadcast %jit3A_34 : i32 to vector<16xi32>
    %rem3A_56 = arith.remsi %add3A_33, %rem3A_55 : vector<16xi32>
    %ne3A_57 = arith.constant 0 : i32
    %ne3A_58 = vector.broadcast %ne3A_57 : i32 to vector<16xi32>
    %ne3A_59 = arith.cmpi ne, %rem3A_56, %ne3A_58 : vector<16xi32>
    %and3A_60 = arith.andi %ne3A_54, %ne3A_59 : vector<16xi1>
    %sub3A_61 = arith.constant 1 : i32
    %sub3A_62 = vector.broadcast %sub3A_61 : i32 to vector<16xi32>
    %sub3A_63 = arith.subi %div3A_36, %sub3A_62 : vector<16xi32>
    %select_n3A_64 = arith.select %and3A_60, %sub3A_63, %div3A_36 : vector<16xi1>, vector<16xi32>
    %add3A_65 = arith.constant 32 : i32
    %add3A_66 = vector.broadcast %add3A_65 : i32 to vector<16xi32>
    %add3A_67 = arith.addi %iota3A, %add3A_66 : vector<16xi32>
    %jit3A_68 = arith.constant 9 : i32
    %div3A_69 = vector.broadcast %jit3A_68 : i32 to vector<16xi32>
    %div3A_70 = arith.divsi %add3A_67, %div3A_69 : vector<16xi32>
    %sign3A_71 = arith.constant 0 : i32
    %sign3A_72 = vector.broadcast %sign3A_71 : i32 to vector<16xi32>
    %sign3A_73 = arith.cmpi sgt, %add3A_67, %sign3A_72 : vector<16xi32>
    %sign3A_74 = arith.extui %sign3A_73 : vector<16xi1> to vector<16xi32>
    %sign3A_75 = arith.constant 0 : i32
    %sign3A_76 = vector.broadcast %sign3A_75 : i32 to vector<16xi32>
    %sign3A_77 = arith.cmpi slt, %add3A_67, %sign3A_76 : vector<16xi32>
    %sign3A_78 = arith.extui %sign3A_77 : vector<16xi1> to vector<16xi32>
    %sign3A_79 = arith.subi %sign3A_74, %sign3A_78 : vector<16xi32>
    %sign3A_80 = arith.constant 0 : i32
    %sign3A_81 = arith.cmpi sgt, %jit3A_68, %sign3A_80 : i32
    %sign3A_82 = arith.extui %sign3A_81 : i1 to i32
    %sign3A_83 = arith.constant 0 : i32
    %sign3A_84 = arith.cmpi slt, %jit3A_68, %sign3A_83 : i32
    %sign3A_85 = arith.extui %sign3A_84 : i1 to i32
    %sign3A_86 = arith.subi %sign3A_82, %sign3A_85 : i32
    %ne3A_87 = vector.broadcast %sign3A_86 : i32 to vector<16xi32>
    %ne3A_88 = arith.cmpi ne, %sign3A_79, %ne3A_87 : vector<16xi32>
    %rem3A_89 = vector.broadcast %jit3A_68 : i32 to vector<16xi32>
    %rem3A_90 = arith.remsi %add3A_67, %rem3A_89 : vector<16xi32>
    %ne3A_91 = arith.constant 0 : i32
    %ne3A_92 = vector.broadcast %ne3A_91 : i32 to vector<16xi32>
    %ne3A_93 = arith.cmpi ne, %rem3A_90, %ne3A_92 : vector<16xi32>
    %and3A_94 = arith.andi %ne3A_88, %ne3A_93 : vector<16xi1>
    %sub3A_95 = arith.constant 1 : i32
    %sub3A_96 = vector.broadcast %sub3A_95 : i32 to vector<16xi32>
    %sub3A_97 = arith.subi %div3A_70, %sub3A_96 : vector<16xi32>
    %select_n3A_98 = arith.select %and3A_94, %sub3A_97, %div3A_70 : vector<16xi1>, vector<16xi32>
    %add3A_99 = arith.constant 48 : i32
    %add3A_100 = vector.broadcast %add3A_99 : i32 to vector<16xi32>
    %add3A_101 = arith.addi %iota3A, %add3A_100 : vector<16xi32>
    %jit3A_102 = arith.constant 9 : i32
    %div3A_103 = vector.broadcast %jit3A_102 : i32 to vector<16xi32>
    %div3A_104 = arith.divsi %add3A_101, %div3A_103 : vector<16xi32>
    %sign3A_105 = arith.constant 0 : i32
    %sign3A_106 = vector.broadcast %sign3A_105 : i32 to vector<16xi32>
    %sign3A_107 = arith.cmpi sgt, %add3A_101, %sign3A_106 : vector<16xi32>
    %sign3A_108 = arith.extui %sign3A_107 : vector<16xi1> to vector<16xi32>
    %sign3A_109 = arith.constant 0 : i32
    %sign3A_110 = vector.broadcast %sign3A_109 : i32 to vector<16xi32>
    %sign3A_111 = arith.cmpi slt, %add3A_101, %sign3A_110 : vector<16xi32>
    %sign3A_112 = arith.extui %sign3A_111 : vector<16xi1> to vector<16xi32>
    %sign3A_113 = arith.subi %sign3A_108, %sign3A_112 : vector<16xi32>
    %sign3A_114 = arith.constant 0 : i32
    %sign3A_115 = arith.cmpi sgt, %jit3A_102, %sign3A_114 : i32
    %sign3A_116 = arith.extui %sign3A_115 : i1 to i32
    %sign3A_117 = arith.constant 0 : i32
    %sign3A_118 = arith.cmpi slt, %jit3A_102, %sign3A_117 : i32
    %sign3A_119 = arith.extui %sign3A_118 : i1 to i32
    %sign3A_120 = arith.subi %sign3A_116, %sign3A_119 : i32
    %ne3A_121 = vector.broadcast %sign3A_120 : i32 to vector<16xi32>
    %ne3A_122 = arith.cmpi ne, %sign3A_113, %ne3A_121 : vector<16xi32>
    %rem3A_123 = vector.broadcast %jit3A_102 : i32 to vector<16xi32>
    %rem3A_124 = arith.remsi %add3A_101, %rem3A_123 : vector<16xi32>
    %ne3A_125 = arith.constant 0 : i32
    %ne3A_126 = vector.broadcast %ne3A_125 : i32 to vector<16xi32>
    %ne3A_127 = arith.cmpi ne, %rem3A_124, %ne3A_126 : vector<16xi32>
    %and3A_128 = arith.andi %ne3A_122, %ne3A_127 : vector<16xi1>
    %sub3A_129 = arith.constant 1 : i32
    %sub3A_130 = vector.broadcast %sub3A_129 : i32 to vector<16xi32>
    %sub3A_131 = arith.subi %div3A_104, %sub3A_130 : vector<16xi32>
    %select_n3A_132 = arith.select %and3A_128, %sub3A_131, %div3A_104 : vector<16xi1>, vector<16xi32>
    %add3A_133 = arith.constant 64 : i32
    %add3A_134 = vector.broadcast %add3A_133 : i32 to vector<16xi32>
    %add3A_135 = arith.addi %iota3A, %add3A_134 : vector<16xi32>
    %jit3A_136 = arith.constant 9 : i32
    %div3A_137 = vector.broadcast %jit3A_136 : i32 to vector<16xi32>
    %div3A_138 = arith.divsi %add3A_135, %div3A_137 : vector<16xi32>
    %sign3A_139 = arith.constant 0 : i32
    %sign3A_140 = vector.broadcast %sign3A_139 : i32 to vector<16xi32>
    %sign3A_141 = arith.cmpi sgt, %add3A_135, %sign3A_140 : vector<16xi32>
    %sign3A_142 = arith.extui %sign3A_141 : vector<16xi1> to vector<16xi32>
    %sign3A_143 = arith.constant 0 : i32
    %sign3A_144 = vector.broadcast %sign3A_143 : i32 to vector<16xi32>
    %sign3A_145 = arith.cmpi slt, %add3A_135, %sign3A_144 : vector<16xi32>
    %sign3A_146 = arith.extui %sign3A_145 : vector<16xi1> to vector<16xi32>
    %sign3A_147 = arith.subi %sign3A_142, %sign3A_146 : vector<16xi32>
    %sign3A_148 = arith.constant 0 : i32
    %sign3A_149 = arith.cmpi sgt, %jit3A_136, %sign3A_148 : i32
    %sign3A_150 = arith.extui %sign3A_149 : i1 to i32
    %sign3A_151 = arith.constant 0 : i32
    %sign3A_152 = arith.cmpi slt, %jit3A_136, %sign3A_151 : i32
    %sign3A_153 = arith.extui %sign3A_152 : i1 to i32
    %sign3A_154 = arith.subi %sign3A_150, %sign3A_153 : i32
    %ne3A_155 = vector.broadcast %sign3A_154 : i32 to vector<16xi32>
    %ne3A_156 = arith.cmpi ne, %sign3A_147, %ne3A_155 : vector<16xi32>
    %rem3A_157 = vector.broadcast %jit3A_136 : i32 to vector<16xi32>
    %rem3A_158 = arith.remsi %add3A_135, %rem3A_157 : vector<16xi32>
    %ne3A_159 = arith.constant 0 : i32
    %ne3A_160 = vector.broadcast %ne3A_159 : i32 to vector<16xi32>
    %ne3A_161 = arith.cmpi ne, %rem3A_158, %ne3A_160 : vector<16xi32>
    %and3A_162 = arith.andi %ne3A_156, %ne3A_161 : vector<16xi1>
    %sub3A_163 = arith.constant 1 : i32
    %sub3A_164 = vector.broadcast %sub3A_163 : i32 to vector<16xi32>
    %sub3A_165 = arith.subi %div3A_138, %sub3A_164 : vector<16xi32>
    %select_n3A_166 = arith.select %and3A_162, %sub3A_165, %div3A_138 : vector<16xi1>, vector<16xi32>
    %add3A_167 = arith.constant 80 : i32
    %add3A_168 = vector.broadcast %add3A_167 : i32 to vector<16xi32>
    %add3A_169 = arith.addi %iota3A, %add3A_168 : vector<16xi32>
    %jit3A_170 = arith.constant 9 : i32
    %div3A_171 = vector.broadcast %jit3A_170 : i32 to vector<16xi32>
    %div3A_172 = arith.divsi %add3A_169, %div3A_171 : vector<16xi32>
    %sign3A_173 = arith.constant 0 : i32
    %sign3A_174 = vector.broadcast %sign3A_173 : i32 to vector<16xi32>
    %sign3A_175 = arith.cmpi sgt, %add3A_169, %sign3A_174 : vector<16xi32>
    %sign3A_176 = arith.extui %sign3A_175 : vector<16xi1> to vector<16xi32>
    %sign3A_177 = arith.constant 0 : i32
    %sign3A_178 = vector.broadcast %sign3A_177 : i32 to vector<16xi32>
    %sign3A_179 = arith.cmpi slt, %add3A_169, %sign3A_178 : vector<16xi32>
    %sign3A_180 = arith.extui %sign3A_179 : vector<16xi1> to vector<16xi32>
    %sign3A_181 = arith.subi %sign3A_176, %sign3A_180 : vector<16xi32>
    %sign3A_182 = arith.constant 0 : i32
    %sign3A_183 = arith.cmpi sgt, %jit3A_170, %sign3A_182 : i32
    %sign3A_184 = arith.extui %sign3A_183 : i1 to i32
    %sign3A_185 = arith.constant 0 : i32
    %sign3A_186 = arith.cmpi slt, %jit3A_170, %sign3A_185 : i32
    %sign3A_187 = arith.extui %sign3A_186 : i1 to i32
    %sign3A_188 = arith.subi %sign3A_184, %sign3A_187 : i32
    %ne3A_189 = vector.broadcast %sign3A_188 : i32 to vector<16xi32>
    %ne3A_190 = arith.cmpi ne, %sign3A_181, %ne3A_189 : vector<16xi32>
    %rem3A_191 = vector.broadcast %jit3A_170 : i32 to vector<16xi32>
    %rem3A_192 = arith.remsi %add3A_169, %rem3A_191 : vector<16xi32>
    %ne3A_193 = arith.constant 0 : i32
    %ne3A_194 = vector.broadcast %ne3A_193 : i32 to vector<16xi32>
    %ne3A_195 = arith.cmpi ne, %rem3A_192, %ne3A_194 : vector<16xi32>
    %and3A_196 = arith.andi %ne3A_190, %ne3A_195 : vector<16xi1>
    %sub3A_197 = arith.constant 1 : i32
    %sub3A_198 = vector.broadcast %sub3A_197 : i32 to vector<16xi32>
    %sub3A_199 = arith.subi %div3A_172, %sub3A_198 : vector<16xi32>
    %select_n3A_200 = arith.select %and3A_196, %sub3A_199, %div3A_172 : vector<16xi1>, vector<16xi32>
    %add3A_201 = arith.constant 96 : i32
    %add3A_202 = vector.broadcast %add3A_201 : i32 to vector<16xi32>
    %add3A_203 = arith.addi %iota3A, %add3A_202 : vector<16xi32>
    %jit3A_204 = arith.constant 9 : i32
    %div3A_205 = vector.broadcast %jit3A_204 : i32 to vector<16xi32>
    %div3A_206 = arith.divsi %add3A_203, %div3A_205 : vector<16xi32>
    %sign3A_207 = arith.constant 0 : i32
    %sign3A_208 = vector.broadcast %sign3A_207 : i32 to vector<16xi32>
    %sign3A_209 = arith.cmpi sgt, %add3A_203, %sign3A_208 : vector<16xi32>
    %sign3A_210 = arith.extui %sign3A_209 : vector<16xi1> to vector<16xi32>
    %sign3A_211 = arith.constant 0 : i32
    %sign3A_212 = vector.broadcast %sign3A_211 : i32 to vector<16xi32>
    %sign3A_213 = arith.cmpi slt, %add3A_203, %sign3A_212 : vector<16xi32>
    %sign3A_214 = arith.extui %sign3A_213 : vector<16xi1> to vector<16xi32>
    %sign3A_215 = arith.subi %sign3A_210, %sign3A_214 : vector<16xi32>
    %sign3A_216 = arith.constant 0 : i32
    %sign3A_217 = arith.cmpi sgt, %jit3A_204, %sign3A_216 : i32
    %sign3A_218 = arith.extui %sign3A_217 : i1 to i32
    %sign3A_219 = arith.constant 0 : i32
    %sign3A_220 = arith.cmpi slt, %jit3A_204, %sign3A_219 : i32
    %sign3A_221 = arith.extui %sign3A_220 : i1 to i32
    %sign3A_222 = arith.subi %sign3A_218, %sign3A_221 : i32
    %ne3A_223 = vector.broadcast %sign3A_222 : i32 to vector<16xi32>
    %ne3A_224 = arith.cmpi ne, %sign3A_215, %ne3A_223 : vector<16xi32>
    %rem3A_225 = vector.broadcast %jit3A_204 : i32 to vector<16xi32>
    %rem3A_226 = arith.remsi %add3A_203, %rem3A_225 : vector<16xi32>
    %ne3A_227 = arith.constant 0 : i32
    %ne3A_228 = vector.broadcast %ne3A_227 : i32 to vector<16xi32>
    %ne3A_229 = arith.cmpi ne, %rem3A_226, %ne3A_228 : vector<16xi32>
    %and3A_230 = arith.andi %ne3A_224, %ne3A_229 : vector<16xi1>
    %sub3A_231 = arith.constant 1 : i32
    %sub3A_232 = vector.broadcast %sub3A_231 : i32 to vector<16xi32>
    %sub3A_233 = arith.subi %div3A_206, %sub3A_232 : vector<16xi32>
    %select_n3A_234 = arith.select %and3A_230, %sub3A_233, %div3A_206 : vector<16xi1>, vector<16xi32>
    %add3A_235 = arith.constant 112 : i32
    %add3A_236 = vector.broadcast %add3A_235 : i32 to vector<16xi32>
    %add3A_237 = arith.addi %iota3A, %add3A_236 : vector<16xi32>
    %jit3A_238 = arith.constant 9 : i32
    %div3A_239 = vector.broadcast %jit3A_238 : i32 to vector<16xi32>
    %div3A_240 = arith.divsi %add3A_237, %div3A_239 : vector<16xi32>
    %sign3A_241 = arith.constant 0 : i32
    %sign3A_242 = vector.broadcast %sign3A_241 : i32 to vector<16xi32>
    %sign3A_243 = arith.cmpi sgt, %add3A_237, %sign3A_242 : vector<16xi32>
    %sign3A_244 = arith.extui %sign3A_243 : vector<16xi1> to vector<16xi32>
    %sign3A_245 = arith.constant 0 : i32
    %sign3A_246 = vector.broadcast %sign3A_245 : i32 to vector<16xi32>
    %sign3A_247 = arith.cmpi slt, %add3A_237, %sign3A_246 : vector<16xi32>
    %sign3A_248 = arith.extui %sign3A_247 : vector<16xi1> to vector<16xi32>
    %sign3A_249 = arith.subi %sign3A_244, %sign3A_248 : vector<16xi32>
    %sign3A_250 = arith.constant 0 : i32
    %sign3A_251 = arith.cmpi sgt, %jit3A_238, %sign3A_250 : i32
    %sign3A_252 = arith.extui %sign3A_251 : i1 to i32
    %sign3A_253 = arith.constant 0 : i32
    %sign3A_254 = arith.cmpi slt, %jit3A_238, %sign3A_253 : i32
    %sign3A_255 = arith.extui %sign3A_254 : i1 to i32
    %sign3A_256 = arith.subi %sign3A_252, %sign3A_255 : i32
    %ne3A_257 = vector.broadcast %sign3A_256 : i32 to vector<16xi32>
    %ne3A_258 = arith.cmpi ne, %sign3A_249, %ne3A_257 : vector<16xi32>
    %rem3A_259 = vector.broadcast %jit3A_238 : i32 to vector<16xi32>
    %rem3A_260 = arith.remsi %add3A_237, %rem3A_259 : vector<16xi32>
    %ne3A_261 = arith.constant 0 : i32
    %ne3A_262 = vector.broadcast %ne3A_261 : i32 to vector<16xi32>
    %ne3A_263 = arith.cmpi ne, %rem3A_260, %ne3A_262 : vector<16xi32>
    %and3A_264 = arith.andi %ne3A_258, %ne3A_263 : vector<16xi1>
    %sub3A_265 = arith.constant 1 : i32
    %sub3A_266 = vector.broadcast %sub3A_265 : i32 to vector<16xi32>
    %sub3A_267 = arith.subi %div3A_240, %sub3A_266 : vector<16xi32>
    %select_n3A_268 = arith.select %and3A_264, %sub3A_267, %div3A_240 : vector<16xi1>, vector<16xi32>
    %add3A_269 = arith.constant 128 : i32
    %add3A_270 = vector.broadcast %add3A_269 : i32 to vector<16xi32>
    %add3A_271 = arith.addi %iota3A, %add3A_270 : vector<16xi32>
    %jit3A_272 = arith.constant 9 : i32
    %div3A_273 = vector.broadcast %jit3A_272 : i32 to vector<16xi32>
    %div3A_274 = arith.divsi %add3A_271, %div3A_273 : vector<16xi32>
    %sign3A_275 = arith.constant 0 : i32
    %sign3A_276 = vector.broadcast %sign3A_275 : i32 to vector<16xi32>
    %sign3A_277 = arith.cmpi sgt, %add3A_271, %sign3A_276 : vector<16xi32>
    %sign3A_278 = arith.extui %sign3A_277 : vector<16xi1> to vector<16xi32>
    %sign3A_279 = arith.constant 0 : i32
    %sign3A_280 = vector.broadcast %sign3A_279 : i32 to vector<16xi32>
    %sign3A_281 = arith.cmpi slt, %add3A_271, %sign3A_280 : vector<16xi32>
    %sign3A_282 = arith.extui %sign3A_281 : vector<16xi1> to vector<16xi32>
    %sign3A_283 = arith.subi %sign3A_278, %sign3A_282 : vector<16xi32>
    %sign3A_284 = arith.constant 0 : i32
    %sign3A_285 = arith.cmpi sgt, %jit3A_272, %sign3A_284 : i32
    %sign3A_286 = arith.extui %sign3A_285 : i1 to i32
    %sign3A_287 = arith.constant 0 : i32
    %sign3A_288 = arith.cmpi slt, %jit3A_272, %sign3A_287 : i32
    %sign3A_289 = arith.extui %sign3A_288 : i1 to i32
    %sign3A_290 = arith.subi %sign3A_286, %sign3A_289 : i32
    %ne3A_291 = vector.broadcast %sign3A_290 : i32 to vector<16xi32>
    %ne3A_292 = arith.cmpi ne, %sign3A_283, %ne3A_291 : vector<16xi32>
    %rem3A_293 = vector.broadcast %jit3A_272 : i32 to vector<16xi32>
    %rem3A_294 = arith.remsi %add3A_271, %rem3A_293 : vector<16xi32>
    %ne3A_295 = arith.constant 0 : i32
    %ne3A_296 = vector.broadcast %ne3A_295 : i32 to vector<16xi32>
    %ne3A_297 = arith.cmpi ne, %rem3A_294, %ne3A_296 : vector<16xi32>
    %and3A_298 = arith.andi %ne3A_292, %ne3A_297 : vector<16xi1>
    %sub3A_299 = arith.constant 1 : i32
    %sub3A_300 = vector.broadcast %sub3A_299 : i32 to vector<16xi32>
    %sub3A_301 = arith.subi %div3A_274, %sub3A_300 : vector<16xi32>
    %select_n3A_302 = arith.select %and3A_298, %sub3A_301, %div3A_274 : vector<16xi1>, vector<16xi32>
    %add3A_303 = arith.constant 0 : i32
    %add3A_304 = arith.addi %mul3A_2, %add3A_303 : i32
    %dma_start3A = tpu.memref_slice %arg3[%add3A_304] : memref<5308416xf32, #tpu.memory_space<hbm>> -> memref<20736xf32, #tpu.memory_space<hbm>>
    %dma_start3A_305 = tpu.memref_slice %arg3[%add3A_304] : memref<5308416xf32, #tpu.memory_space<hbm>> -> memref<20736xf32, #tpu.memory_space<hbm>>
    tpu.enqueue_dma source(%dma_start3A_305 : memref<20736xf32, #tpu.memory_space<hbm>>) target(%arg5 : memref<20736xf32, #tpu.memory_space<vmem>>) target_semaphore(%arg13 : memref<!tpu.dma_semaphore, #tpu.memory_space<semaphore_mem>>)
    %add3A_306 = arith.constant 0 : i32
    %add3A_307 = arith.addi %mul3A_4, %add3A_306 : i32
    %dma_start3A_308 = tpu.memref_slice %arg2[%add3A_307] : memref<589824xf32, #tpu.memory_space<hbm>> -> memref<2304xf32, #tpu.memory_space<hbm>>
    %dma_start3A_309 = tpu.memref_slice %arg2[%add3A_307] : memref<589824xf32, #tpu.memory_space<hbm>> -> memref<2304xf32, #tpu.memory_space<hbm>>
    tpu.enqueue_dma source(%dma_start3A_309 : memref<2304xf32, #tpu.memory_space<hbm>>) target(%arg9 : memref<2304xf32, #tpu.memory_space<vmem>>) target_semaphore(%arg13 : memref<!tpu.dma_semaphore, #tpu.memory_space<semaphore_mem>>)
    %add3A_310 = arith.constant 20736 : i32
    %add3A_311 = arith.addi %mul3A_2, %add3A_310 : i32
    %dma_start3A_312 = tpu.memref_slice %arg3[%add3A_311] : memref<5308416xf32, #tpu.memory_space<hbm>> -> memref<20736xf32, #tpu.memory_space<hbm>>
    %dma_start3A_313 = tpu.memref_slice %arg3[%add3A_311] : memref<5308416xf32, #tpu.memory_space<hbm>> -> memref<20736xf32, #tpu.memory_space<hbm>>
    tpu.enqueue_dma source(%dma_start3A_313 : memref<20736xf32, #tpu.memory_space<hbm>>) target(%arg6 : memref<20736xf32, #tpu.memory_space<vmem>>) target_semaphore(%arg14 : memref<!tpu.dma_semaphore, #tpu.memory_space<semaphore_mem>>)
    %add3A_314 = arith.constant 2304 : i32
    %add3A_315 = arith.addi %mul3A_4, %add3A_314 : i32
    %dma_start3A_316 = tpu.memref_slice %arg2[%add3A_315] : memref<589824xf32, #tpu.memory_space<hbm>> -> memref<2304xf32, #tpu.memory_space<hbm>>
    %dma_start3A_317 = tpu.memref_slice %arg2[%add3A_315] : memref<589824xf32, #tpu.memory_space<hbm>> -> memref<2304xf32, #tpu.memory_space<hbm>>
    tpu.enqueue_dma source(%dma_start3A_317 : memref<2304xf32, #tpu.memory_space<hbm>>) target(%arg10 : memref<2304xf32, #tpu.memory_space<vmem>>) target_semaphore(%arg14 : memref<!tpu.dma_semaphore, #tpu.memory_space<semaphore_mem>>)
    %add3A_318 = arith.constant 41472 : i32
    %add3A_319 = arith.addi %mul3A_2, %add3A_318 : i32
    %dma_start3A_320 = tpu.memref_slice %arg3[%add3A_319] : memref<5308416xf32, #tpu.memory_space<hbm>> -> memref<20736xf32, #tpu.memory_space<hbm>>
    %dma_start3A_321 = tpu.memref_slice %arg3[%add3A_319] : memref<5308416xf32, #tpu.memory_space<hbm>> -> memref<20736xf32, #tpu.memory_space<hbm>>
    tpu.enqueue_dma source(%dma_start3A_321 : memref<20736xf32, #tpu.memory_space<hbm>>) target(%arg7 : memref<20736xf32, #tpu.memory_space<vmem>>) target_semaphore(%arg15 : memref<!tpu.dma_semaphore, #tpu.memory_space<semaphore_mem>>)
    %add3A_322 = arith.constant 4608 : i32
    %add3A_323 = arith.addi %mul3A_4, %add3A_322 : i32
    %dma_start3A_324 = tpu.memref_slice %arg2[%add3A_323] : memref<589824xf32, #tpu.memory_space<hbm>> -> memref<2304xf32, #tpu.memory_space<hbm>>
    %dma_start3A_325 = tpu.memref_slice %arg2[%add3A_323] : memref<589824xf32, #tpu.memory_space<hbm>> -> memref<2304xf32, #tpu.memory_space<hbm>>
    tpu.enqueue_dma source(%dma_start3A_325 : memref<2304xf32, #tpu.memory_space<hbm>>) target(%arg11 : memref<2304xf32, #tpu.memory_space<vmem>>) target_semaphore(%arg15 : memref<!tpu.dma_semaphore, #tpu.memory_space<semaphore_mem>>)
    %add3A_326 = arith.constant 0 : i32
    %add3A_327 = arith.addi %mul3A_2, %add3A_326 : i32
    %dma_wait3A = tpu.memref_slice %arg3[%add3A_327] : memref<5308416xf32, #tpu.memory_space<hbm>> -> memref<20736xf32, #tpu.memory_space<hbm>>
    %dma_wait3A_328 = tpu.memref_slice %arg3[%add3A_327] : memref<5308416xf32, #tpu.memory_space<hbm>> -> memref<20736xf32, #tpu.memory_space<hbm>>
    tpu.wait_dma2 semaphore(%arg13 : memref<!tpu.dma_semaphore, #tpu.memory_space<semaphore_mem>>) src(%dma_wait3A_328 : memref<20736xf32, #tpu.memory_space<hbm>>) dst(%arg5 : memref<20736xf32, #tpu.memory_space<vmem>>)
    %add3A_329 = arith.constant 0 : i32
    %add3A_330 = arith.addi %mul3A_4, %add3A_329 : i32
    %dma_wait3A_331 = tpu.memref_slice %arg2[%add3A_330] : memref<589824xf32, #tpu.memory_space<hbm>> -> memref<2304xf32, #tpu.memory_space<hbm>>
    %dma_wait3A_332 = tpu.memref_slice %arg2[%add3A_330] : memref<589824xf32, #tpu.memory_space<hbm>> -> memref<2304xf32, #tpu.memory_space<hbm>>
    tpu.wait_dma2 semaphore(%arg13 : memref<!tpu.dma_semaphore, #tpu.memory_space<semaphore_mem>>) src(%dma_wait3A_332 : memref<2304xf32, #tpu.memory_space<hbm>>) dst(%arg9 : memref<2304xf32, #tpu.memory_space<vmem>>)
    %scan3A = arith.constant 0 : i32
    %scan3A_333 = arith.constant 0 : i32
    %scan3A_334 = arith.constant 144 : i32
    %scan3A_335 = arith.addi %scan3A_333, %scan3A_334 : i32
    %scan3A_336 = arith.constant 1 : i32
    scf.for %scan3A_540 = %scan3A_333 to %scan3A_335 step %scan3A_336  : i32 {
      %mul3A_541 = arith.constant 144 : i32
      %mul3A_542 = arith.muli %scan3A_540, %mul3A_541 : i32
      %mul3A_543 = arith.constant 16 : i32
      %mul3A_544 = arith.muli %scan3A_540, %mul3A_543 : i32
      %broadcast_in_dim3A = vector.broadcast %mul3A_544 : i32 to vector<16xi32>
      %add3A_545 = arith.constant 0 : i32
      %add3A_546 = arith.addi %mul3A_542, %add3A_545 : i32
      %get3A = arith.index_cast %add3A_546 : i32 to index
      %get3A_547 = tpu.vector_load %arg5[%get3A] {strides = array<i32>} : memref<20736xf32, #tpu.memory_space<vmem>>, vector<16xf32>,
      %add3A_548 = arith.addi %broadcast_in_dim3A, %select_n3A : vector<16xi32>
      %gather3A = tpu.vector_load_idx %arg9[%add3A_548] : memref<2304xf32, #tpu.memory_space<vmem>>[vector<16xi32>], vector<16xf32>,
      %mul3A_549 = arith.mulf %gather3A, %get3A_547 : vector<16xf32>
      %add3A_550 = arith.constant 0 : i32
      %add3A_551 = arith.addi %mul3A_542, %add3A_550 : i32
      %swap3A = arith.index_cast %add3A_551 : i32 to index
      %swap3A_552 = tpu.vector_load %arg5[%swap3A] {strides = array<i32>} : memref<20736xf32, #tpu.memory_space<vmem>>, vector<16xf32>,
      tpu.vector_store %arg5[%swap3A], %mul3A_549 {strides = array<i32>} : memref<20736xf32, #tpu.memory_space<vmem>>, vector<16xf32>,
      %add3A_553 = arith.constant 16 : i32
      %add3A_554 = arith.addi %mul3A_542, %add3A_553 : i32
      %get3A_555 = arith.index_cast %add3A_554 : i32 to index
      %get3A_556 = tpu.vector_load %arg5[%get3A_555] {strides = array<i32>} : memref<20736xf32, #tpu.memory_space<vmem>>, vector<16xf32>,
      %add3A_557 = arith.addi %broadcast_in_dim3A, %select_n3A_64 : vector<16xi32>
      %gather3A_558 = tpu.vector_load_idx %arg9[%add3A_557] : memref<2304xf32, #tpu.memory_space<vmem>>[vector<16xi32>], vector<16xf32>,
      %mul3A_559 = arith.mulf %gather3A_558, %get3A_556 : vector<16xf32>
      %add3A_560 = arith.constant 16 : i32
      %add3A_561 = arith.addi %mul3A_542, %add3A_560 : i32
      %swap3A_562 = arith.index_cast %add3A_561 : i32 to index
      %swap3A_563 = tpu.vector_load %arg5[%swap3A_562] {strides = array<i32>} : memref<20736xf32, #tpu.memory_space<vmem>>, vector<16xf32>,
      tpu.vector_store %arg5[%swap3A_562], %mul3A_559 {strides = array<i32>} : memref<20736xf32, #tpu.memory_space<vmem>>, vector<16xf32>,
      %add3A_564 = arith.constant 32 : i32
      %add3A_565 = arith.addi %mul3A_542, %add3A_564 : i32
      %get3A_566 = arith.index_cast %add3A_565 : i32 to index
      %get3A_567 = tpu.vector_load %arg5[%get3A_566] {strides = array<i32>} : memref<20736xf32, #tpu.memory_space<vmem>>, vector<16xf32>,
      %add3A_568 = arith.addi %broadcast_in_dim3A, %select_n3A_98 : vector<16xi32>
      %gather3A_569 = tpu.vector_load_idx %arg9[%add3A_568] : memref<2304xf32, #tpu.memory_space<vmem>>[vector<16xi32>], vector<16xf32>,
      %mul3A_570 = arith.mulf %gather3A_569, %get3A_567 : vector<16xf32>
      %add3A_571 = arith.constant 32 : i32
      %add3A_572 = arith.addi %mul3A_542, %add3A_571 : i32
      %swap3A_573 = arith.index_cast %add3A_572 : i32 to index
      %swap3A_574 = tpu.vector_load %arg5[%swap3A_573] {strides = array<i32>} : memref<20736xf32, #tpu.memory_space<vmem>>, vector<16xf32>,
      tpu.vector_store %arg5[%swap3A_573], %mul3A_570 {strides = array<i32>} : memref<20736xf32, #tpu.memory_space<vmem>>, vector<16xf32>,
      %add3A_575 = arith.constant 48 : i32
      %add3A_576 = arith.addi %mul3A_542, %add3A_575 : i32
      %get3A_577 = arith.index_cast %add3A_576 : i32 to index
      %get3A_578 = tpu.vector_load %arg5[%get3A_577] {strides = array<i32>} : memref<20736xf32, #tpu.memory_space<vmem>>, vector<16xf32>,
      %add3A_579 = arith.addi %broadcast_in_dim3A, %select_n3A_132 : vector<16xi32>
      %gather3A_580 = tpu.vector_load_idx %arg9[%add3A_579] : memref<2304xf32, #tpu.memory_space<vmem>>[vector<16xi32>], vector<16xf32>,
      %mul3A_581 = arith.mulf %gather3A_580, %get3A_578 : vector<16xf32>
      %add3A_582 = arith.constant 48 : i32
      %add3A_583 = arith.addi %mul3A_542, %add3A_582 : i32
      %swap3A_584 = arith.index_cast %add3A_583 : i32 to index
      %swap3A_585 = tpu.vector_load %arg5[%swap3A_584] {strides = array<i32>} : memref<20736xf32, #tpu.memory_space<vmem>>, vector<16xf32>,
      tpu.vector_store %arg5[%swap3A_584], %mul3A_581 {strides = array<i32>} : memref<20736xf32, #tpu.memory_space<vmem>>, vector<16xf32>,
      %add3A_586 = arith.constant 64 : i32
      %add3A_587 = arith.addi %mul3A_542, %add3A_586 : i32
      %get3A_588 = arith.index_cast %add3A_587 : i32 to index
      %get3A_589 = tpu.vector_load %arg5[%get3A_588] {strides = array<i32>} : memref<20736xf32, #tpu.memory_space<vmem>>, vector<16xf32>,
      %add3A_590 = arith.addi %broadcast_in_dim3A, %select_n3A_166 : vector<16xi32>
      %gather3A_591 = tpu.vector_load_idx %arg9[%add3A_590] : memref<2304xf32, #tpu.memory_space<vmem>>[vector<16xi32>], vector<16xf32>,
      %mul3A_592 = arith.mulf %gather3A_591, %get3A_589 : vector<16xf32>
      %add3A_593 = arith.constant 64 : i32
      %add3A_594 = arith.addi %mul3A_542, %add3A_593 : i32
      %swap3A_595 = arith.index_cast %add3A_594 : i32 to index
      %swap3A_596 = tpu.vector_load %arg5[%swap3A_595] {strides = array<i32>} : memref<20736xf32, #tpu.memory_space<vmem>>, vector<16xf32>,
      tpu.vector_store %arg5[%swap3A_595], %mul3A_592 {strides = array<i32>} : memref<20736xf32, #tpu.memory_space<vmem>>, vector<16xf32>,
      %add3A_597 = arith.constant 80 : i32
      %add3A_598 = arith.addi %mul3A_542, %add3A_597 : i32
      %get3A_599 = arith.index_cast %add3A_598 : i32 to index
      %get3A_600 = tpu.vector_load %arg5[%get3A_599] {strides = array<i32>} : memref<20736xf32, #tpu.memory_space<vmem>>, vector<16xf32>,
      %add3A_601 = arith.addi %broadcast_in_dim3A, %select_n3A_200 : vector<16xi32>
      %gather3A_602 = tpu.vector_load_idx %arg9[%add3A_601] : memref<2304xf32, #tpu.memory_space<vmem>>[vector<16xi32>], vector<16xf32>,
      %mul3A_603 = arith.mulf %gather3A_602, %get3A_600 : vector<16xf32>
      %add3A_604 = arith.constant 80 : i32
      %add3A_605 = arith.addi %mul3A_542, %add3A_604 : i32
      %swap3A_606 = arith.index_cast %add3A_605 : i32 to index
      %swap3A_607 = tpu.vector_load %arg5[%swap3A_606] {strides = array<i32>} : memref<20736xf32, #tpu.memory_space<vmem>>, vector<16xf32>,
      tpu.vector_store %arg5[%swap3A_606], %mul3A_603 {strides = array<i32>} : memref<20736xf32, #tpu.memory_space<vmem>>, vector<16xf32>,
      %add3A_608 = arith.constant 96 : i32
      %add3A_609 = arith.addi %mul3A_542, %add3A_608 : i32
      %get3A_610 = arith.index_cast %add3A_609 : i32 to index
      %get3A_611 = tpu.vector_load %arg5[%get3A_610] {strides = array<i32>} : memref<20736xf32, #tpu.memory_space<vmem>>, vector<16xf32>,
      %add3A_612 = arith.addi %broadcast_in_dim3A, %select_n3A_234 : vector<16xi32>
      %gather3A_613 = tpu.vector_load_idx %arg9[%add3A_612] : memref<2304xf32, #tpu.memory_space<vmem>>[vector<16xi32>], vector<16xf32>,
      %mul3A_614 = arith.mulf %gather3A_613, %get3A_611 : vector<16xf32>
      %add3A_615 = arith.constant 96 : i32
      %add3A_616 = arith.addi %mul3A_542, %add3A_615 : i32
      %swap3A_617 = arith.index_cast %add3A_616 : i32 to index
      %swap3A_618 = tpu.vector_load %arg5[%swap3A_617] {strides = array<i32>} : memref<20736xf32, #tpu.memory_space<vmem>>, vector<16xf32>,
      tpu.vector_store %arg5[%swap3A_617], %mul3A_614 {strides = array<i32>} : memref<20736xf32, #tpu.memory_space<vmem>>, vector<16xf32>,
      %add3A_619 = arith.constant 112 : i32
      %add3A_620 = arith.addi %mul3A_542, %add3A_619 : i32
      %get3A_621 = arith.index_cast %add3A_620 : i32 to index
      %get3A_622 = tpu.vector_load %arg5[%get3A_621] {strides = array<i32>} : memref<20736xf32, #tpu.memory_space<vmem>>, vector<16xf32>,
      %add3A_623 = arith.addi %broadcast_in_dim3A, %select_n3A_268 : vector<16xi32>
      %gather3A_624 = tpu.vector_load_idx %arg9[%add3A_623] : memref<2304xf32, #tpu.memory_space<vmem>>[vector<16xi32>], vector<16xf32>,
      %mul3A_625 = arith.mulf %gather3A_624, %get3A_622 : vector<16xf32>
      %add3A_626 = arith.constant 112 : i32
      %add3A_627 = arith.addi %mul3A_542, %add3A_626 : i32
      %swap3A_628 = arith.index_cast %add3A_627 : i32 to index
      %swap3A_629 = tpu.vector_load %arg5[%swap3A_628] {strides = array<i32>} : memref<20736xf32, #tpu.memory_space<vmem>>, vector<16xf32>,
      tpu.vector_store %arg5[%swap3A_628], %mul3A_625 {strides = array<i32>} : memref<20736xf32, #tpu.memory_space<vmem>>, vector<16xf32>,
      %add3A_630 = arith.constant 128 : i32
      %add3A_631 = arith.addi %mul3A_542, %add3A_630 : i32
      %get3A_632 = arith.index_cast %add3A_631 : i32 to index
      %get3A_633 = tpu.vector_load %arg5[%get3A_632] {strides = array<i32>} : memref<20736xf32, #tpu.memory_space<vmem>>, vector<16xf32>,
      %add3A_634 = arith.addi %broadcast_in_dim3A, %select_n3A_302 : vector<16xi32>
      %gather3A_635 = tpu.vector_load_idx %arg9[%add3A_634] : memref<2304xf32, #tpu.memory_space<vmem>>[vector<16xi32>], vector<16xf32>,
      %mul3A_636 = arith.mulf %gather3A_635, %get3A_633 : vector<16xf32>
      %add3A_637 = arith.constant 128 : i32
      %add3A_638 = arith.addi %mul3A_542, %add3A_637 : i32
      %swap3A_639 = arith.index_cast %add3A_638 : i32 to index
      %swap3A_640 = tpu.vector_load %arg5[%swap3A_639] {strides = array<i32>} : memref<20736xf32, #tpu.memory_space<vmem>>, vector<16xf32>,
      tpu.vector_store %arg5[%swap3A_639], %mul3A_636 {strides = array<i32>} : memref<20736xf32, #tpu.memory_space<vmem>>, vector<16xf32>,
    }
    %scan3A_337 = arith.constant 144 : i32
    %add3A_338 = arith.constant 0 : i32
    %add3A_339 = arith.addi %mul3A_2, %add3A_338 : i32
    %dma_start3A_340 = tpu.memref_slice %arg4[%add3A_339] : memref<5308416xf32, #tpu.memory_space<hbm>> -> memref<20736xf32, #tpu.memory_space<hbm>>
    %dma_start3A_341 = tpu.memref_slice %arg4[%add3A_339] : memref<5308416xf32, #tpu.memory_space<hbm>> -> memref<20736xf32, #tpu.memory_space<hbm>>
    tpu.enqueue_dma source(%arg5 : memref<20736xf32, #tpu.memory_space<vmem>>) target(%dma_start3A_341 : memref<20736xf32, #tpu.memory_space<hbm>>) target_semaphore(%arg17 : memref<!tpu.dma_semaphore, #tpu.memory_space<semaphore_mem>>)
    %add3A_342 = arith.constant 62208 : i32
    %add3A_343 = arith.addi %mul3A_2, %add3A_342 : i32
    %dma_start3A_344 = tpu.memref_slice %arg3[%add3A_343] : memref<5308416xf32, #tpu.memory_space<hbm>> -> memref<20736xf32, #tpu.memory_space<hbm>>
    %dma_start3A_345 = tpu.memref_slice %arg3[%add3A_343] : memref<5308416xf32, #tpu.memory_space<hbm>> -> memref<20736xf32, #tpu.memory_space<hbm>>
    tpu.enqueue_dma source(%dma_start3A_345 : memref<20736xf32, #tpu.memory_space<hbm>>) target(%arg8 : memref<20736xf32, #tpu.memory_space<vmem>>) target_semaphore(%arg16 : memref<!tpu.dma_semaphore, #tpu.memory_space<semaphore_mem>>)
    %add3A_346 = arith.constant 6912 : i32
    %add3A_347 = arith.addi %mul3A_4, %add3A_346 : i32
    %dma_start3A_348 = tpu.memref_slice %arg2[%add3A_347] : memref<589824xf32, #tpu.memory_space<hbm>> -> memref<2304xf32, #tpu.memory_space<hbm>>
    %dma_start3A_349 = tpu.memref_slice %arg2[%add3A_347] : memref<589824xf32, #tpu.memory_space<hbm>> -> memref<2304xf32, #tpu.memory_space<hbm>>
    tpu.enqueue_dma source(%dma_start3A_349 : memref<2304xf32, #tpu.memory_space<hbm>>) target(%arg12 : memref<2304xf32, #tpu.memory_space<vmem>>) target_semaphore(%arg16 : memref<!tpu.dma_semaphore, #tpu.memory_space<semaphore_mem>>)
    %add3A_350 = arith.constant 20736 : i32
    %add3A_351 = arith.addi %mul3A_2, %add3A_350 : i32
    %dma_wait3A_352 = tpu.memref_slice %arg3[%add3A_351] : memref<5308416xf32, #tpu.memory_space<hbm>> -> memref<20736xf32, #tpu.memory_space<hbm>>
    %dma_wait3A_353 = tpu.memref_slice %arg3[%add3A_351] : memref<5308416xf32, #tpu.memory_space<hbm>> -> memref<20736xf32, #tpu.memory_space<hbm>>
    tpu.wait_dma2 semaphore(%arg14 : memref<!tpu.dma_semaphore, #tpu.memory_space<semaphore_mem>>) src(%dma_wait3A_353 : memref<20736xf32, #tpu.memory_space<hbm>>) dst(%arg6 : memref<20736xf32, #tpu.memory_space<vmem>>)
    %add3A_354 = arith.constant 2304 : i32
    %add3A_355 = arith.addi %mul3A_4, %add3A_354 : i32
    %dma_wait3A_356 = tpu.memref_slice %arg2[%add3A_355] : memref<589824xf32, #tpu.memory_space<hbm>> -> memref<2304xf32, #tpu.memory_space<hbm>>
    %dma_wait3A_357 = tpu.memref_slice %arg2[%add3A_355] : memref<589824xf32, #tpu.memory_space<hbm>> -> memref<2304xf32, #tpu.memory_space<hbm>>
    tpu.wait_dma2 semaphore(%arg14 : memref<!tpu.dma_semaphore, #tpu.memory_space<semaphore_mem>>) src(%dma_wait3A_357 : memref<2304xf32, #tpu.memory_space<hbm>>) dst(%arg10 : memref<2304xf32, #tpu.memory_space<vmem>>)
    %scan3A_358 = arith.constant 0 : i32
    %scan3A_359 = arith.constant 0 : i32
    %scan3A_360 = arith.constant 144 : i32
    %scan3A_361 = arith.addi %scan3A_359, %scan3A_360 : i32
    %scan3A_362 = arith.constant 1 : i32
    scf.for %scan3A_540 = %scan3A_359 to %scan3A_361 step %scan3A_362  : i32 {
      %mul3A_541 = arith.constant 144 : i32
      %mul3A_542 = arith.muli %scan3A_540, %mul3A_541 : i32
      %mul3A_543 = arith.constant 16 : i32
      %mul3A_544 = arith.muli %scan3A_540, %mul3A_543 : i32
      %broadcast_in_dim3A = vector.broadcast %mul3A_544 : i32 to vector<16xi32>
      %add3A_545 = arith.constant 0 : i32
      %add3A_546 = arith.addi %mul3A_542, %add3A_545 : i32
      %get3A = arith.index_cast %add3A_546 : i32 to index
      %get3A_547 = tpu.vector_load %arg6[%get3A] {strides = array<i32>} : memref<20736xf32, #tpu.memory_space<vmem>>, vector<16xf32>,
      %add3A_548 = arith.addi %broadcast_in_dim3A, %select_n3A : vector<16xi32>
      %gather3A = tpu.vector_load_idx %arg10[%add3A_548] : memref<2304xf32, #tpu.memory_space<vmem>>[vector<16xi32>], vector<16xf32>,
      %mul3A_549 = arith.mulf %gather3A, %get3A_547 : vector<16xf32>
      %add3A_550 = arith.constant 0 : i32
      %add3A_551 = arith.addi %mul3A_542, %add3A_550 : i32
      %swap3A = arith.index_cast %add3A_551 : i32 to index
      %swap3A_552 = tpu.vector_load %arg6[%swap3A] {strides = array<i32>} : memref<20736xf32, #tpu.memory_space<vmem>>, vector<16xf32>,
      tpu.vector_store %arg6[%swap3A], %mul3A_549 {strides = array<i32>} : memref<20736xf32, #tpu.memory_space<vmem>>, vector<16xf32>,
      %add3A_553 = arith.constant 16 : i32
      %add3A_554 = arith.addi %mul3A_542, %add3A_553 : i32
      %get3A_555 = arith.index_cast %add3A_554 : i32 to index
      %get3A_556 = tpu.vector_load %arg6[%get3A_555] {strides = array<i32>} : memref<20736xf32, #tpu.memory_space<vmem>>, vector<16xf32>,
      %add3A_557 = arith.addi %broadcast_in_dim3A, %select_n3A_64 : vector<16xi32>
      %gather3A_558 = tpu.vector_load_idx %arg10[%add3A_557] : memref<2304xf32, #tpu.memory_space<vmem>>[vector<16xi32>], vector<16xf32>,
      %mul3A_559 = arith.mulf %gather3A_558, %get3A_556 : vector<16xf32>
      %add3A_560 = arith.constant 16 : i32
      %add3A_561 = arith.addi %mul3A_542, %add3A_560 : i32
      %swap3A_562 = arith.index_cast %add3A_561 : i32 to index
      %swap3A_563 = tpu.vector_load %arg6[%swap3A_562] {strides = array<i32>} : memref<20736xf32, #tpu.memory_space<vmem>>, vector<16xf32>,
      tpu.vector_store %arg6[%swap3A_562], %mul3A_559 {strides = array<i32>} : memref<20736xf32, #tpu.memory_space<vmem>>, vector<16xf32>,
      %add3A_564 = arith.constant 32 : i32
      %add3A_565 = arith.addi %mul3A_542, %add3A_564 : i32
      %get3A_566 = arith.index_cast %add3A_565 : i32 to index
      %get3A_567 = tpu.vector_load %arg6[%get3A_566] {strides = array<i32>} : memref<20736xf32, #tpu.memory_space<vmem>>, vector<16xf32>,
      %add3A_568 = arith.addi %broadcast_in_dim3A, %select_n3A_98 : vector<16xi32>
      %gather3A_569 = tpu.vector_load_idx %arg10[%add3A_568] : memref<2304xf32, #tpu.memory_space<vmem>>[vector<16xi32>], vector<16xf32>,
      %mul3A_570 = arith.mulf %gather3A_569, %get3A_567 : vector<16xf32>
      %add3A_571 = arith.constant 32 : i32
      %add3A_572 = arith.addi %mul3A_542, %add3A_571 : i32
      %swap3A_573 = arith.index_cast %add3A_572 : i32 to index
      %swap3A_574 = tpu.vector_load %arg6[%swap3A_573] {strides = array<i32>} : memref<20736xf32, #tpu.memory_space<vmem>>, vector<16xf32>,
      tpu.vector_store %arg6[%swap3A_573], %mul3A_570 {strides = array<i32>} : memref<20736xf32, #tpu.memory_space<vmem>>, vector<16xf32>,
      %add3A_575 = arith.constant 48 : i32
      %add3A_576 = arith.addi %mul3A_542, %add3A_575 : i32
      %get3A_577 = arith.index_cast %add3A_576 : i32 to index
      %get3A_578 = tpu.vector_load %arg6[%get3A_577] {strides = array<i32>} : memref<20736xf32, #tpu.memory_space<vmem>>, vector<16xf32>,
      %add3A_579 = arith.addi %broadcast_in_dim3A, %select_n3A_132 : vector<16xi32>
      %gather3A_580 = tpu.vector_load_idx %arg10[%add3A_579] : memref<2304xf32, #tpu.memory_space<vmem>>[vector<16xi32>], vector<16xf32>,
      %mul3A_581 = arith.mulf %gather3A_580, %get3A_578 : vector<16xf32>
      %add3A_582 = arith.constant 48 : i32
      %add3A_583 = arith.addi %mul3A_542, %add3A_582 : i32
      %swap3A_584 = arith.index_cast %add3A_583 : i32 to index
      %swap3A_585 = tpu.vector_load %arg6[%swap3A_584] {strides = array<i32>} : memref<20736xf32, #tpu.memory_space<vmem>>, vector<16xf32>,
      tpu.vector_store %arg6[%swap3A_584], %mul3A_581 {strides = array<i32>} : memref<20736xf32, #tpu.memory_space<vmem>>, vector<16xf32>,
      %add3A_586 = arith.constant 64 : i32
      %add3A_587 = arith.addi %mul3A_542, %add3A_586 : i32
      %get3A_588 = arith.index_cast %add3A_587 : i32 to index
      %get3A_589 = tpu.vector_load %arg6[%get3A_588] {strides = array<i32>} : memref<20736xf32, #tpu.memory_space<vmem>>, vector<16xf32>,
      %add3A_590 = arith.addi %broadcast_in_dim3A, %select_n3A_166 : vector<16xi32>
      %gather3A_591 = tpu.vector_load_idx %arg10[%add3A_590] : memref<2304xf32, #tpu.memory_space<vmem>>[vector<16xi32>], vector<16xf32>,
      %mul3A_592 = arith.mulf %gather3A_591, %get3A_589 : vector<16xf32>
      %add3A_593 = arith.constant 64 : i32
      %add3A_594 = arith.addi %mul3A_542, %add3A_593 : i32
      %swap3A_595 = arith.index_cast %add3A_594 : i32 to index
      %swap3A_596 = tpu.vector_load %arg6[%swap3A_595] {strides = array<i32>} : memref<20736xf32, #tpu.memory_space<vmem>>, vector<16xf32>,
      tpu.vector_store %arg6[%swap3A_595], %mul3A_592 {strides = array<i32>} : memref<20736xf32, #tpu.memory_space<vmem>>, vector<16xf32>,
      %add3A_597 = arith.constant 80 : i32
      %add3A_598 = arith.addi %mul3A_542, %add3A_597 : i32
      %get3A_599 = arith.index_cast %add3A_598 : i32 to index
      %get3A_600 = tpu.vector_load %arg6[%get3A_599] {strides = array<i32>} : memref<20736xf32, #tpu.memory_space<vmem>>, vector<16xf32>,
      %add3A_601 = arith.addi %broadcast_in_dim3A, %select_n3A_200 : vector<16xi32>
      %gather3A_602 = tpu.vector_load_idx %arg10[%add3A_601] : memref<2304xf32, #tpu.memory_space<vmem>>[vector<16xi32>], vector<16xf32>,
      %mul3A_603 = arith.mulf %gather3A_602, %get3A_600 : vector<16xf32>
      %add3A_604 = arith.constant 80 : i32
      %add3A_605 = arith.addi %mul3A_542, %add3A_604 : i32
      %swap3A_606 = arith.index_cast %add3A_605 : i32 to index
      %swap3A_607 = tpu.vector_load %arg6[%swap3A_606] {strides = array<i32>} : memref<20736xf32, #tpu.memory_space<vmem>>, vector<16xf32>,
      tpu.vector_store %arg6[%swap3A_606], %mul3A_603 {strides = array<i32>} : memref<20736xf32, #tpu.memory_space<vmem>>, vector<16xf32>,
      %add3A_608 = arith.constant 96 : i32
      %add3A_609 = arith.addi %mul3A_542, %add3A_608 : i32
      %get3A_610 = arith.index_cast %add3A_609 : i32 to index
      %get3A_611 = tpu.vector_load %arg6[%get3A_610] {strides = array<i32>} : memref<20736xf32, #tpu.memory_space<vmem>>, vector<16xf32>,
      %add3A_612 = arith.addi %broadcast_in_dim3A, %select_n3A_234 : vector<16xi32>
      %gather3A_613 = tpu.vector_load_idx %arg10[%add3A_612] : memref<2304xf32, #tpu.memory_space<vmem>>[vector<16xi32>], vector<16xf32>,
      %mul3A_614 = arith.mulf %gather3A_613, %get3A_611 : vector<16xf32>
      %add3A_615 = arith.constant 96 : i32
      %add3A_616 = arith.addi %mul3A_542, %add3A_615 : i32
      %swap3A_617 = arith.index_cast %add3A_616 : i32 to index
      %swap3A_618 = tpu.vector_load %arg6[%swap3A_617] {strides = array<i32>} : memref<20736xf32, #tpu.memory_space<vmem>>, vector<16xf32>,
      tpu.vector_store %arg6[%swap3A_617], %mul3A_614 {strides = array<i32>} : memref<20736xf32, #tpu.memory_space<vmem>>, vector<16xf32>,
      %add3A_619 = arith.constant 112 : i32
      %add3A_620 = arith.addi %mul3A_542, %add3A_619 : i32
      %get3A_621 = arith.index_cast %add3A_620 : i32 to index
      %get3A_622 = tpu.vector_load %arg6[%get3A_621] {strides = array<i32>} : memref<20736xf32, #tpu.memory_space<vmem>>, vector<16xf32>,
      %add3A_623 = arith.addi %broadcast_in_dim3A, %select_n3A_268 : vector<16xi32>
      %gather3A_624 = tpu.vector_load_idx %arg10[%add3A_623] : memref<2304xf32, #tpu.memory_space<vmem>>[vector<16xi32>], vector<16xf32>,
      %mul3A_625 = arith.mulf %gather3A_624, %get3A_622 : vector<16xf32>
      %add3A_626 = arith.constant 112 : i32
      %add3A_627 = arith.addi %mul3A_542, %add3A_626 : i32
      %swap3A_628 = arith.index_cast %add3A_627 : i32 to index
      %swap3A_629 = tpu.vector_load %arg6[%swap3A_628] {strides = array<i32>} : memref<20736xf32, #tpu.memory_space<vmem>>, vector<16xf32>,
      tpu.vector_store %arg6[%swap3A_628], %mul3A_625 {strides = array<i32>} : memref<20736xf32, #tpu.memory_space<vmem>>, vector<16xf32>,
      %add3A_630 = arith.constant 128 : i32
      %add3A_631 = arith.addi %mul3A_542, %add3A_630 : i32
      %get3A_632 = arith.index_cast %add3A_631 : i32 to index
      %get3A_633 = tpu.vector_load %arg6[%get3A_632] {strides = array<i32>} : memref<20736xf32, #tpu.memory_space<vmem>>, vector<16xf32>,
      %add3A_634 = arith.addi %broadcast_in_dim3A, %select_n3A_302 : vector<16xi32>
      %gather3A_635 = tpu.vector_load_idx %arg10[%add3A_634] : memref<2304xf32, #tpu.memory_space<vmem>>[vector<16xi32>], vector<16xf32>,
      %mul3A_636 = arith.mulf %gather3A_635, %get3A_633 : vector<16xf32>
      %add3A_637 = arith.constant 128 : i32
      %add3A_638 = arith.addi %mul3A_542, %add3A_637 : i32
      %swap3A_639 = arith.index_cast %add3A_638 : i32 to index
      %swap3A_640 = tpu.vector_load %arg6[%swap3A_639] {strides = array<i32>} : memref<20736xf32, #tpu.memory_space<vmem>>, vector<16xf32>,
      tpu.vector_store %arg6[%swap3A_639], %mul3A_636 {strides = array<i32>} : memref<20736xf32, #tpu.memory_space<vmem>>, vector<16xf32>,
    }
    %scan3A_363 = arith.constant 144 : i32
    %add3A_364 = arith.constant 20736 : i32
    %add3A_365 = arith.addi %mul3A_2, %add3A_364 : i32
    %dma_start3A_366 = tpu.memref_slice %arg4[%add3A_365] : memref<5308416xf32, #tpu.memory_space<hbm>> -> memref<20736xf32, #tpu.memory_space<hbm>>
    %dma_start3A_367 = tpu.memref_slice %arg4[%add3A_365] : memref<5308416xf32, #tpu.memory_space<hbm>> -> memref<20736xf32, #tpu.memory_space<hbm>>
    tpu.enqueue_dma source(%arg6 : memref<20736xf32, #tpu.memory_space<vmem>>) target(%dma_start3A_367 : memref<20736xf32, #tpu.memory_space<hbm>>) target_semaphore(%arg18 : memref<!tpu.dma_semaphore, #tpu.memory_space<semaphore_mem>>)
    %add3A_368 = arith.constant 0 : i32
    %add3A_369 = arith.addi %mul3A_2, %add3A_368 : i32
    %dma_wait3A_370 = tpu.memref_slice %arg4[%add3A_369] : memref<5308416xf32, #tpu.memory_space<hbm>> -> memref<20736xf32, #tpu.memory_space<hbm>>
    %dma_wait3A_371 = tpu.memref_slice %arg4[%add3A_369] : memref<5308416xf32, #tpu.memory_space<hbm>> -> memref<20736xf32, #tpu.memory_space<hbm>>
    tpu.wait_dma2 semaphore(%arg17 : memref<!tpu.dma_semaphore, #tpu.memory_space<semaphore_mem>>) src(%arg5 : memref<20736xf32, #tpu.memory_space<vmem>>) dst(%dma_wait3A_371 : memref<20736xf32, #tpu.memory_space<hbm>>)
    %add3A_372 = arith.constant 82944 : i32
    %add3A_373 = arith.addi %mul3A_2, %add3A_372 : i32
    %dma_start3A_374 = tpu.memref_slice %arg3[%add3A_373] : memref<5308416xf32, #tpu.memory_space<hbm>> -> memref<20736xf32, #tpu.memory_space<hbm>>
    %dma_start3A_375 = tpu.memref_slice %arg3[%add3A_373] : memref<5308416xf32, #tpu.memory_space<hbm>> -> memref<20736xf32, #tpu.memory_space<hbm>>
    tpu.enqueue_dma source(%dma_start3A_375 : memref<20736xf32, #tpu.memory_space<hbm>>) target(%arg5 : memref<20736xf32, #tpu.memory_space<vmem>>) target_semaphore(%arg13 : memref<!tpu.dma_semaphore, #tpu.memory_space<semaphore_mem>>)
    %add3A_376 = arith.constant 9216 : i32
    %add3A_377 = arith.addi %mul3A_4, %add3A_376 : i32
    %dma_start3A_378 = tpu.memref_slice %arg2[%add3A_377] : memref<589824xf32, #tpu.memory_space<hbm>> -> memref<2304xf32, #tpu.memory_space<hbm>>
    %dma_start3A_379 = tpu.memref_slice %arg2[%add3A_377] : memref<589824xf32, #tpu.memory_space<hbm>> -> memref<2304xf32, #tpu.memory_space<hbm>>
    tpu.enqueue_dma source(%dma_start3A_379 : memref<2304xf32, #tpu.memory_space<hbm>>) target(%arg9 : memref<2304xf32, #tpu.memory_space<vmem>>) target_semaphore(%arg13 : memref<!tpu.dma_semaphore, #tpu.memory_space<semaphore_mem>>)
    %add3A_380 = arith.constant 41472 : i32
    %add3A_381 = arith.addi %mul3A_2, %add3A_380 : i32
    %dma_wait3A_382 = tpu.memref_slice %arg3[%add3A_381] : memref<5308416xf32, #tpu.memory_space<hbm>> -> memref<20736xf32, #tpu.memory_space<hbm>>
    %dma_wait3A_383 = tpu.memref_slice %arg3[%add3A_381] : memref<5308416xf32, #tpu.memory_space<hbm>> -> memref<20736xf32, #tpu.memory_space<hbm>>
    tpu.wait_dma2 semaphore(%arg15 : memref<!tpu.dma_semaphore, #tpu.memory_space<semaphore_mem>>) src(%dma_wait3A_383 : memref<20736xf32, #tpu.memory_space<hbm>>) dst(%arg7 : memref<20736xf32, #tpu.memory_space<vmem>>)
    %add3A_384 = arith.constant 4608 : i32
    %add3A_385 = arith.addi %mul3A_4, %add3A_384 : i32
    %dma_wait3A_386 = tpu.memref_slice %arg2[%add3A_385] : memref<589824xf32, #tpu.memory_space<hbm>> -> memref<2304xf32, #tpu.memory_space<hbm>>
    %dma_wait3A_387 = tpu.memref_slice %arg2[%add3A_385] : memref<589824xf32, #tpu.memory_space<hbm>> -> memref<2304xf32, #tpu.memory_space<hbm>>
    tpu.wait_dma2 semaphore(%arg15 : memref<!tpu.dma_semaphore, #tpu.memory_space<semaphore_mem>>) src(%dma_wait3A_387 : memref<2304xf32, #tpu.memory_space<hbm>>) dst(%arg11 : memref<2304xf32, #tpu.memory_space<vmem>>)
    %scan3A_388 = arith.constant 0 : i32
    %scan3A_389 = arith.constant 0 : i32
    %scan3A_390 = arith.constant 144 : i32
    %scan3A_391 = arith.addi %scan3A_389, %scan3A_390 : i32
    %scan3A_392 = arith.constant 1 : i32
    scf.for %scan3A_540 = %scan3A_389 to %scan3A_391 step %scan3A_392  : i32 {
      %mul3A_541 = arith.constant 144 : i32
      %mul3A_542 = arith.muli %scan3A_540, %mul3A_541 : i32
      %mul3A_543 = arith.constant 16 : i32
      %mul3A_544 = arith.muli %scan3A_540, %mul3A_543 : i32
      %broadcast_in_dim3A = vector.broadcast %mul3A_544 : i32 to vector<16xi32>
      %add3A_545 = arith.constant 0 : i32
      %add3A_546 = arith.addi %mul3A_542, %add3A_545 : i32
      %get3A = arith.index_cast %add3A_546 : i32 to index
      %get3A_547 = tpu.vector_load %arg7[%get3A] {strides = array<i32>} : memref<20736xf32, #tpu.memory_space<vmem>>, vector<16xf32>,
      %add3A_548 = arith.addi %broadcast_in_dim3A, %select_n3A : vector<16xi32>
      %gather3A = tpu.vector_load_idx %arg11[%add3A_548] : memref<2304xf32, #tpu.memory_space<vmem>>[vector<16xi32>], vector<16xf32>,
      %mul3A_549 = arith.mulf %gather3A, %get3A_547 : vector<16xf32>
      %add3A_550 = arith.constant 0 : i32
      %add3A_551 = arith.addi %mul3A_542, %add3A_550 : i32
      %swap3A = arith.index_cast %add3A_551 : i32 to index
      %swap3A_552 = tpu.vector_load %arg7[%swap3A] {strides = array<i32>} : memref<20736xf32, #tpu.memory_space<vmem>>, vector<16xf32>,
      tpu.vector_store %arg7[%swap3A], %mul3A_549 {strides = array<i32>} : memref<20736xf32, #tpu.memory_space<vmem>>, vector<16xf32>,
      %add3A_553 = arith.constant 16 : i32
      %add3A_554 = arith.addi %mul3A_542, %add3A_553 : i32
      %get3A_555 = arith.index_cast %add3A_554 : i32 to index
      %get3A_556 = tpu.vector_load %arg7[%get3A_555] {strides = array<i32>} : memref<20736xf32, #tpu.memory_space<vmem>>, vector<16xf32>,
      %add3A_557 = arith.addi %broadcast_in_dim3A, %select_n3A_64 : vector<16xi32>
      %gather3A_558 = tpu.vector_load_idx %arg11[%add3A_557] : memref<2304xf32, #tpu.memory_space<vmem>>[vector<16xi32>], vector<16xf32>,
      %mul3A_559 = arith.mulf %gather3A_558, %get3A_556 : vector<16xf32>
      %add3A_560 = arith.constant 16 : i32
      %add3A_561 = arith.addi %mul3A_542, %add3A_560 : i32
      %swap3A_562 = arith.index_cast %add3A_561 : i32 to index
      %swap3A_563 = tpu.vector_load %arg7[%swap3A_562] {strides = array<i32>} : memref<20736xf32, #tpu.memory_space<vmem>>, vector<16xf32>,
      tpu.vector_store %arg7[%swap3A_562], %mul3A_559 {strides = array<i32>} : memref<20736xf32, #tpu.memory_space<vmem>>, vector<16xf32>,
      %add3A_564 = arith.constant 32 : i32
      %add3A_565 = arith.addi %mul3A_542, %add3A_564 : i32
      %get3A_566 = arith.index_cast %add3A_565 : i32 to index
      %get3A_567 = tpu.vector_load %arg7[%get3A_566] {strides = array<i32>} : memref<20736xf32, #tpu.memory_space<vmem>>, vector<16xf32>,
      %add3A_568 = arith.addi %broadcast_in_dim3A, %select_n3A_98 : vector<16xi32>
      %gather3A_569 = tpu.vector_load_idx %arg11[%add3A_568] : memref<2304xf32, #tpu.memory_space<vmem>>[vector<16xi32>], vector<16xf32>,
      %mul3A_570 = arith.mulf %gather3A_569, %get3A_567 : vector<16xf32>
      %add3A_571 = arith.constant 32 : i32
      %add3A_572 = arith.addi %mul3A_542, %add3A_571 : i32
      %swap3A_573 = arith.index_cast %add3A_572 : i32 to index
      %swap3A_574 = tpu.vector_load %arg7[%swap3A_573] {strides = array<i32>} : memref<20736xf32, #tpu.memory_space<vmem>>, vector<16xf32>,
      tpu.vector_store %arg7[%swap3A_573], %mul3A_570 {strides = array<i32>} : memref<20736xf32, #tpu.memory_space<vmem>>, vector<16xf32>,
      %add3A_575 = arith.constant 48 : i32
      %add3A_576 = arith.addi %mul3A_542, %add3A_575 : i32
      %get3A_577 = arith.index_cast %add3A_576 : i32 to index
      %get3A_578 = tpu.vector_load %arg7[%get3A_577] {strides = array<i32>} : memref<20736xf32, #tpu.memory_space<vmem>>, vector<16xf32>,
      %add3A_579 = arith.addi %broadcast_in_dim3A, %select_n3A_132 : vector<16xi32>
      %gather3A_580 = tpu.vector_load_idx %arg11[%add3A_579] : memref<2304xf32, #tpu.memory_space<vmem>>[vector<16xi32>], vector<16xf32>,
      %mul3A_581 = arith.mulf %gather3A_580, %get3A_578 : vector<16xf32>
      %add3A_582 = arith.constant 48 : i32
      %add3A_583 = arith.addi %mul3A_542, %add3A_582 : i32
      %swap3A_584 = arith.index_cast %add3A_583 : i32 to index
      %swap3A_585 = tpu.vector_load %arg7[%swap3A_584] {strides = array<i32>} : memref<20736xf32, #tpu.memory_space<vmem>>, vector<16xf32>,
      tpu.vector_store %arg7[%swap3A_584], %mul3A_581 {strides = array<i32>} : memref<20736xf32, #tpu.memory_space<vmem>>, vector<16xf32>,
      %add3A_586 = arith.constant 64 : i32
      %add3A_587 = arith.addi %mul3A_542, %add3A_586 : i32
      %get3A_588 = arith.index_cast %add3A_587 : i32 to index
      %get3A_589 = tpu.vector_load %arg7[%get3A_588] {strides = array<i32>} : memref<20736xf32, #tpu.memory_space<vmem>>, vector<16xf32>,
      %add3A_590 = arith.addi %broadcast_in_dim3A, %select_n3A_166 : vector<16xi32>
      %gather3A_591 = tpu.vector_load_idx %arg11[%add3A_590] : memref<2304xf32, #tpu.memory_space<vmem>>[vector<16xi32>], vector<16xf32>,
      %mul3A_592 = arith.mulf %gather3A_591, %get3A_589 : vector<16xf32>
      %add3A_593 = arith.constant 64 : i32
      %add3A_594 = arith.addi %mul3A_542, %add3A_593 : i32
      %swap3A_595 = arith.index_cast %add3A_594 : i32 to index
      %swap3A_596 = tpu.vector_load %arg7[%swap3A_595] {strides = array<i32>} : memref<20736xf32, #tpu.memory_space<vmem>>, vector<16xf32>,
      tpu.vector_store %arg7[%swap3A_595], %mul3A_592 {strides = array<i32>} : memref<20736xf32, #tpu.memory_space<vmem>>, vector<16xf32>,
      %add3A_597 = arith.constant 80 : i32
      %add3A_598 = arith.addi %mul3A_542, %add3A_597 : i32
      %get3A_599 = arith.index_cast %add3A_598 : i32 to index
      %get3A_600 = tpu.vector_load %arg7[%get3A_599] {strides = array<i32>} : memref<20736xf32, #tpu.memory_space<vmem>>, vector<16xf32>,
      %add3A_601 = arith.addi %broadcast_in_dim3A, %select_n3A_200 : vector<16xi32>
      %gather3A_602 = tpu.vector_load_idx %arg11[%add3A_601] : memref<2304xf32, #tpu.memory_space<vmem>>[vector<16xi32>], vector<16xf32>,
      %mul3A_603 = arith.mulf %gather3A_602, %get3A_600 : vector<16xf32>
      %add3A_604 = arith.constant 80 : i32
      %add3A_605 = arith.addi %mul3A_542, %add3A_604 : i32
      %swap3A_606 = arith.index_cast %add3A_605 : i32 to index
      %swap3A_607 = tpu.vector_load %arg7[%swap3A_606] {strides = array<i32>} : memref<20736xf32, #tpu.memory_space<vmem>>, vector<16xf32>,
      tpu.vector_store %arg7[%swap3A_606], %mul3A_603 {strides = array<i32>} : memref<20736xf32, #tpu.memory_space<vmem>>, vector<16xf32>,
      %add3A_608 = arith.constant 96 : i32
      %add3A_609 = arith.addi %mul3A_542, %add3A_608 : i32
      %get3A_610 = arith.index_cast %add3A_609 : i32 to index
      %get3A_611 = tpu.vector_load %arg7[%get3A_610] {strides = array<i32>} : memref<20736xf32, #tpu.memory_space<vmem>>, vector<16xf32>,
      %add3A_612 = arith.addi %broadcast_in_dim3A, %select_n3A_234 : vector<16xi32>
      %gather3A_613 = tpu.vector_load_idx %arg11[%add3A_612] : memref<2304xf32, #tpu.memory_space<vmem>>[vector<16xi32>], vector<16xf32>,
      %mul3A_614 = arith.mulf %gather3A_613, %get3A_611 : vector<16xf32>
      %add3A_615 = arith.constant 96 : i32
      %add3A_616 = arith.addi %mul3A_542, %add3A_615 : i32
      %swap3A_617 = arith.index_cast %add3A_616 : i32 to index
      %swap3A_618 = tpu.vector_load %arg7[%swap3A_617] {strides = array<i32>} : memref<20736xf32, #tpu.memory_space<vmem>>, vector<16xf32>,
      tpu.vector_store %arg7[%swap3A_617], %mul3A_614 {strides = array<i32>} : memref<20736xf32, #tpu.memory_space<vmem>>, vector<16xf32>,
      %add3A_619 = arith.constant 112 : i32
      %add3A_620 = arith.addi %mul3A_542, %add3A_619 : i32
      %get3A_621 = arith.index_cast %add3A_620 : i32 to index
      %get3A_622 = tpu.vector_load %arg7[%get3A_621] {strides = array<i32>} : memref<20736xf32, #tpu.memory_space<vmem>>, vector<16xf32>,
      %add3A_623 = arith.addi %broadcast_in_dim3A, %select_n3A_268 : vector<16xi32>
      %gather3A_624 = tpu.vector_load_idx %arg11[%add3A_623] : memref<2304xf32, #tpu.memory_space<vmem>>[vector<16xi32>], vector<16xf32>,
      %mul3A_625 = arith.mulf %gather3A_624, %get3A_622 : vector<16xf32>
      %add3A_626 = arith.constant 112 : i32
      %add3A_627 = arith.addi %mul3A_542, %add3A_626 : i32
      %swap3A_628 = arith.index_cast %add3A_627 : i32 to index
      %swap3A_629 = tpu.vector_load %arg7[%swap3A_628] {strides = array<i32>} : memref<20736xf32, #tpu.memory_space<vmem>>, vector<16xf32>,
      tpu.vector_store %arg7[%swap3A_628], %mul3A_625 {strides = array<i32>} : memref<20736xf32, #tpu.memory_space<vmem>>, vector<16xf32>,
      %add3A_630 = arith.constant 128 : i32
      %add3A_631 = arith.addi %mul3A_542, %add3A_630 : i32
      %get3A_632 = arith.index_cast %add3A_631 : i32 to index
      %get3A_633 = tpu.vector_load %arg7[%get3A_632] {strides = array<i32>} : memref<20736xf32, #tpu.memory_space<vmem>>, vector<16xf32>,
      %add3A_634 = arith.addi %broadcast_in_dim3A, %select_n3A_302 : vector<16xi32>
      %gather3A_635 = tpu.vector_load_idx %arg11[%add3A_634] : memref<2304xf32, #tpu.memory_space<vmem>>[vector<16xi32>], vector<16xf32>,
      %mul3A_636 = arith.mulf %gather3A_635, %get3A_633 : vector<16xf32>
      %add3A_637 = arith.constant 128 : i32
      %add3A_638 = arith.addi %mul3A_542, %add3A_637 : i32
      %swap3A_639 = arith.index_cast %add3A_638 : i32 to index
      %swap3A_640 = tpu.vector_load %arg7[%swap3A_639] {strides = array<i32>} : memref<20736xf32, #tpu.memory_space<vmem>>, vector<16xf32>,
      tpu.vector_store %arg7[%swap3A_639], %mul3A_636 {strides = array<i32>} : memref<20736xf32, #tpu.memory_space<vmem>>, vector<16xf32>,
    }
    %scan3A_393 = arith.constant 144 : i32
    %add3A_394 = arith.constant 41472 : i32
    %add3A_395 = arith.addi %mul3A_2, %add3A_394 : i32
    %dma_start3A_396 = tpu.memref_slice %arg4[%add3A_395] : memref<5308416xf32, #tpu.memory_space<hbm>> -> memref<20736xf32, #tpu.memory_space<hbm>>
    %dma_start3A_397 = tpu.memref_slice %arg4[%add3A_395] : memref<5308416xf32, #tpu.memory_space<hbm>> -> memref<20736xf32, #tpu.memory_space<hbm>>
    tpu.enqueue_dma source(%arg7 : memref<20736xf32, #tpu.memory_space<vmem>>) target(%dma_start3A_397 : memref<20736xf32, #tpu.memory_space<hbm>>) target_semaphore(%arg19 : memref<!tpu.dma_semaphore, #tpu.memory_space<semaphore_mem>>)
    %add3A_398 = arith.constant 20736 : i32
    %add3A_399 = arith.addi %mul3A_2, %add3A_398 : i32
    %dma_wait3A_400 = tpu.memref_slice %arg4[%add3A_399] : memref<5308416xf32, #tpu.memory_space<hbm>> -> memref<20736xf32, #tpu.memory_space<hbm>>
    %dma_wait3A_401 = tpu.memref_slice %arg4[%add3A_399] : memref<5308416xf32, #tpu.memory_space<hbm>> -> memref<20736xf32, #tpu.memory_space<hbm>>
    tpu.wait_dma2 semaphore(%arg18 : memref<!tpu.dma_semaphore, #tpu.memory_space<semaphore_mem>>) src(%arg6 : memref<20736xf32, #tpu.memory_space<vmem>>) dst(%dma_wait3A_401 : memref<20736xf32, #tpu.memory_space<hbm>>)
    %add3A_402 = arith.constant 103680 : i32
    %add3A_403 = arith.addi %mul3A_2, %add3A_402 : i32
    %dma_start3A_404 = tpu.memref_slice %arg3[%add3A_403] : memref<5308416xf32, #tpu.memory_space<hbm>> -> memref<20736xf32, #tpu.memory_space<hbm>>
    %dma_start3A_405 = tpu.memref_slice %arg3[%add3A_403] : memref<5308416xf32, #tpu.memory_space<hbm>> -> memref<20736xf32, #tpu.memory_space<hbm>>
    tpu.enqueue_dma source(%dma_start3A_405 : memref<20736xf32, #tpu.memory_space<hbm>>) target(%arg6 : memref<20736xf32, #tpu.memory_space<vmem>>) target_semaphore(%arg14 : memref<!tpu.dma_semaphore, #tpu.memory_space<semaphore_mem>>)
    %add3A_406 = arith.constant 11520 : i32
    %add3A_407 = arith.addi %mul3A_4, %add3A_406 : i32
    %dma_start3A_408 = tpu.memref_slice %arg2[%add3A_407] : memref<589824xf32, #tpu.memory_space<hbm>> -> memref<2304xf32, #tpu.memory_space<hbm>>
    %dma_start3A_409 = tpu.memref_slice %arg2[%add3A_407] : memref<589824xf32, #tpu.memory_space<hbm>> -> memref<2304xf32, #tpu.memory_space<hbm>>
    tpu.enqueue_dma source(%dma_start3A_409 : memref<2304xf32, #tpu.memory_space<hbm>>) target(%arg10 : memref<2304xf32, #tpu.memory_space<vmem>>) target_semaphore(%arg14 : memref<!tpu.dma_semaphore, #tpu.memory_space<semaphore_mem>>)
    %add3A_410 = arith.constant 62208 : i32
    %add3A_411 = arith.addi %mul3A_2, %add3A_410 : i32
    %dma_wait3A_412 = tpu.memref_slice %arg3[%add3A_411] : memref<5308416xf32, #tpu.memory_space<hbm>> -> memref<20736xf32, #tpu.memory_space<hbm>>
    %dma_wait3A_413 = tpu.memref_slice %arg3[%add3A_411] : memref<5308416xf32, #tpu.memory_space<hbm>> -> memref<20736xf32, #tpu.memory_space<hbm>>
    tpu.wait_dma2 semaphore(%arg16 : memref<!tpu.dma_semaphore, #tpu.memory_space<semaphore_mem>>) src(%dma_wait3A_413 : memref<20736xf32, #tpu.memory_space<hbm>>) dst(%arg8 : memref<20736xf32, #tpu.memory_space<vmem>>)
    %add3A_414 = arith.constant 6912 : i32
    %add3A_415 = arith.addi %mul3A_4, %add3A_414 : i32
    %dma_wait3A_416 = tpu.memref_slice %arg2[%add3A_415] : memref<589824xf32, #tpu.memory_space<hbm>> -> memref<2304xf32, #tpu.memory_space<hbm>>
    %dma_wait3A_417 = tpu.memref_slice %arg2[%add3A_415] : memref<589824xf32, #tpu.memory_space<hbm>> -> memref<2304xf32, #tpu.memory_space<hbm>>
    tpu.wait_dma2 semaphore(%arg16 : memref<!tpu.dma_semaphore, #tpu.memory_space<semaphore_mem>>) src(%dma_wait3A_417 : memref<2304xf32, #tpu.memory_space<hbm>>) dst(%arg12 : memref<2304xf32, #tpu.memory_space<vmem>>)
    %scan3A_418 = arith.constant 0 : i32
    %scan3A_419 = arith.constant 0 : i32
    %scan3A_420 = arith.constant 144 : i32
    %scan3A_421 = arith.addi %scan3A_419, %scan3A_420 : i32
    %scan3A_422 = arith.constant 1 : i32
    scf.for %scan3A_540 = %scan3A_419 to %scan3A_421 step %scan3A_422  : i32 {
      %mul3A_541 = arith.constant 144 : i32
      %mul3A_542 = arith.muli %scan3A_540, %mul3A_541 : i32
      %mul3A_543 = arith.constant 16 : i32
      %mul3A_544 = arith.muli %scan3A_540, %mul3A_543 : i32
      %broadcast_in_dim3A = vector.broadcast %mul3A_544 : i32 to vector<16xi32>
      %add3A_545 = arith.constant 0 : i32
      %add3A_546 = arith.addi %mul3A_542, %add3A_545 : i32
      %get3A = arith.index_cast %add3A_546 : i32 to index
      %get3A_547 = tpu.vector_load %arg8[%get3A] {strides = array<i32>} : memref<20736xf32, #tpu.memory_space<vmem>>, vector<16xf32>,
      %add3A_548 = arith.addi %broadcast_in_dim3A, %select_n3A : vector<16xi32>
      %gather3A = tpu.vector_load_idx %arg12[%add3A_548] : memref<2304xf32, #tpu.memory_space<vmem>>[vector<16xi32>], vector<16xf32>,
      %mul3A_549 = arith.mulf %gather3A, %get3A_547 : vector<16xf32>
      %add3A_550 = arith.constant 0 : i32
      %add3A_551 = arith.addi %mul3A_542, %add3A_550 : i32
      %swap3A = arith.index_cast %add3A_551 : i32 to index
      %swap3A_552 = tpu.vector_load %arg8[%swap3A] {strides = array<i32>} : memref<20736xf32, #tpu.memory_space<vmem>>, vector<16xf32>,
      tpu.vector_store %arg8[%swap3A], %mul3A_549 {strides = array<i32>} : memref<20736xf32, #tpu.memory_space<vmem>>, vector<16xf32>,
      %add3A_553 = arith.constant 16 : i32
      %add3A_554 = arith.addi %mul3A_542, %add3A_553 : i32
      %get3A_555 = arith.index_cast %add3A_554 : i32 to index
      %get3A_556 = tpu.vector_load %arg8[%get3A_555] {strides = array<i32>} : memref<20736xf32, #tpu.memory_space<vmem>>, vector<16xf32>,
      %add3A_557 = arith.addi %broadcast_in_dim3A, %select_n3A_64 : vector<16xi32>
      %gather3A_558 = tpu.vector_load_idx %arg12[%add3A_557] : memref<2304xf32, #tpu.memory_space<vmem>>[vector<16xi32>], vector<16xf32>,
      %mul3A_559 = arith.mulf %gather3A_558, %get3A_556 : vector<16xf32>
      %add3A_560 = arith.constant 16 : i32
      %add3A_561 = arith.addi %mul3A_542, %add3A_560 : i32
      %swap3A_562 = arith.index_cast %add3A_561 : i32 to index
      %swap3A_563 = tpu.vector_load %arg8[%swap3A_562] {strides = array<i32>} : memref<20736xf32, #tpu.memory_space<vmem>>, vector<16xf32>,
      tpu.vector_store %arg8[%swap3A_562], %mul3A_559 {strides = array<i32>} : memref<20736xf32, #tpu.memory_space<vmem>>, vector<16xf32>,
      %add3A_564 = arith.constant 32 : i32
      %add3A_565 = arith.addi %mul3A_542, %add3A_564 : i32
      %get3A_566 = arith.index_cast %add3A_565 : i32 to index
      %get3A_567 = tpu.vector_load %arg8[%get3A_566] {strides = array<i32>} : memref<20736xf32, #tpu.memory_space<vmem>>, vector<16xf32>,
      %add3A_568 = arith.addi %broadcast_in_dim3A, %select_n3A_98 : vector<16xi32>
      %gather3A_569 = tpu.vector_load_idx %arg12[%add3A_568] : memref<2304xf32, #tpu.memory_space<vmem>>[vector<16xi32>], vector<16xf32>,
      %mul3A_570 = arith.mulf %gather3A_569, %get3A_567 : vector<16xf32>
      %add3A_571 = arith.constant 32 : i32
      %add3A_572 = arith.addi %mul3A_542, %add3A_571 : i32
      %swap3A_573 = arith.index_cast %add3A_572 : i32 to index
      %swap3A_574 = tpu.vector_load %arg8[%swap3A_573] {strides = array<i32>} : memref<20736xf32, #tpu.memory_space<vmem>>, vector<16xf32>,
      tpu.vector_store %arg8[%swap3A_573], %mul3A_570 {strides = array<i32>} : memref<20736xf32, #tpu.memory_space<vmem>>, vector<16xf32>,
      %add3A_575 = arith.constant 48 : i32
      %add3A_576 = arith.addi %mul3A_542, %add3A_575 : i32
      %get3A_577 = arith.index_cast %add3A_576 : i32 to index
      %get3A_578 = tpu.vector_load %arg8[%get3A_577] {strides = array<i32>} : memref<20736xf32, #tpu.memory_space<vmem>>, vector<16xf32>,
      %add3A_579 = arith.addi %broadcast_in_dim3A, %select_n3A_132 : vector<16xi32>
      %gather3A_580 = tpu.vector_load_idx %arg12[%add3A_579] : memref<2304xf32, #tpu.memory_space<vmem>>[vector<16xi32>], vector<16xf32>,
      %mul3A_581 = arith.mulf %gather3A_580, %get3A_578 : vector<16xf32>
      %add3A_582 = arith.constant 48 : i32
      %add3A_583 = arith.addi %mul3A_542, %add3A_582 : i32
      %swap3A_584 = arith.index_cast %add3A_583 : i32 to index
      %swap3A_585 = tpu.vector_load %arg8[%swap3A_584] {strides = array<i32>} : memref<20736xf32, #tpu.memory_space<vmem>>, vector<16xf32>,
      tpu.vector_store %arg8[%swap3A_584], %mul3A_581 {strides = array<i32>} : memref<20736xf32, #tpu.memory_space<vmem>>, vector<16xf32>,
      %add3A_586 = arith.constant 64 : i32
      %add3A_587 = arith.addi %mul3A_542, %add3A_586 : i32
      %get3A_588 = arith.index_cast %add3A_587 : i32 to index
      %get3A_589 = tpu.vector_load %arg8[%get3A_588] {strides = array<i32>} : memref<20736xf32, #tpu.memory_space<vmem>>, vector<16xf32>,
      %add3A_590 = arith.addi %broadcast_in_dim3A, %select_n3A_166 : vector<16xi32>
      %gather3A_591 = tpu.vector_load_idx %arg12[%add3A_590] : memref<2304xf32, #tpu.memory_space<vmem>>[vector<16xi32>], vector<16xf32>,
      %mul3A_592 = arith.mulf %gather3A_591, %get3A_589 : vector<16xf32>
      %add3A_593 = arith.constant 64 : i32
      %add3A_594 = arith.addi %mul3A_542, %add3A_593 : i32
      %swap3A_595 = arith.index_cast %add3A_594 : i32 to index
      %swap3A_596 = tpu.vector_load %arg8[%swap3A_595] {strides = array<i32>} : memref<20736xf32, #tpu.memory_space<vmem>>, vector<16xf32>,
      tpu.vector_store %arg8[%swap3A_595], %mul3A_592 {strides = array<i32>} : memref<20736xf32, #tpu.memory_space<vmem>>, vector<16xf32>,
      %add3A_597 = arith.constant 80 : i32
      %add3A_598 = arith.addi %mul3A_542, %add3A_597 : i32
      %get3A_599 = arith.index_cast %add3A_598 : i32 to index
      %get3A_600 = tpu.vector_load %arg8[%get3A_599] {strides = array<i32>} : memref<20736xf32, #tpu.memory_space<vmem>>, vector<16xf32>,
      %add3A_601 = arith.addi %broadcast_in_dim3A, %select_n3A_200 : vector<16xi32>
      %gather3A_602 = tpu.vector_load_idx %arg12[%add3A_601] : memref<2304xf32, #tpu.memory_space<vmem>>[vector<16xi32>], vector<16xf32>,
      %mul3A_603 = arith.mulf %gather3A_602, %get3A_600 : vector<16xf32>
      %add3A_604 = arith.constant 80 : i32
      %add3A_605 = arith.addi %mul3A_542, %add3A_604 : i32
      %swap3A_606 = arith.index_cast %add3A_605 : i32 to index
      %swap3A_607 = tpu.vector_load %arg8[%swap3A_606] {strides = array<i32>} : memref<20736xf32, #tpu.memory_space<vmem>>, vector<16xf32>,
      tpu.vector_store %arg8[%swap3A_606], %mul3A_603 {strides = array<i32>} : memref<20736xf32, #tpu.memory_space<vmem>>, vector<16xf32>,
      %add3A_608 = arith.constant 96 : i32
      %add3A_609 = arith.addi %mul3A_542, %add3A_608 : i32
      %get3A_610 = arith.index_cast %add3A_609 : i32 to index
      %get3A_611 = tpu.vector_load %arg8[%get3A_610] {strides = array<i32>} : memref<20736xf32, #tpu.memory_space<vmem>>, vector<16xf32>,
      %add3A_612 = arith.addi %broadcast_in_dim3A, %select_n3A_234 : vector<16xi32>
      %gather3A_613 = tpu.vector_load_idx %arg12[%add3A_612] : memref<2304xf32, #tpu.memory_space<vmem>>[vector<16xi32>], vector<16xf32>,
      %mul3A_614 = arith.mulf %gather3A_613, %get3A_611 : vector<16xf32>
      %add3A_615 = arith.constant 96 : i32
      %add3A_616 = arith.addi %mul3A_542, %add3A_615 : i32
      %swap3A_617 = arith.index_cast %add3A_616 : i32 to index
      %swap3A_618 = tpu.vector_load %arg8[%swap3A_617] {strides = array<i32>} : memref<20736xf32, #tpu.memory_space<vmem>>, vector<16xf32>,
      tpu.vector_store %arg8[%swap3A_617], %mul3A_614 {strides = array<i32>} : memref<20736xf32, #tpu.memory_space<vmem>>, vector<16xf32>,
      %add3A_619 = arith.constant 112 : i32
      %add3A_620 = arith.addi %mul3A_542, %add3A_619 : i32
      %get3A_621 = arith.index_cast %add3A_620 : i32 to index
      %get3A_622 = tpu.vector_load %arg8[%get3A_621] {strides = array<i32>} : memref<20736xf32, #tpu.memory_space<vmem>>, vector<16xf32>,
      %add3A_623 = arith.addi %broadcast_in_dim3A, %select_n3A_268 : vector<16xi32>
      %gather3A_624 = tpu.vector_load_idx %arg12[%add3A_623] : memref<2304xf32, #tpu.memory_space<vmem>>[vector<16xi32>], vector<16xf32>,
      %mul3A_625 = arith.mulf %gather3A_624, %get3A_622 : vector<16xf32>
      %add3A_626 = arith.constant 112 : i32
      %add3A_627 = arith.addi %mul3A_542, %add3A_626 : i32
      %swap3A_628 = arith.index_cast %add3A_627 : i32 to index
      %swap3A_629 = tpu.vector_load %arg8[%swap3A_628] {strides = array<i32>} : memref<20736xf32, #tpu.memory_space<vmem>>, vector<16xf32>,
      tpu.vector_store %arg8[%swap3A_628], %mul3A_625 {strides = array<i32>} : memref<20736xf32, #tpu.memory_space<vmem>>, vector<16xf32>,
      %add3A_630 = arith.constant 128 : i32
      %add3A_631 = arith.addi %mul3A_542, %add3A_630 : i32
      %get3A_632 = arith.index_cast %add3A_631 : i32 to index
      %get3A_633 = tpu.vector_load %arg8[%get3A_632] {strides = array<i32>} : memref<20736xf32, #tpu.memory_space<vmem>>, vector<16xf32>,
      %add3A_634 = arith.addi %broadcast_in_dim3A, %select_n3A_302 : vector<16xi32>
      %gather3A_635 = tpu.vector_load_idx %arg12[%add3A_634] : memref<2304xf32, #tpu.memory_space<vmem>>[vector<16xi32>], vector<16xf32>,
      %mul3A_636 = arith.mulf %gather3A_635, %get3A_633 : vector<16xf32>
      %add3A_637 = arith.constant 128 : i32
      %add3A_638 = arith.addi %mul3A_542, %add3A_637 : i32
      %swap3A_639 = arith.index_cast %add3A_638 : i32 to index
      %swap3A_640 = tpu.vector_load %arg8[%swap3A_639] {strides = array<i32>} : memref<20736xf32, #tpu.memory_space<vmem>>, vector<16xf32>,
      tpu.vector_store %arg8[%swap3A_639], %mul3A_636 {strides = array<i32>} : memref<20736xf32, #tpu.memory_space<vmem>>, vector<16xf32>,
    }
    %scan3A_423 = arith.constant 144 : i32
    %add3A_424 = arith.constant 62208 : i32
    %add3A_425 = arith.addi %mul3A_2, %add3A_424 : i32
    %dma_start3A_426 = tpu.memref_slice %arg4[%add3A_425] : memref<5308416xf32, #tpu.memory_space<hbm>> -> memref<20736xf32, #tpu.memory_space<hbm>>
    %dma_start3A_427 = tpu.memref_slice %arg4[%add3A_425] : memref<5308416xf32, #tpu.memory_space<hbm>> -> memref<20736xf32, #tpu.memory_space<hbm>>
    tpu.enqueue_dma source(%arg8 : memref<20736xf32, #tpu.memory_space<vmem>>) target(%dma_start3A_427 : memref<20736xf32, #tpu.memory_space<hbm>>) target_semaphore(%arg20 : memref<!tpu.dma_semaphore, #tpu.memory_space<semaphore_mem>>)
    %add3A_428 = arith.constant 41472 : i32
    %add3A_429 = arith.addi %mul3A_2, %add3A_428 : i32
    %dma_wait3A_430 = tpu.memref_slice %arg4[%add3A_429] : memref<5308416xf32, #tpu.memory_space<hbm>> -> memref<20736xf32, #tpu.memory_space<hbm>>
    %dma_wait3A_431 = tpu.memref_slice %arg4[%add3A_429] : memref<5308416xf32, #tpu.memory_space<hbm>> -> memref<20736xf32, #tpu.memory_space<hbm>>
    tpu.wait_dma2 semaphore(%arg19 : memref<!tpu.dma_semaphore, #tpu.memory_space<semaphore_mem>>) src(%arg7 : memref<20736xf32, #tpu.memory_space<vmem>>) dst(%dma_wait3A_431 : memref<20736xf32, #tpu.memory_space<hbm>>)
    %add3A_432 = arith.constant 124416 : i32
    %add3A_433 = arith.addi %mul3A_2, %add3A_432 : i32
    %dma_start3A_434 = tpu.memref_slice %arg3[%add3A_433] : memref<5308416xf32, #tpu.memory_space<hbm>> -> memref<20736xf32, #tpu.memory_space<hbm>>
    %dma_start3A_435 = tpu.memref_slice %arg3[%add3A_433] : memref<5308416xf32, #tpu.memory_space<hbm>> -> memref<20736xf32, #tpu.memory_space<hbm>>
    tpu.enqueue_dma source(%dma_start3A_435 : memref<20736xf32, #tpu.memory_space<hbm>>) target(%arg7 : memref<20736xf32, #tpu.memory_space<vmem>>) target_semaphore(%arg15 : memref<!tpu.dma_semaphore, #tpu.memory_space<semaphore_mem>>)
    %add3A_436 = arith.constant 13824 : i32
    %add3A_437 = arith.addi %mul3A_4, %add3A_436 : i32
    %dma_start3A_438 = tpu.memref_slice %arg2[%add3A_437] : memref<589824xf32, #tpu.memory_space<hbm>> -> memref<2304xf32, #tpu.memory_space<hbm>>
    %dma_start3A_439 = tpu.memref_slice %arg2[%add3A_437] : memref<589824xf32, #tpu.memory_space<hbm>> -> memref<2304xf32, #tpu.memory_space<hbm>>
    tpu.enqueue_dma source(%dma_start3A_439 : memref<2304xf32, #tpu.memory_space<hbm>>) target(%arg11 : memref<2304xf32, #tpu.memory_space<vmem>>) target_semaphore(%arg15 : memref<!tpu.dma_semaphore, #tpu.memory_space<semaphore_mem>>)
    %add3A_440 = arith.constant 82944 : i32
    %add3A_441 = arith.addi %mul3A_2, %add3A_440 : i32
    %dma_wait3A_442 = tpu.memref_slice %arg3[%add3A_441] : memref<5308416xf32, #tpu.memory_space<hbm>> -> memref<20736xf32, #tpu.memory_space<hbm>>
    %dma_wait3A_443 = tpu.memref_slice %arg3[%add3A_441] : memref<5308416xf32, #tpu.memory_space<hbm>> -> memref<20736xf32, #tpu.memory_space<hbm>>
    tpu.wait_dma2 semaphore(%arg13 : memref<!tpu.dma_semaphore, #tpu.memory_space<semaphore_mem>>) src(%dma_wait3A_443 : memref<20736xf32, #tpu.memory_space<hbm>>) dst(%arg5 : memref<20736xf32, #tpu.memory_space<vmem>>)
    %add3A_444 = arith.constant 9216 : i32
    %add3A_445 = arith.addi %mul3A_4, %add3A_444 : i32
    %dma_wait3A_446 = tpu.memref_slice %arg2[%add3A_445] : memref<589824xf32, #tpu.memory_space<hbm>> -> memref<2304xf32, #tpu.memory_space<hbm>>
    %dma_wait3A_447 = tpu.memref_slice %arg2[%add3A_445] : memref<589824xf32, #tpu.memory_space<hbm>> -> memref<2304xf32, #tpu.memory_space<hbm>>
    tpu.wait_dma2 semaphore(%arg13 : memref<!tpu.dma_semaphore, #tpu.memory_space<semaphore_mem>>) src(%dma_wait3A_447 : memref<2304xf32, #tpu.memory_space<hbm>>) dst(%arg9 : memref<2304xf32, #tpu.memory_space<vmem>>)
    %scan3A_448 = arith.constant 0 : i32
    %scan3A_449 = arith.constant 0 : i32
    %scan3A_450 = arith.constant 144 : i32
    %scan3A_451 = arith.addi %scan3A_449, %scan3A_450 : i32
    %scan3A_452 = arith.constant 1 : i32
    scf.for %scan3A_540 = %scan3A_449 to %scan3A_451 step %scan3A_452  : i32 {
      %mul3A_541 = arith.constant 144 : i32
      %mul3A_542 = arith.muli %scan3A_540, %mul3A_541 : i32
      %mul3A_543 = arith.constant 16 : i32
      %mul3A_544 = arith.muli %scan3A_540, %mul3A_543 : i32
      %broadcast_in_dim3A = vector.broadcast %mul3A_544 : i32 to vector<16xi32>
      %add3A_545 = arith.constant 0 : i32
      %add3A_546 = arith.addi %mul3A_542, %add3A_545 : i32
      %get3A = arith.index_cast %add3A_546 : i32 to index
      %get3A_547 = tpu.vector_load %arg5[%get3A] {strides = array<i32>} : memref<20736xf32, #tpu.memory_space<vmem>>, vector<16xf32>,
      %add3A_548 = arith.addi %broadcast_in_dim3A, %select_n3A : vector<16xi32>
      %gather3A = tpu.vector_load_idx %arg9[%add3A_548] : memref<2304xf32, #tpu.memory_space<vmem>>[vector<16xi32>], vector<16xf32>,
      %mul3A_549 = arith.mulf %gather3A, %get3A_547 : vector<16xf32>
      %add3A_550 = arith.constant 0 : i32
      %add3A_551 = arith.addi %mul3A_542, %add3A_550 : i32
      %swap3A = arith.index_cast %add3A_551 : i32 to index
      %swap3A_552 = tpu.vector_load %arg5[%swap3A] {strides = array<i32>} : memref<20736xf32, #tpu.memory_space<vmem>>, vector<16xf32>,
      tpu.vector_store %arg5[%swap3A], %mul3A_549 {strides = array<i32>} : memref<20736xf32, #tpu.memory_space<vmem>>, vector<16xf32>,
      %add3A_553 = arith.constant 16 : i32
      %add3A_554 = arith.addi %mul3A_542, %add3A_553 : i32
      %get3A_555 = arith.index_cast %add3A_554 : i32 to index
      %get3A_556 = tpu.vector_load %arg5[%get3A_555] {strides = array<i32>} : memref<20736xf32, #tpu.memory_space<vmem>>, vector<16xf32>,
      %add3A_557 = arith.addi %broadcast_in_dim3A, %select_n3A_64 : vector<16xi32>
      %gather3A_558 = tpu.vector_load_idx %arg9[%add3A_557] : memref<2304xf32, #tpu.memory_space<vmem>>[vector<16xi32>], vector<16xf32>,
      %mul3A_559 = arith.mulf %gather3A_558, %get3A_556 : vector<16xf32>
      %add3A_560 = arith.constant 16 : i32
      %add3A_561 = arith.addi %mul3A_542, %add3A_560 : i32
      %swap3A_562 = arith.index_cast %add3A_561 : i32 to index
      %swap3A_563 = tpu.vector_load %arg5[%swap3A_562] {strides = array<i32>} : memref<20736xf32, #tpu.memory_space<vmem>>, vector<16xf32>,
      tpu.vector_store %arg5[%swap3A_562], %mul3A_559 {strides = array<i32>} : memref<20736xf32, #tpu.memory_space<vmem>>, vector<16xf32>,
      %add3A_564 = arith.constant 32 : i32
      %add3A_565 = arith.addi %mul3A_542, %add3A_564 : i32
      %get3A_566 = arith.index_cast %add3A_565 : i32 to index
      %get3A_567 = tpu.vector_load %arg5[%get3A_566] {strides = array<i32>} : memref<20736xf32, #tpu.memory_space<vmem>>, vector<16xf32>,
      %add3A_568 = arith.addi %broadcast_in_dim3A, %select_n3A_98 : vector<16xi32>
      %gather3A_569 = tpu.vector_load_idx %arg9[%add3A_568] : memref<2304xf32, #tpu.memory_space<vmem>>[vector<16xi32>], vector<16xf32>,
      %mul3A_570 = arith.mulf %gather3A_569, %get3A_567 : vector<16xf32>
      %add3A_571 = arith.constant 32 : i32
      %add3A_572 = arith.addi %mul3A_542, %add3A_571 : i32
      %swap3A_573 = arith.index_cast %add3A_572 : i32 to index
      %swap3A_574 = tpu.vector_load %arg5[%swap3A_573] {strides = array<i32>} : memref<20736xf32, #tpu.memory_space<vmem>>, vector<16xf32>,
      tpu.vector_store %arg5[%swap3A_573], %mul3A_570 {strides = array<i32>} : memref<20736xf32, #tpu.memory_space<vmem>>, vector<16xf32>,
      %add3A_575 = arith.constant 48 : i32
      %add3A_576 = arith.addi %mul3A_542, %add3A_575 : i32
      %get3A_577 = arith.index_cast %add3A_576 : i32 to index
      %get3A_578 = tpu.vector_load %arg5[%get3A_577] {strides = array<i32>} : memref<20736xf32, #tpu.memory_space<vmem>>, vector<16xf32>,
      %add3A_579 = arith.addi %broadcast_in_dim3A, %select_n3A_132 : vector<16xi32>
      %gather3A_580 = tpu.vector_load_idx %arg9[%add3A_579] : memref<2304xf32, #tpu.memory_space<vmem>>[vector<16xi32>], vector<16xf32>,
      %mul3A_581 = arith.mulf %gather3A_580, %get3A_578 : vector<16xf32>
      %add3A_582 = arith.constant 48 : i32
      %add3A_583 = arith.addi %mul3A_542, %add3A_582 : i32
      %swap3A_584 = arith.index_cast %add3A_583 : i32 to index
      %swap3A_585 = tpu.vector_load %arg5[%swap3A_584] {strides = array<i32>} : memref<20736xf32, #tpu.memory_space<vmem>>, vector<16xf32>,
      tpu.vector_store %arg5[%swap3A_584], %mul3A_581 {strides = array<i32>} : memref<20736xf32, #tpu.memory_space<vmem>>, vector<16xf32>,
      %add3A_586 = arith.constant 64 : i32
      %add3A_587 = arith.addi %mul3A_542, %add3A_586 : i32
      %get3A_588 = arith.index_cast %add3A_587 : i32 to index
      %get3A_589 = tpu.vector_load %arg5[%get3A_588] {strides = array<i32>} : memref<20736xf32, #tpu.memory_space<vmem>>, vector<16xf32>,
      %add3A_590 = arith.addi %broadcast_in_dim3A, %select_n3A_166 : vector<16xi32>
      %gather3A_591 = tpu.vector_load_idx %arg9[%add3A_590] : memref<2304xf32, #tpu.memory_space<vmem>>[vector<16xi32>], vector<16xf32>,
      %mul3A_592 = arith.mulf %gather3A_591, %get3A_589 : vector<16xf32>
      %add3A_593 = arith.constant 64 : i32
      %add3A_594 = arith.addi %mul3A_542, %add3A_593 : i32
      %swap3A_595 = arith.index_cast %add3A_594 : i32 to index
      %swap3A_596 = tpu.vector_load %arg5[%swap3A_595] {strides = array<i32>} : memref<20736xf32, #tpu.memory_space<vmem>>, vector<16xf32>,
      tpu.vector_store %arg5[%swap3A_595], %mul3A_592 {strides = array<i32>} : memref<20736xf32, #tpu.memory_space<vmem>>, vector<16xf32>,
      %add3A_597 = arith.constant 80 : i32
      %add3A_598 = arith.addi %mul3A_542, %add3A_597 : i32
      %get3A_599 = arith.index_cast %add3A_598 : i32 to index
      %get3A_600 = tpu.vector_load %arg5[%get3A_599] {strides = array<i32>} : memref<20736xf32, #tpu.memory_space<vmem>>, vector<16xf32>,
      %add3A_601 = arith.addi %broadcast_in_dim3A, %select_n3A_200 : vector<16xi32>
      %gather3A_602 = tpu.vector_load_idx %arg9[%add3A_601] : memref<2304xf32, #tpu.memory_space<vmem>>[vector<16xi32>], vector<16xf32>,
      %mul3A_603 = arith.mulf %gather3A_602, %get3A_600 : vector<16xf32>
      %add3A_604 = arith.constant 80 : i32
      %add3A_605 = arith.addi %mul3A_542, %add3A_604 : i32
      %swap3A_606 = arith.index_cast %add3A_605 : i32 to index
      %swap3A_607 = tpu.vector_load %arg5[%swap3A_606] {strides = array<i32>} : memref<20736xf32, #tpu.memory_space<vmem>>, vector<16xf32>,
      tpu.vector_store %arg5[%swap3A_606], %mul3A_603 {strides = array<i32>} : memref<20736xf32, #tpu.memory_space<vmem>>, vector<16xf32>,
      %add3A_608 = arith.constant 96 : i32
      %add3A_609 = arith.addi %mul3A_542, %add3A_608 : i32
      %get3A_610 = arith.index_cast %add3A_609 : i32 to index
      %get3A_611 = tpu.vector_load %arg5[%get3A_610] {strides = array<i32>} : memref<20736xf32, #tpu.memory_space<vmem>>, vector<16xf32>,
      %add3A_612 = arith.addi %broadcast_in_dim3A, %select_n3A_234 : vector<16xi32>
      %gather3A_613 = tpu.vector_load_idx %arg9[%add3A_612] : memref<2304xf32, #tpu.memory_space<vmem>>[vector<16xi32>], vector<16xf32>,
      %mul3A_614 = arith.mulf %gather3A_613, %get3A_611 : vector<16xf32>
      %add3A_615 = arith.constant 96 : i32
      %add3A_616 = arith.addi %mul3A_542, %add3A_615 : i32
      %swap3A_617 = arith.index_cast %add3A_616 : i32 to index
      %swap3A_618 = tpu.vector_load %arg5[%swap3A_617] {strides = array<i32>} : memref<20736xf32, #tpu.memory_space<vmem>>, vector<16xf32>,
      tpu.vector_store %arg5[%swap3A_617], %mul3A_614 {strides = array<i32>} : memref<20736xf32, #tpu.memory_space<vmem>>, vector<16xf32>,
      %add3A_619 = arith.constant 112 : i32
      %add3A_620 = arith.addi %mul3A_542, %add3A_619 : i32
      %get3A_621 = arith.index_cast %add3A_620 : i32 to index
      %get3A_622 = tpu.vector_load %arg5[%get3A_621] {strides = array<i32>} : memref<20736xf32, #tpu.memory_space<vmem>>, vector<16xf32>,
      %add3A_623 = arith.addi %broadcast_in_dim3A, %select_n3A_268 : vector<16xi32>
      %gather3A_624 = tpu.vector_load_idx %arg9[%add3A_623] : memref<2304xf32, #tpu.memory_space<vmem>>[vector<16xi32>], vector<16xf32>,
      %mul3A_625 = arith.mulf %gather3A_624, %get3A_622 : vector<16xf32>
      %add3A_626 = arith.constant 112 : i32
      %add3A_627 = arith.addi %mul3A_542, %add3A_626 : i32
      %swap3A_628 = arith.index_cast %add3A_627 : i32 to index
      %swap3A_629 = tpu.vector_load %arg5[%swap3A_628] {strides = array<i32>} : memref<20736xf32, #tpu.memory_space<vmem>>, vector<16xf32>,
      tpu.vector_store %arg5[%swap3A_628], %mul3A_625 {strides = array<i32>} : memref<20736xf32, #tpu.memory_space<vmem>>, vector<16xf32>,
      %add3A_630 = arith.constant 128 : i32
      %add3A_631 = arith.addi %mul3A_542, %add3A_630 : i32
      %get3A_632 = arith.index_cast %add3A_631 : i32 to index
      %get3A_633 = tpu.vector_load %arg5[%get3A_632] {strides = array<i32>} : memref<20736xf32, #tpu.memory_space<vmem>>, vector<16xf32>,
      %add3A_634 = arith.addi %broadcast_in_dim3A, %select_n3A_302 : vector<16xi32>
      %gather3A_635 = tpu.vector_load_idx %arg9[%add3A_634] : memref<2304xf32, #tpu.memory_space<vmem>>[vector<16xi32>], vector<16xf32>,
      %mul3A_636 = arith.mulf %gather3A_635, %get3A_633 : vector<16xf32>
      %add3A_637 = arith.constant 128 : i32
      %add3A_638 = arith.addi %mul3A_542, %add3A_637 : i32
      %swap3A_639 = arith.index_cast %add3A_638 : i32 to index
      %swap3A_640 = tpu.vector_load %arg5[%swap3A_639] {strides = array<i32>} : memref<20736xf32, #tpu.memory_space<vmem>>, vector<16xf32>,
      tpu.vector_store %arg5[%swap3A_639], %mul3A_636 {strides = array<i32>} : memref<20736xf32, #tpu.memory_space<vmem>>, vector<16xf32>,
    }
    %scan3A_453 = arith.constant 144 : i32
    %add3A_454 = arith.constant 82944 : i32
    %add3A_455 = arith.addi %mul3A_2, %add3A_454 : i32
    %dma_start3A_456 = tpu.memref_slice %arg4[%add3A_455] : memref<5308416xf32, #tpu.memory_space<hbm>> -> memref<20736xf32, #tpu.memory_space<hbm>>
    %dma_start3A_457 = tpu.memref_slice %arg4[%add3A_455] : memref<5308416xf32, #tpu.memory_space<hbm>> -> memref<20736xf32, #tpu.memory_space<hbm>>
    tpu.enqueue_dma source(%arg5 : memref<20736xf32, #tpu.memory_space<vmem>>) target(%dma_start3A_457 : memref<20736xf32, #tpu.memory_space<hbm>>) target_semaphore(%arg17 : memref<!tpu.dma_semaphore, #tpu.memory_space<semaphore_mem>>)
    %add3A_458 = arith.constant 62208 : i32
    %add3A_459 = arith.addi %mul3A_2, %add3A_458 : i32
    %dma_wait3A_460 = tpu.memref_slice %arg4[%add3A_459] : memref<5308416xf32, #tpu.memory_space<hbm>> -> memref<20736xf32, #tpu.memory_space<hbm>>
    %dma_wait3A_461 = tpu.memref_slice %arg4[%add3A_459] : memref<5308416xf32, #tpu.memory_space<hbm>> -> memref<20736xf32, #tpu.memory_space<hbm>>
    tpu.wait_dma2 semaphore(%arg20 : memref<!tpu.dma_semaphore, #tpu.memory_space<semaphore_mem>>) src(%arg8 : memref<20736xf32, #tpu.memory_space<vmem>>) dst(%dma_wait3A_461 : memref<20736xf32, #tpu.memory_space<hbm>>)
    %add3A_462 = arith.constant 145152 : i32
    %add3A_463 = arith.addi %mul3A_2, %add3A_462 : i32
    %dma_start3A_464 = tpu.memref_slice %arg3[%add3A_463] : memref<5308416xf32, #tpu.memory_space<hbm>> -> memref<20736xf32, #tpu.memory_space<hbm>>
    %dma_start3A_465 = tpu.memref_slice %arg3[%add3A_463] : memref<5308416xf32, #tpu.memory_space<hbm>> -> memref<20736xf32, #tpu.memory_space<hbm>>
    tpu.enqueue_dma source(%dma_start3A_465 : memref<20736xf32, #tpu.memory_space<hbm>>) target(%arg8 : memref<20736xf32, #tpu.memory_space<vmem>>) target_semaphore(%arg16 : memref<!tpu.dma_semaphore, #tpu.memory_space<semaphore_mem>>)
    %add3A_466 = arith.constant 16128 : i32
    %add3A_467 = arith.addi %mul3A_4, %add3A_466 : i32
    %dma_start3A_468 = tpu.memref_slice %arg2[%add3A_467] : memref<589824xf32, #tpu.memory_space<hbm>> -> memref<2304xf32, #tpu.memory_space<hbm>>
    %dma_start3A_469 = tpu.memref_slice %arg2[%add3A_467] : memref<589824xf32, #tpu.memory_space<hbm>> -> memref<2304xf32, #tpu.memory_space<hbm>>
    tpu.enqueue_dma source(%dma_start3A_469 : memref<2304xf32, #tpu.memory_space<hbm>>) target(%arg12 : memref<2304xf32, #tpu.memory_space<vmem>>) target_semaphore(%arg16 : memref<!tpu.dma_semaphore, #tpu.memory_space<semaphore_mem>>)
    %add3A_470 = arith.constant 103680 : i32
    %add3A_471 = arith.addi %mul3A_2, %add3A_470 : i32
    %dma_wait3A_472 = tpu.memref_slice %arg3[%add3A_471] : memref<5308416xf32, #tpu.memory_space<hbm>> -> memref<20736xf32, #tpu.memory_space<hbm>>
    %dma_wait3A_473 = tpu.memref_slice %arg3[%add3A_471] : memref<5308416xf32, #tpu.memory_space<hbm>> -> memref<20736xf32, #tpu.memory_space<hbm>>
    tpu.wait_dma2 semaphore(%arg14 : memref<!tpu.dma_semaphore, #tpu.memory_space<semaphore_mem>>) src(%dma_wait3A_473 : memref<20736xf32, #tpu.memory_space<hbm>>) dst(%arg6 : memref<20736xf32, #tpu.memory_space<vmem>>)
    %add3A_474 = arith.constant 11520 : i32
    %add3A_475 = arith.addi %mul3A_4, %add3A_474 : i32
    %dma_wait3A_476 = tpu.memref_slice %arg2[%add3A_475] : memref<589824xf32, #tpu.memory_space<hbm>> -> memref<2304xf32, #tpu.memory_space<hbm>>
    %dma_wait3A_477 = tpu.memref_slice %arg2[%add3A_475] : memref<589824xf32, #tpu.memory_space<hbm>> -> memref<2304xf32, #tpu.memory_space<hbm>>
    tpu.wait_dma2 semaphore(%arg14 : memref<!tpu.dma_semaphore, #tpu.memory_space<semaphore_mem>>) src(%dma_wait3A_477 : memref<2304xf32, #tpu.memory_space<hbm>>) dst(%arg10 : memref<2304xf32, #tpu.memory_space<vmem>>)
    %scan3A_478 = arith.constant 0 : i32
    %scan3A_479 = arith.constant 0 : i32
    %scan3A_480 = arith.constant 144 : i32
    %scan3A_481 = arith.addi %scan3A_479, %scan3A_480 : i32
    %scan3A_482 = arith.constant 1 : i32
    scf.for %scan3A_540 = %scan3A_479 to %scan3A_481 step %scan3A_482  : i32 {
      %mul3A_541 = arith.constant 144 : i32
      %mul3A_542 = arith.muli %scan3A_540, %mul3A_541 : i32
      %mul3A_543 = arith.constant 16 : i32
      %mul3A_544 = arith.muli %scan3A_540, %mul3A_543 : i32
      %broadcast_in_dim3A = vector.broadcast %mul3A_544 : i32 to vector<16xi32>
      %add3A_545 = arith.constant 0 : i32
      %add3A_546 = arith.addi %mul3A_542, %add3A_545 : i32
      %get3A = arith.index_cast %add3A_546 : i32 to index
      %get3A_547 = tpu.vector_load %arg6[%get3A] {strides = array<i32>} : memref<20736xf32, #tpu.memory_space<vmem>>, vector<16xf32>,
      %add3A_548 = arith.addi %broadcast_in_dim3A, %select_n3A : vector<16xi32>
      %gather3A = tpu.vector_load_idx %arg10[%add3A_548] : memref<2304xf32, #tpu.memory_space<vmem>>[vector<16xi32>], vector<16xf32>,
      %mul3A_549 = arith.mulf %gather3A, %get3A_547 : vector<16xf32>
      %add3A_550 = arith.constant 0 : i32
      %add3A_551 = arith.addi %mul3A_542, %add3A_550 : i32
      %swap3A = arith.index_cast %add3A_551 : i32 to index
      %swap3A_552 = tpu.vector_load %arg6[%swap3A] {strides = array<i32>} : memref<20736xf32, #tpu.memory_space<vmem>>, vector<16xf32>,
      tpu.vector_store %arg6[%swap3A], %mul3A_549 {strides = array<i32>} : memref<20736xf32, #tpu.memory_space<vmem>>, vector<16xf32>,
      %add3A_553 = arith.constant 16 : i32
      %add3A_554 = arith.addi %mul3A_542, %add3A_553 : i32
      %get3A_555 = arith.index_cast %add3A_554 : i32 to index
      %get3A_556 = tpu.vector_load %arg6[%get3A_555] {strides = array<i32>} : memref<20736xf32, #tpu.memory_space<vmem>>, vector<16xf32>,
      %add3A_557 = arith.addi %broadcast_in_dim3A, %select_n3A_64 : vector<16xi32>
      %gather3A_558 = tpu.vector_load_idx %arg10[%add3A_557] : memref<2304xf32, #tpu.memory_space<vmem>>[vector<16xi32>], vector<16xf32>,
      %mul3A_559 = arith.mulf %gather3A_558, %get3A_556 : vector<16xf32>
      %add3A_560 = arith.constant 16 : i32
      %add3A_561 = arith.addi %mul3A_542, %add3A_560 : i32
      %swap3A_562 = arith.index_cast %add3A_561 : i32 to index
      %swap3A_563 = tpu.vector_load %arg6[%swap3A_562] {strides = array<i32>} : memref<20736xf32, #tpu.memory_space<vmem>>, vector<16xf32>,
      tpu.vector_store %arg6[%swap3A_562], %mul3A_559 {strides = array<i32>} : memref<20736xf32, #tpu.memory_space<vmem>>, vector<16xf32>,
      %add3A_564 = arith.constant 32 : i32
      %add3A_565 = arith.addi %mul3A_542, %add3A_564 : i32
      %get3A_566 = arith.index_cast %add3A_565 : i32 to index
      %get3A_567 = tpu.vector_load %arg6[%get3A_566] {strides = array<i32>} : memref<20736xf32, #tpu.memory_space<vmem>>, vector<16xf32>,
      %add3A_568 = arith.addi %broadcast_in_dim3A, %select_n3A_98 : vector<16xi32>
      %gather3A_569 = tpu.vector_load_idx %arg10[%add3A_568] : memref<2304xf32, #tpu.memory_space<vmem>>[vector<16xi32>], vector<16xf32>,
      %mul3A_570 = arith.mulf %gather3A_569, %get3A_567 : vector<16xf32>
      %add3A_571 = arith.constant 32 : i32
      %add3A_572 = arith.addi %mul3A_542, %add3A_571 : i32
      %swap3A_573 = arith.index_cast %add3A_572 : i32 to index
      %swap3A_574 = tpu.vector_load %arg6[%swap3A_573] {strides = array<i32>} : memref<20736xf32, #tpu.memory_space<vmem>>, vector<16xf32>,
      tpu.vector_store %arg6[%swap3A_573], %mul3A_570 {strides = array<i32>} : memref<20736xf32, #tpu.memory_space<vmem>>, vector<16xf32>,
      %add3A_575 = arith.constant 48 : i32
      %add3A_576 = arith.addi %mul3A_542, %add3A_575 : i32
      %get3A_577 = arith.index_cast %add3A_576 : i32 to index
      %get3A_578 = tpu.vector_load %arg6[%get3A_577] {strides = array<i32>} : memref<20736xf32, #tpu.memory_space<vmem>>, vector<16xf32>,
      %add3A_579 = arith.addi %broadcast_in_dim3A, %select_n3A_132 : vector<16xi32>
      %gather3A_580 = tpu.vector_load_idx %arg10[%add3A_579] : memref<2304xf32, #tpu.memory_space<vmem>>[vector<16xi32>], vector<16xf32>,
      %mul3A_581 = arith.mulf %gather3A_580, %get3A_578 : vector<16xf32>
      %add3A_582 = arith.constant 48 : i32
      %add3A_583 = arith.addi %mul3A_542, %add3A_582 : i32
      %swap3A_584 = arith.index_cast %add3A_583 : i32 to index
      %swap3A_585 = tpu.vector_load %arg6[%swap3A_584] {strides = array<i32>} : memref<20736xf32, #tpu.memory_space<vmem>>, vector<16xf32>,
      tpu.vector_store %arg6[%swap3A_584], %mul3A_581 {strides = array<i32>} : memref<20736xf32, #tpu.memory_space<vmem>>, vector<16xf32>,
      %add3A_586 = arith.constant 64 : i32
      %add3A_587 = arith.addi %mul3A_542, %add3A_586 : i32
      %get3A_588 = arith.index_cast %add3A_587 : i32 to index
      %get3A_589 = tpu.vector_load %arg6[%get3A_588] {strides = array<i32>} : memref<20736xf32, #tpu.memory_space<vmem>>, vector<16xf32>,
      %add3A_590 = arith.addi %broadcast_in_dim3A, %select_n3A_166 : vector<16xi32>
      %gather3A_591 = tpu.vector_load_idx %arg10[%add3A_590] : memref<2304xf32, #tpu.memory_space<vmem>>[vector<16xi32>], vector<16xf32>,
      %mul3A_592 = arith.mulf %gather3A_591, %get3A_589 : vector<16xf32>
      %add3A_593 = arith.constant 64 : i32
      %add3A_594 = arith.addi %mul3A_542, %add3A_593 : i32
      %swap3A_595 = arith.index_cast %add3A_594 : i32 to index
      %swap3A_596 = tpu.vector_load %arg6[%swap3A_595] {strides = array<i32>} : memref<20736xf32, #tpu.memory_space<vmem>>, vector<16xf32>,
      tpu.vector_store %arg6[%swap3A_595], %mul3A_592 {strides = array<i32>} : memref<20736xf32, #tpu.memory_space<vmem>>, vector<16xf32>,
      %add3A_597 = arith.constant 80 : i32
      %add3A_598 = arith.addi %mul3A_542, %add3A_597 : i32
      %get3A_599 = arith.index_cast %add3A_598 : i32 to index
      %get3A_600 = tpu.vector_load %arg6[%get3A_599] {strides = array<i32>} : memref<20736xf32, #tpu.memory_space<vmem>>, vector<16xf32>,
      %add3A_601 = arith.addi %broadcast_in_dim3A, %select_n3A_200 : vector<16xi32>
      %gather3A_602 = tpu.vector_load_idx %arg10[%add3A_601] : memref<2304xf32, #tpu.memory_space<vmem>>[vector<16xi32>], vector<16xf32>,
      %mul3A_603 = arith.mulf %gather3A_602, %get3A_600 : vector<16xf32>
      %add3A_604 = arith.constant 80 : i32
      %add3A_605 = arith.addi %mul3A_542, %add3A_604 : i32
      %swap3A_606 = arith.index_cast %add3A_605 : i32 to index
      %swap3A_607 = tpu.vector_load %arg6[%swap3A_606] {strides = array<i32>} : memref<20736xf32, #tpu.memory_space<vmem>>, vector<16xf32>,
      tpu.vector_store %arg6[%swap3A_606], %mul3A_603 {strides = array<i32>} : memref<20736xf32, #tpu.memory_space<vmem>>, vector<16xf32>,
      %add3A_608 = arith.constant 96 : i32
      %add3A_609 = arith.addi %mul3A_542, %add3A_608 : i32
      %get3A_610 = arith.index_cast %add3A_609 : i32 to index
      %get3A_611 = tpu.vector_load %arg6[%get3A_610] {strides = array<i32>} : memref<20736xf32, #tpu.memory_space<vmem>>, vector<16xf32>,
      %add3A_612 = arith.addi %broadcast_in_dim3A, %select_n3A_234 : vector<16xi32>
      %gather3A_613 = tpu.vector_load_idx %arg10[%add3A_612] : memref<2304xf32, #tpu.memory_space<vmem>>[vector<16xi32>], vector<16xf32>,
      %mul3A_614 = arith.mulf %gather3A_613, %get3A_611 : vector<16xf32>
      %add3A_615 = arith.constant 96 : i32
      %add3A_616 = arith.addi %mul3A_542, %add3A_615 : i32
      %swap3A_617 = arith.index_cast %add3A_616 : i32 to index
      %swap3A_618 = tpu.vector_load %arg6[%swap3A_617] {strides = array<i32>} : memref<20736xf32, #tpu.memory_space<vmem>>, vector<16xf32>,
      tpu.vector_store %arg6[%swap3A_617], %mul3A_614 {strides = array<i32>} : memref<20736xf32, #tpu.memory_space<vmem>>, vector<16xf32>,
      %add3A_619 = arith.constant 112 : i32
      %add3A_620 = arith.addi %mul3A_542, %add3A_619 : i32
      %get3A_621 = arith.index_cast %add3A_620 : i32 to index
      %get3A_622 = tpu.vector_load %arg6[%get3A_621] {strides = array<i32>} : memref<20736xf32, #tpu.memory_space<vmem>>, vector<16xf32>,
      %add3A_623 = arith.addi %broadcast_in_dim3A, %select_n3A_268 : vector<16xi32>
      %gather3A_624 = tpu.vector_load_idx %arg10[%add3A_623] : memref<2304xf32, #tpu.memory_space<vmem>>[vector<16xi32>], vector<16xf32>,
      %mul3A_625 = arith.mulf %gather3A_624, %get3A_622 : vector<16xf32>
      %add3A_626 = arith.constant 112 : i32
      %add3A_627 = arith.addi %mul3A_542, %add3A_626 : i32
      %swap3A_628 = arith.index_cast %add3A_627 : i32 to index
      %swap3A_629 = tpu.vector_load %arg6[%swap3A_628] {strides = array<i32>} : memref<20736xf32, #tpu.memory_space<vmem>>, vector<16xf32>,
      tpu.vector_store %arg6[%swap3A_628], %mul3A_625 {strides = array<i32>} : memref<20736xf32, #tpu.memory_space<vmem>>, vector<16xf32>,
      %add3A_630 = arith.constant 128 : i32
      %add3A_631 = arith.addi %mul3A_542, %add3A_630 : i32
      %get3A_632 = arith.index_cast %add3A_631 : i32 to index
      %get3A_633 = tpu.vector_load %arg6[%get3A_632] {strides = array<i32>} : memref<20736xf32, #tpu.memory_space<vmem>>, vector<16xf32>,
      %add3A_634 = arith.addi %broadcast_in_dim3A, %select_n3A_302 : vector<16xi32>
      %gather3A_635 = tpu.vector_load_idx %arg10[%add3A_634] : memref<2304xf32, #tpu.memory_space<vmem>>[vector<16xi32>], vector<16xf32>,
      %mul3A_636 = arith.mulf %gather3A_635, %get3A_633 : vector<16xf32>
      %add3A_637 = arith.constant 128 : i32
      %add3A_638 = arith.addi %mul3A_542, %add3A_637 : i32
      %swap3A_639 = arith.index_cast %add3A_638 : i32 to index
      %swap3A_640 = tpu.vector_load %arg6[%swap3A_639] {strides = array<i32>} : memref<20736xf32, #tpu.memory_space<vmem>>, vector<16xf32>,
      tpu.vector_store %arg6[%swap3A_639], %mul3A_636 {strides = array<i32>} : memref<20736xf32, #tpu.memory_space<vmem>>, vector<16xf32>,
    }
    %scan3A_483 = arith.constant 144 : i32
    %add3A_484 = arith.constant 103680 : i32
    %add3A_485 = arith.addi %mul3A_2, %add3A_484 : i32
    %dma_start3A_486 = tpu.memref_slice %arg4[%add3A_485] : memref<5308416xf32, #tpu.memory_space<hbm>> -> memref<20736xf32, #tpu.memory_space<hbm>>
    %dma_start3A_487 = tpu.memref_slice %arg4[%add3A_485] : memref<5308416xf32, #tpu.memory_space<hbm>> -> memref<20736xf32, #tpu.memory_space<hbm>>
    tpu.enqueue_dma source(%arg6 : memref<20736xf32, #tpu.memory_space<vmem>>) target(%dma_start3A_487 : memref<20736xf32, #tpu.memory_space<hbm>>) target_semaphore(%arg18 : memref<!tpu.dma_semaphore, #tpu.memory_space<semaphore_mem>>)
    %add3A_488 = arith.constant 124416 : i32
    %add3A_489 = arith.addi %mul3A_2, %add3A_488 : i32
    %dma_wait3A_490 = tpu.memref_slice %arg3[%add3A_489] : memref<5308416xf32, #tpu.memory_space<hbm>> -> memref<20736xf32, #tpu.memory_space<hbm>>
    %dma_wait3A_491 = tpu.memref_slice %arg3[%add3A_489] : memref<5308416xf32, #tpu.memory_space<hbm>> -> memref<20736xf32, #tpu.memory_space<hbm>>
    tpu.wait_dma2 semaphore(%arg15 : memref<!tpu.dma_semaphore, #tpu.memory_space<semaphore_mem>>) src(%dma_wait3A_491 : memref<20736xf32, #tpu.memory_space<hbm>>) dst(%arg7 : memref<20736xf32, #tpu.memory_space<vmem>>)
    %add3A_492 = arith.constant 13824 : i32
    %add3A_493 = arith.addi %mul3A_4, %add3A_492 : i32
    %dma_wait3A_494 = tpu.memref_slice %arg2[%add3A_493] : memref<589824xf32, #tpu.memory_space<hbm>> -> memref<2304xf32, #tpu.memory_space<hbm>>
    %dma_wait3A_495 = tpu.memref_slice %arg2[%add3A_493] : memref<589824xf32, #tpu.memory_space<hbm>> -> memref<2304xf32, #tpu.memory_space<hbm>>
    tpu.wait_dma2 semaphore(%arg15 : memref<!tpu.dma_semaphore, #tpu.memory_space<semaphore_mem>>) src(%dma_wait3A_495 : memref<2304xf32, #tpu.memory_space<hbm>>) dst(%arg11 : memref<2304xf32, #tpu.memory_space<vmem>>)
    %scan3A_496 = arith.constant 0 : i32
    %scan3A_497 = arith.constant 0 : i32
    %scan3A_498 = arith.constant 144 : i32
    %scan3A_499 = arith.addi %scan3A_497, %scan3A_498 : i32
    %scan3A_500 = arith.constant 1 : i32
    scf.for %scan3A_540 = %scan3A_497 to %scan3A_499 step %scan3A_500  : i32 {
      %mul3A_541 = arith.constant 144 : i32
      %mul3A_542 = arith.muli %scan3A_540, %mul3A_541 : i32
      %mul3A_543 = arith.constant 16 : i32
      %mul3A_544 = arith.muli %scan3A_540, %mul3A_543 : i32
      %broadcast_in_dim3A = vector.broadcast %mul3A_544 : i32 to vector<16xi32>
      %add3A_545 = arith.constant 0 : i32
      %add3A_546 = arith.addi %mul3A_542, %add3A_545 : i32
      %get3A = arith.index_cast %add3A_546 : i32 to index
      %get3A_547 = tpu.vector_load %arg7[%get3A] {strides = array<i32>} : memref<20736xf32, #tpu.memory_space<vmem>>, vector<16xf32>,
      %add3A_548 = arith.addi %broadcast_in_dim3A, %select_n3A : vector<16xi32>
      %gather3A = tpu.vector_load_idx %arg11[%add3A_548] : memref<2304xf32, #tpu.memory_space<vmem>>[vector<16xi32>], vector<16xf32>,
      %mul3A_549 = arith.mulf %gather3A, %get3A_547 : vector<16xf32>
      %add3A_550 = arith.constant 0 : i32
      %add3A_551 = arith.addi %mul3A_542, %add3A_550 : i32
      %swap3A = arith.index_cast %add3A_551 : i32 to index
      %swap3A_552 = tpu.vector_load %arg7[%swap3A] {strides = array<i32>} : memref<20736xf32, #tpu.memory_space<vmem>>, vector<16xf32>,
      tpu.vector_store %arg7[%swap3A], %mul3A_549 {strides = array<i32>} : memref<20736xf32, #tpu.memory_space<vmem>>, vector<16xf32>,
      %add3A_553 = arith.constant 16 : i32
      %add3A_554 = arith.addi %mul3A_542, %add3A_553 : i32
      %get3A_555 = arith.index_cast %add3A_554 : i32 to index
      %get3A_556 = tpu.vector_load %arg7[%get3A_555] {strides = array<i32>} : memref<20736xf32, #tpu.memory_space<vmem>>, vector<16xf32>,
      %add3A_557 = arith.addi %broadcast_in_dim3A, %select_n3A_64 : vector<16xi32>
      %gather3A_558 = tpu.vector_load_idx %arg11[%add3A_557] : memref<2304xf32, #tpu.memory_space<vmem>>[vector<16xi32>], vector<16xf32>,
      %mul3A_559 = arith.mulf %gather3A_558, %get3A_556 : vector<16xf32>
      %add3A_560 = arith.constant 16 : i32
      %add3A_561 = arith.addi %mul3A_542, %add3A_560 : i32
      %swap3A_562 = arith.index_cast %add3A_561 : i32 to index
      %swap3A_563 = tpu.vector_load %arg7[%swap3A_562] {strides = array<i32>} : memref<20736xf32, #tpu.memory_space<vmem>>, vector<16xf32>,
      tpu.vector_store %arg7[%swap3A_562], %mul3A_559 {strides = array<i32>} : memref<20736xf32, #tpu.memory_space<vmem>>, vector<16xf32>,
      %add3A_564 = arith.constant 32 : i32
      %add3A_565 = arith.addi %mul3A_542, %add3A_564 : i32
      %get3A_566 = arith.index_cast %add3A_565 : i32 to index
      %get3A_567 = tpu.vector_load %arg7[%get3A_566] {strides = array<i32>} : memref<20736xf32, #tpu.memory_space<vmem>>, vector<16xf32>,
      %add3A_568 = arith.addi %broadcast_in_dim3A, %select_n3A_98 : vector<16xi32>
      %gather3A_569 = tpu.vector_load_idx %arg11[%add3A_568] : memref<2304xf32, #tpu.memory_space<vmem>>[vector<16xi32>], vector<16xf32>,
      %mul3A_570 = arith.mulf %gather3A_569, %get3A_567 : vector<16xf32>
      %add3A_571 = arith.constant 32 : i32
      %add3A_572 = arith.addi %mul3A_542, %add3A_571 : i32
      %swap3A_573 = arith.index_cast %add3A_572 : i32 to index
      %swap3A_574 = tpu.vector_load %arg7[%swap3A_573] {strides = array<i32>} : memref<20736xf32, #tpu.memory_space<vmem>>, vector<16xf32>,
      tpu.vector_store %arg7[%swap3A_573], %mul3A_570 {strides = array<i32>} : memref<20736xf32, #tpu.memory_space<vmem>>, vector<16xf32>,
      %add3A_575 = arith.constant 48 : i32
      %add3A_576 = arith.addi %mul3A_542, %add3A_575 : i32
      %get3A_577 = arith.index_cast %add3A_576 : i32 to index
      %get3A_578 = tpu.vector_load %arg7[%get3A_577] {strides = array<i32>} : memref<20736xf32, #tpu.memory_space<vmem>>, vector<16xf32>,
      %add3A_579 = arith.addi %broadcast_in_dim3A, %select_n3A_132 : vector<16xi32>
      %gather3A_580 = tpu.vector_load_idx %arg11[%add3A_579] : memref<2304xf32, #tpu.memory_space<vmem>>[vector<16xi32>], vector<16xf32>,
      %mul3A_581 = arith.mulf %gather3A_580, %get3A_578 : vector<16xf32>
      %add3A_582 = arith.constant 48 : i32
      %add3A_583 = arith.addi %mul3A_542, %add3A_582 : i32
      %swap3A_584 = arith.index_cast %add3A_583 : i32 to index
      %swap3A_585 = tpu.vector_load %arg7[%swap3A_584] {strides = array<i32>} : memref<20736xf32, #tpu.memory_space<vmem>>, vector<16xf32>,
      tpu.vector_store %arg7[%swap3A_584], %mul3A_581 {strides = array<i32>} : memref<20736xf32, #tpu.memory_space<vmem>>, vector<16xf32>,
      %add3A_586 = arith.constant 64 : i32
      %add3A_587 = arith.addi %mul3A_542, %add3A_586 : i32
      %get3A_588 = arith.index_cast %add3A_587 : i32 to index
      %get3A_589 = tpu.vector_load %arg7[%get3A_588] {strides = array<i32>} : memref<20736xf32, #tpu.memory_space<vmem>>, vector<16xf32>,
      %add3A_590 = arith.addi %broadcast_in_dim3A, %select_n3A_166 : vector<16xi32>
      %gather3A_591 = tpu.vector_load_idx %arg11[%add3A_590] : memref<2304xf32, #tpu.memory_space<vmem>>[vector<16xi32>], vector<16xf32>,
      %mul3A_592 = arith.mulf %gather3A_591, %get3A_589 : vector<16xf32>
      %add3A_593 = arith.constant 64 : i32
      %add3A_594 = arith.addi %mul3A_542, %add3A_593 : i32
      %swap3A_595 = arith.index_cast %add3A_594 : i32 to index
      %swap3A_596 = tpu.vector_load %arg7[%swap3A_595] {strides = array<i32>} : memref<20736xf32, #tpu.memory_space<vmem>>, vector<16xf32>,
      tpu.vector_store %arg7[%swap3A_595], %mul3A_592 {strides = array<i32>} : memref<20736xf32, #tpu.memory_space<vmem>>, vector<16xf32>,
      %add3A_597 = arith.constant 80 : i32
      %add3A_598 = arith.addi %mul3A_542, %add3A_597 : i32
      %get3A_599 = arith.index_cast %add3A_598 : i32 to index
      %get3A_600 = tpu.vector_load %arg7[%get3A_599] {strides = array<i32>} : memref<20736xf32, #tpu.memory_space<vmem>>, vector<16xf32>,
      %add3A_601 = arith.addi %broadcast_in_dim3A, %select_n3A_200 : vector<16xi32>
      %gather3A_602 = tpu.vector_load_idx %arg11[%add3A_601] : memref<2304xf32, #tpu.memory_space<vmem>>[vector<16xi32>], vector<16xf32>,
      %mul3A_603 = arith.mulf %gather3A_602, %get3A_600 : vector<16xf32>
      %add3A_604 = arith.constant 80 : i32
      %add3A_605 = arith.addi %mul3A_542, %add3A_604 : i32
      %swap3A_606 = arith.index_cast %add3A_605 : i32 to index
      %swap3A_607 = tpu.vector_load %arg7[%swap3A_606] {strides = array<i32>} : memref<20736xf32, #tpu.memory_space<vmem>>, vector<16xf32>,
      tpu.vector_store %arg7[%swap3A_606], %mul3A_603 {strides = array<i32>} : memref<20736xf32, #tpu.memory_space<vmem>>, vector<16xf32>,
      %add3A_608 = arith.constant 96 : i32
      %add3A_609 = arith.addi %mul3A_542, %add3A_608 : i32
      %get3A_610 = arith.index_cast %add3A_609 : i32 to index
      %get3A_611 = tpu.vector_load %arg7[%get3A_610] {strides = array<i32>} : memref<20736xf32, #tpu.memory_space<vmem>>, vector<16xf32>,
      %add3A_612 = arith.addi %broadcast_in_dim3A, %select_n3A_234 : vector<16xi32>
      %gather3A_613 = tpu.vector_load_idx %arg11[%add3A_612] : memref<2304xf32, #tpu.memory_space<vmem>>[vector<16xi32>], vector<16xf32>,
      %mul3A_614 = arith.mulf %gather3A_613, %get3A_611 : vector<16xf32>
      %add3A_615 = arith.constant 96 : i32
      %add3A_616 = arith.addi %mul3A_542, %add3A_615 : i32
      %swap3A_617 = arith.index_cast %add3A_616 : i32 to index
      %swap3A_618 = tpu.vector_load %arg7[%swap3A_617] {strides = array<i32>} : memref<20736xf32, #tpu.memory_space<vmem>>, vector<16xf32>,
      tpu.vector_store %arg7[%swap3A_617], %mul3A_614 {strides = array<i32>} : memref<20736xf32, #tpu.memory_space<vmem>>, vector<16xf32>,
      %add3A_619 = arith.constant 112 : i32
      %add3A_620 = arith.addi %mul3A_542, %add3A_619 : i32
      %get3A_621 = arith.index_cast %add3A_620 : i32 to index
      %get3A_622 = tpu.vector_load %arg7[%get3A_621] {strides = array<i32>} : memref<20736xf32, #tpu.memory_space<vmem>>, vector<16xf32>,
      %add3A_623 = arith.addi %broadcast_in_dim3A, %select_n3A_268 : vector<16xi32>
      %gather3A_624 = tpu.vector_load_idx %arg11[%add3A_623] : memref<2304xf32, #tpu.memory_space<vmem>>[vector<16xi32>], vector<16xf32>,
      %mul3A_625 = arith.mulf %gather3A_624, %get3A_622 : vector<16xf32>
      %add3A_626 = arith.constant 112 : i32
      %add3A_627 = arith.addi %mul3A_542, %add3A_626 : i32
      %swap3A_628 = arith.index_cast %add3A_627 : i32 to index
      %swap3A_629 = tpu.vector_load %arg7[%swap3A_628] {strides = array<i32>} : memref<20736xf32, #tpu.memory_space<vmem>>, vector<16xf32>,
      tpu.vector_store %arg7[%swap3A_628], %mul3A_625 {strides = array<i32>} : memref<20736xf32, #tpu.memory_space<vmem>>, vector<16xf32>,
      %add3A_630 = arith.constant 128 : i32
      %add3A_631 = arith.addi %mul3A_542, %add3A_630 : i32
      %get3A_632 = arith.index_cast %add3A_631 : i32 to index
      %get3A_633 = tpu.vector_load %arg7[%get3A_632] {strides = array<i32>} : memref<20736xf32, #tpu.memory_space<vmem>>, vector<16xf32>,
      %add3A_634 = arith.addi %broadcast_in_dim3A, %select_n3A_302 : vector<16xi32>
      %gather3A_635 = tpu.vector_load_idx %arg11[%add3A_634] : memref<2304xf32, #tpu.memory_space<vmem>>[vector<16xi32>], vector<16xf32>,
      %mul3A_636 = arith.mulf %gather3A_635, %get3A_633 : vector<16xf32>
      %add3A_637 = arith.constant 128 : i32
      %add3A_638 = arith.addi %mul3A_542, %add3A_637 : i32
      %swap3A_639 = arith.index_cast %add3A_638 : i32 to index
      %swap3A_640 = tpu.vector_load %arg7[%swap3A_639] {strides = array<i32>} : memref<20736xf32, #tpu.memory_space<vmem>>, vector<16xf32>,
      tpu.vector_store %arg7[%swap3A_639], %mul3A_636 {strides = array<i32>} : memref<20736xf32, #tpu.memory_space<vmem>>, vector<16xf32>,
    }
    %scan3A_501 = arith.constant 144 : i32
    %add3A_502 = arith.constant 124416 : i32
    %add3A_503 = arith.addi %mul3A_2, %add3A_502 : i32
    %dma_start3A_504 = tpu.memref_slice %arg4[%add3A_503] : memref<5308416xf32, #tpu.memory_space<hbm>> -> memref<20736xf32, #tpu.memory_space<hbm>>
    %dma_start3A_505 = tpu.memref_slice %arg4[%add3A_503] : memref<5308416xf32, #tpu.memory_space<hbm>> -> memref<20736xf32, #tpu.memory_space<hbm>>
    tpu.enqueue_dma source(%arg7 : memref<20736xf32, #tpu.memory_space<vmem>>) target(%dma_start3A_505 : memref<20736xf32, #tpu.memory_space<hbm>>) target_semaphore(%arg19 : memref<!tpu.dma_semaphore, #tpu.memory_space<semaphore_mem>>)
    %add3A_506 = arith.constant 145152 : i32
    %add3A_507 = arith.addi %mul3A_2, %add3A_506 : i32
    %dma_wait3A_508 = tpu.memref_slice %arg3[%add3A_507] : memref<5308416xf32, #tpu.memory_space<hbm>> -> memref<20736xf32, #tpu.memory_space<hbm>>
    %dma_wait3A_509 = tpu.memref_slice %arg3[%add3A_507] : memref<5308416xf32, #tpu.memory_space<hbm>> -> memref<20736xf32, #tpu.memory_space<hbm>>
    tpu.wait_dma2 semaphore(%arg16 : memref<!tpu.dma_semaphore, #tpu.memory_space<semaphore_mem>>) src(%dma_wait3A_509 : memref<20736xf32, #tpu.memory_space<hbm>>) dst(%arg8 : memref<20736xf32, #tpu.memory_space<vmem>>)
    %add3A_510 = arith.constant 16128 : i32
    %add3A_511 = arith.addi %mul3A_4, %add3A_510 : i32
    %dma_wait3A_512 = tpu.memref_slice %arg2[%add3A_511] : memref<589824xf32, #tpu.memory_space<hbm>> -> memref<2304xf32, #tpu.memory_space<hbm>>
    %dma_wait3A_513 = tpu.memref_slice %arg2[%add3A_511] : memref<589824xf32, #tpu.memory_space<hbm>> -> memref<2304xf32, #tpu.memory_space<hbm>>
    tpu.wait_dma2 semaphore(%arg16 : memref<!tpu.dma_semaphore, #tpu.memory_space<semaphore_mem>>) src(%dma_wait3A_513 : memref<2304xf32, #tpu.memory_space<hbm>>) dst(%arg12 : memref<2304xf32, #tpu.memory_space<vmem>>)
    %scan3A_514 = arith.constant 0 : i32
    %scan3A_515 = arith.constant 0 : i32
    %scan3A_516 = arith.constant 144 : i32
    %scan3A_517 = arith.addi %scan3A_515, %scan3A_516 : i32
    %scan3A_518 = arith.constant 1 : i32
    scf.for %scan3A_540 = %scan3A_515 to %scan3A_517 step %scan3A_518  : i32 {
      %mul3A_541 = arith.constant 144 : i32
      %mul3A_542 = arith.muli %scan3A_540, %mul3A_541 : i32
      %mul3A_543 = arith.constant 16 : i32
      %mul3A_544 = arith.muli %scan3A_540, %mul3A_543 : i32
      %broadcast_in_dim3A = vector.broadcast %mul3A_544 : i32 to vector<16xi32>
      %add3A_545 = arith.constant 0 : i32
      %add3A_546 = arith.addi %mul3A_542, %add3A_545 : i32
      %get3A = arith.index_cast %add3A_546 : i32 to index
      %get3A_547 = tpu.vector_load %arg8[%get3A] {strides = array<i32>} : memref<20736xf32, #tpu.memory_space<vmem>>, vector<16xf32>,
      %add3A_548 = arith.addi %broadcast_in_dim3A, %select_n3A : vector<16xi32>
      %gather3A = tpu.vector_load_idx %arg12[%add3A_548] : memref<2304xf32, #tpu.memory_space<vmem>>[vector<16xi32>], vector<16xf32>,
      %mul3A_549 = arith.mulf %gather3A, %get3A_547 : vector<16xf32>
      %add3A_550 = arith.constant 0 : i32
      %add3A_551 = arith.addi %mul3A_542, %add3A_550 : i32
      %swap3A = arith.index_cast %add3A_551 : i32 to index
      %swap3A_552 = tpu.vector_load %arg8[%swap3A] {strides = array<i32>} : memref<20736xf32, #tpu.memory_space<vmem>>, vector<16xf32>,
      tpu.vector_store %arg8[%swap3A], %mul3A_549 {strides = array<i32>} : memref<20736xf32, #tpu.memory_space<vmem>>, vector<16xf32>,
      %add3A_553 = arith.constant 16 : i32
      %add3A_554 = arith.addi %mul3A_542, %add3A_553 : i32
      %get3A_555 = arith.index_cast %add3A_554 : i32 to index
      %get3A_556 = tpu.vector_load %arg8[%get3A_555] {strides = array<i32>} : memref<20736xf32, #tpu.memory_space<vmem>>, vector<16xf32>,
      %add3A_557 = arith.addi %broadcast_in_dim3A, %select_n3A_64 : vector<16xi32>
      %gather3A_558 = tpu.vector_load_idx %arg12[%add3A_557] : memref<2304xf32, #tpu.memory_space<vmem>>[vector<16xi32>], vector<16xf32>,
      %mul3A_559 = arith.mulf %gather3A_558, %get3A_556 : vector<16xf32>
      %add3A_560 = arith.constant 16 : i32
      %add3A_561 = arith.addi %mul3A_542, %add3A_560 : i32
      %swap3A_562 = arith.index_cast %add3A_561 : i32 to index
      %swap3A_563 = tpu.vector_load %arg8[%swap3A_562] {strides = array<i32>} : memref<20736xf32, #tpu.memory_space<vmem>>, vector<16xf32>,
      tpu.vector_store %arg8[%swap3A_562], %mul3A_559 {strides = array<i32>} : memref<20736xf32, #tpu.memory_space<vmem>>, vector<16xf32>,
      %add3A_564 = arith.constant 32 : i32
      %add3A_565 = arith.addi %mul3A_542, %add3A_564 : i32
      %get3A_566 = arith.index_cast %add3A_565 : i32 to index
      %get3A_567 = tpu.vector_load %arg8[%get3A_566] {strides = array<i32>} : memref<20736xf32, #tpu.memory_space<vmem>>, vector<16xf32>,
      %add3A_568 = arith.addi %broadcast_in_dim3A, %select_n3A_98 : vector<16xi32>
      %gather3A_569 = tpu.vector_load_idx %arg12[%add3A_568] : memref<2304xf32, #tpu.memory_space<vmem>>[vector<16xi32>], vector<16xf32>,
      %mul3A_570 = arith.mulf %gather3A_569, %get3A_567 : vector<16xf32>
      %add3A_571 = arith.constant 32 : i32
      %add3A_572 = arith.addi %mul3A_542, %add3A_571 : i32
      %swap3A_573 = arith.index_cast %add3A_572 : i32 to index
      %swap3A_574 = tpu.vector_load %arg8[%swap3A_573] {strides = array<i32>} : memref<20736xf32, #tpu.memory_space<vmem>>, vector<16xf32>,
      tpu.vector_store %arg8[%swap3A_573], %mul3A_570 {strides = array<i32>} : memref<20736xf32, #tpu.memory_space<vmem>>, vector<16xf32>,
      %add3A_575 = arith.constant 48 : i32
      %add3A_576 = arith.addi %mul3A_542, %add3A_575 : i32
      %get3A_577 = arith.index_cast %add3A_576 : i32 to index
      %get3A_578 = tpu.vector_load %arg8[%get3A_577] {strides = array<i32>} : memref<20736xf32, #tpu.memory_space<vmem>>, vector<16xf32>,
      %add3A_579 = arith.addi %broadcast_in_dim3A, %select_n3A_132 : vector<16xi32>
      %gather3A_580 = tpu.vector_load_idx %arg12[%add3A_579] : memref<2304xf32, #tpu.memory_space<vmem>>[vector<16xi32>], vector<16xf32>,
      %mul3A_581 = arith.mulf %gather3A_580, %get3A_578 : vector<16xf32>
      %add3A_582 = arith.constant 48 : i32
      %add3A_583 = arith.addi %mul3A_542, %add3A_582 : i32
      %swap3A_584 = arith.index_cast %add3A_583 : i32 to index
      %swap3A_585 = tpu.vector_load %arg8[%swap3A_584] {strides = array<i32>} : memref<20736xf32, #tpu.memory_space<vmem>>, vector<16xf32>,
      tpu.vector_store %arg8[%swap3A_584], %mul3A_581 {strides = array<i32>} : memref<20736xf32, #tpu.memory_space<vmem>>, vector<16xf32>,
      %add3A_586 = arith.constant 64 : i32
      %add3A_587 = arith.addi %mul3A_542, %add3A_586 : i32
      %get3A_588 = arith.index_cast %add3A_587 : i32 to index
      %get3A_589 = tpu.vector_load %arg8[%get3A_588] {strides = array<i32>} : memref<20736xf32, #tpu.memory_space<vmem>>, vector<16xf32>,
      %add3A_590 = arith.addi %broadcast_in_dim3A, %select_n3A_166 : vector<16xi32>
      %gather3A_591 = tpu.vector_load_idx %arg12[%add3A_590] : memref<2304xf32, #tpu.memory_space<vmem>>[vector<16xi32>], vector<16xf32>,
      %mul3A_592 = arith.mulf %gather3A_591, %get3A_589 : vector<16xf32>
      %add3A_593 = arith.constant 64 : i32
      %add3A_594 = arith.addi %mul3A_542, %add3A_593 : i32
      %swap3A_595 = arith.index_cast %add3A_594 : i32 to index
      %swap3A_596 = tpu.vector_load %arg8[%swap3A_595] {strides = array<i32>} : memref<20736xf32, #tpu.memory_space<vmem>>, vector<16xf32>,
      tpu.vector_store %arg8[%swap3A_595], %mul3A_592 {strides = array<i32>} : memref<20736xf32, #tpu.memory_space<vmem>>, vector<16xf32>,
      %add3A_597 = arith.constant 80 : i32
      %add3A_598 = arith.addi %mul3A_542, %add3A_597 : i32
      %get3A_599 = arith.index_cast %add3A_598 : i32 to index
      %get3A_600 = tpu.vector_load %arg8[%get3A_599] {strides = array<i32>} : memref<20736xf32, #tpu.memory_space<vmem>>, vector<16xf32>,
      %add3A_601 = arith.addi %broadcast_in_dim3A, %select_n3A_200 : vector<16xi32>
      %gather3A_602 = tpu.vector_load_idx %arg12[%add3A_601] : memref<2304xf32, #tpu.memory_space<vmem>>[vector<16xi32>], vector<16xf32>,
      %mul3A_603 = arith.mulf %gather3A_602, %get3A_600 : vector<16xf32>
      %add3A_604 = arith.constant 80 : i32
      %add3A_605 = arith.addi %mul3A_542, %add3A_604 : i32
      %swap3A_606 = arith.index_cast %add3A_605 : i32 to index
      %swap3A_607 = tpu.vector_load %arg8[%swap3A_606] {strides = array<i32>} : memref<20736xf32, #tpu.memory_space<vmem>>, vector<16xf32>,
      tpu.vector_store %arg8[%swap3A_606], %mul3A_603 {strides = array<i32>} : memref<20736xf32, #tpu.memory_space<vmem>>, vector<16xf32>,
      %add3A_608 = arith.constant 96 : i32
      %add3A_609 = arith.addi %mul3A_542, %add3A_608 : i32
      %get3A_610 = arith.index_cast %add3A_609 : i32 to index
      %get3A_611 = tpu.vector_load %arg8[%get3A_610] {strides = array<i32>} : memref<20736xf32, #tpu.memory_space<vmem>>, vector<16xf32>,
      %add3A_612 = arith.addi %broadcast_in_dim3A, %select_n3A_234 : vector<16xi32>
      %gather3A_613 = tpu.vector_load_idx %arg12[%add3A_612] : memref<2304xf32, #tpu.memory_space<vmem>>[vector<16xi32>], vector<16xf32>,
      %mul3A_614 = arith.mulf %gather3A_613, %get3A_611 : vector<16xf32>
      %add3A_615 = arith.constant 96 : i32
      %add3A_616 = arith.addi %mul3A_542, %add3A_615 : i32
      %swap3A_617 = arith.index_cast %add3A_616 : i32 to index
      %swap3A_618 = tpu.vector_load %arg8[%swap3A_617] {strides = array<i32>} : memref<20736xf32, #tpu.memory_space<vmem>>, vector<16xf32>,
      tpu.vector_store %arg8[%swap3A_617], %mul3A_614 {strides = array<i32>} : memref<20736xf32, #tpu.memory_space<vmem>>, vector<16xf32>,
      %add3A_619 = arith.constant 112 : i32
      %add3A_620 = arith.addi %mul3A_542, %add3A_619 : i32
      %get3A_621 = arith.index_cast %add3A_620 : i32 to index
      %get3A_622 = tpu.vector_load %arg8[%get3A_621] {strides = array<i32>} : memref<20736xf32, #tpu.memory_space<vmem>>, vector<16xf32>,
      %add3A_623 = arith.addi %broadcast_in_dim3A, %select_n3A_268 : vector<16xi32>
      %gather3A_624 = tpu.vector_load_idx %arg12[%add3A_623] : memref<2304xf32, #tpu.memory_space<vmem>>[vector<16xi32>], vector<16xf32>,
      %mul3A_625 = arith.mulf %gather3A_624, %get3A_622 : vector<16xf32>
      %add3A_626 = arith.constant 112 : i32
      %add3A_627 = arith.addi %mul3A_542, %add3A_626 : i32
      %swap3A_628 = arith.index_cast %add3A_627 : i32 to index
      %swap3A_629 = tpu.vector_load %arg8[%swap3A_628] {strides = array<i32>} : memref<20736xf32, #tpu.memory_space<vmem>>, vector<16xf32>,
      tpu.vector_store %arg8[%swap3A_628], %mul3A_625 {strides = array<i32>} : memref<20736xf32, #tpu.memory_space<vmem>>, vector<16xf32>,
      %add3A_630 = arith.constant 128 : i32
      %add3A_631 = arith.addi %mul3A_542, %add3A_630 : i32
      %get3A_632 = arith.index_cast %add3A_631 : i32 to index
      %get3A_633 = tpu.vector_load %arg8[%get3A_632] {strides = array<i32>} : memref<20736xf32, #tpu.memory_space<vmem>>, vector<16xf32>,
      %add3A_634 = arith.addi %broadcast_in_dim3A, %select_n3A_302 : vector<16xi32>
      %gather3A_635 = tpu.vector_load_idx %arg12[%add3A_634] : memref<2304xf32, #tpu.memory_space<vmem>>[vector<16xi32>], vector<16xf32>,
      %mul3A_636 = arith.mulf %gather3A_635, %get3A_633 : vector<16xf32>
      %add3A_637 = arith.constant 128 : i32
      %add3A_638 = arith.addi %mul3A_542, %add3A_637 : i32
      %swap3A_639 = arith.index_cast %add3A_638 : i32 to index
      %swap3A_640 = tpu.vector_load %arg8[%swap3A_639] {strides = array<i32>} : memref<20736xf32, #tpu.memory_space<vmem>>, vector<16xf32>,
      tpu.vector_store %arg8[%swap3A_639], %mul3A_636 {strides = array<i32>} : memref<20736xf32, #tpu.memory_space<vmem>>, vector<16xf32>,
    }
    %scan3A_519 = arith.constant 144 : i32
    %add3A_520 = arith.constant 145152 : i32
    %add3A_521 = arith.addi %mul3A_2, %add3A_520 : i32
    %dma_start3A_522 = tpu.memref_slice %arg4[%add3A_521] : memref<5308416xf32, #tpu.memory_space<hbm>> -> memref<20736xf32, #tpu.memory_space<hbm>>
    %dma_start3A_523 = tpu.memref_slice %arg4[%add3A_521] : memref<5308416xf32, #tpu.memory_space<hbm>> -> memref<20736xf32, #tpu.memory_space<hbm>>
    tpu.enqueue_dma source(%arg8 : memref<20736xf32, #tpu.memory_space<vmem>>) target(%dma_start3A_523 : memref<20736xf32, #tpu.memory_space<hbm>>) target_semaphore(%arg20 : memref<!tpu.dma_semaphore, #tpu.memory_space<semaphore_mem>>)
    %add3A_524 = arith.constant 82944 : i32
    %add3A_525 = arith.addi %mul3A_2, %add3A_524 : i32
    %dma_wait3A_526 = tpu.memref_slice %arg4[%add3A_525] : memref<5308416xf32, #tpu.memory_space<hbm>> -> memref<20736xf32, #tpu.memory_space<hbm>>
    %dma_wait3A_527 = tpu.memref_slice %arg4[%add3A_525] : memref<5308416xf32, #tpu.memory_space<hbm>> -> memref<20736xf32, #tpu.memory_space<hbm>>
    tpu.wait_dma2 semaphore(%arg17 : memref<!tpu.dma_semaphore, #tpu.memory_space<semaphore_mem>>) src(%arg5 : memref<20736xf32, #tpu.memory_space<vmem>>) dst(%dma_wait3A_527 : memref<20736xf32, #tpu.memory_space<hbm>>)
    %add3A_528 = arith.constant 103680 : i32
    %add3A_529 = arith.addi %mul3A_2, %add3A_528 : i32
    %dma_wait3A_530 = tpu.memref_slice %arg4[%add3A_529] : memref<5308416xf32, #tpu.memory_space<hbm>> -> memref<20736xf32, #tpu.memory_space<hbm>>
    %dma_wait3A_531 = tpu.memref_slice %arg4[%add3A_529] : memref<5308416xf32, #tpu.memory_space<hbm>> -> memref<20736xf32, #tpu.memory_space<hbm>>
    tpu.wait_dma2 semaphore(%arg18 : memref<!tpu.dma_semaphore, #tpu.memory_space<semaphore_mem>>) src(%arg6 : memref<20736xf32, #tpu.memory_space<vmem>>) dst(%dma_wait3A_531 : memref<20736xf32, #tpu.memory_space<hbm>>)
    %add3A_532 = arith.constant 124416 : i32
    %add3A_533 = arith.addi %mul3A_2, %add3A_532 : i32
    %dma_wait3A_534 = tpu.memref_slice %arg4[%add3A_533] : memref<5308416xf32, #tpu.memory_space<hbm>> -> memref<20736xf32, #tpu.memory_space<hbm>>
    %dma_wait3A_535 = tpu.memref_slice %arg4[%add3A_533] : memref<5308416xf32, #tpu.memory_space<hbm>> -> memref<20736xf32, #tpu.memory_space<hbm>>
    tpu.wait_dma2 semaphore(%arg19 : memref<!tpu.dma_semaphore, #tpu.memory_space<semaphore_mem>>) src(%arg7 : memref<20736xf32, #tpu.memory_space<vmem>>) dst(%dma_wait3A_535 : memref<20736xf32, #tpu.memory_space<hbm>>)
    %add3A_536 = arith.constant 145152 : i32
    %add3A_537 = arith.addi %mul3A_2, %add3A_536 : i32
    %dma_wait3A_538 = tpu.memref_slice %arg4[%add3A_537] : memref<5308416xf32, #tpu.memory_space<hbm>> -> memref<20736xf32, #tpu.memory_space<hbm>>
    %dma_wait3A_539 = tpu.memref_slice %arg4[%add3A_537] : memref<5308416xf32, #tpu.memory_space<hbm>> -> memref<20736xf32, #tpu.memory_space<hbm>>
    tpu.wait_dma2 semaphore(%arg20 : memref<!tpu.dma_semaphore, #tpu.memory_space<semaphore_mem>>) src(%arg8 : memref<20736xf32, #tpu.memory_space<vmem>>) dst(%dma_wait3A_539 : memref<20736xf32, #tpu.memory_space<hbm>>)
    return
  }
}

</mosaic_0001>

<sc_bundles>
// kernel: kernel.3.cloned.1.call-start
scs
__scs_entry_jumppad:
0x0: {  	(pc) =	sbr.rel $0x88, $3  }
0x1: {  	(tag) =	ssettag $0x0;
	lr =	simm.s32 $0x1  }
0x2: {  	[smem:$0x3F9F] =	sst lr;
	_ =	strace $0xD0000000  }
0x3: {  	_ = 	snop  }
0x4: {  	_ = 	snop  }
0x5: {  	_ = 	snop  }
0x6: {  	_ = 	snop  }
0x7: {  	_ = 	snop  }
__scs_overlays_trampoline_lowered:
0x8: {  	[smem:$0x3FAE] =	sst s0  }
0x9: {  	[smem:$0x3FAF] =	sst s1  }
0xa: {  	[smem:$0x3FB0] =	sst s2  }
0xb: {  	[smem:$0x3FB1] =	sst s3  }
0xc: {  	[smem:$0x3FB2] =	sst s4  }
0xd: {  	[smem:$0x3FB3] =	sst s5  }
0xe: {  	[smem:$0x3FB4] =	sst s6  }
0xf: {  	[smem:$0x3FB5] =	sst s7  }
0x10: {  	[smem:$0x3FB6] =	sst s8  }
0x11: {  	[smem:$0x3FB7] =	sst s9;
	s0 =	simm.s32 @!p0 $0x0  }
0x12: {  	s1 =	sld [smem:$0x3F9D];
	s0 =	simm.s32 @p0 $0x1  }
0x13: {  	[smem:$0x3FB8] =	sst s0;
	s0 =	simm.s32 @!p1 $0x0  }
0x14: {  	s2 =	sld [smem:$0x3F9C];
	s0 =	simm.s32 @p1 $0x1  }
0x15: {  	[smem:$0x3FB9] =	sst s0;
	s0 =	simm.s32 @!p2 $0x0  }
0x16: {  	s3 =	sld [smem:$0x3FDB];
	s0 =	simm.s32 @p2 $0x1  }
0x17: {  	s4 =	simm.s32 $0x1BF5;
	[smem:$0x3FBB] =	sst s0  }
0x18: {  	s0 =	sld [smem:$0x3F9E];
	_ =	swait.ge [sflag:s4], $0x0  }
0x19: {  	s7 =	sld [smem:$0x3F9F]  }
0x1a: {  	s8 =	sadd.s32 $0xFFFFE003, lr  }
0x1b: {  	s9 =	sadd.s32 $0xFFFFFEF7, lr;
	s5 =	simm.s32 $0xFFFFFFFF;
	p2 =	slt.u32 s8, $0xFFFFF086  }
0x1c: {  	p1 =	slt.u32 s9, $0xF7A;
	s5 =	simm.s32 @!p2 $0x0  }
0x1d: {  	s5 =	simm.s32 @p1 $0x1;
	p0 =	seq.s32 s7, s2  }
0x1e: {  	s7 =	smul.u32 @!p0 $0xF7A, s2;
	p2 =	seq.s32 @!p0 s5, $0x0  }
0x1f: {  	s9 =	smul.u32 $0xF7A, s1;
	s8 =	simm.s32 @!p0 $0x1BF5;
	p2 =	por !p2, p0  }
0x20: {  	[sflag:s8] =	ssyncset.s32 @!p0 $0xFFFFF086;
	s6 =	sadd.s32 @!p0 s3, s7;
	s7 =	simm.s32 @!p0 $0x108  }
0x21: {  	s3 =	sadd.s32 s3, s9;
	s6 =	sadd.s32 @!p0 $0x88, s6;
	s7 =	simm.s32 @p2 $0x1082  }
0x22: {  	[simem:s7], [sflag:s8] =	dma.local @!p0 [hbm:s6], $0xF7A  }
0x23: {  	s9 =	sor.u32 $0xD0000000, s2;
	s6 =	simm.s32 $0x108;
	_ =	swait.ge @!p0 [sflag:s8], $0x0  }
0x24: {  	s3 =	sadd.s32 $0x88, s3;
	s6 =	simm.s32 @!p1 $0x1082;
	[sflag:s4] =	ssyncset.s32 $0xFFFFF086  }
0x25: {  	[simem:s6], [sflag:s4] =	dma.local [hbm:s3], $0xF7A  }
0x26: {  	[smem:$0x3F9F] =	sst s1;
	(tag) =	ssettag s2;
	_ =	strace s9  }
0x27: {  	s1 =	sld [smem:$0x3FAF]  }
0x28: {  	s2 =	sld [smem:$0x3FB0]  }
0x29: {  	s4 =	sld [smem:$0x3FB2]  }
0x2a: {  	p0 =	seq.s32 s5, $0x0;
	s5 =	sld [smem:$0x3FB3]  }
0x2b: {  	s6 =	sld [smem:$0x3FB4]  }
0x2c: {  	s7 =	sld [smem:$0x3FB5]  }
0x2d: {  	s3 =	simm.s32 $0x108;
	s8 =	sld [smem:$0x3FB6]  }
0x2e: {  	s3 =	simm.s32 @!p0 $0x1082;
	s9 =	sld [smem:$0x3FB7]  }
0x2f: {  	lr =	sadd.s32 s0, s3;
	s0 =	sld [smem:$0x3FAE]  }
0x30: {  	s3 =	sld [smem:$0x3FB1]  }
0x31: {  	[smem:$0x3FBA] =	sst s10  }
0x32: {  	s10 =	sld [smem:$0x3FB8];
	_ =	sdelay $0x3  }
0x33: {  	p0 =	seq.s32 s10, $0x1;
	s10 =	sld [smem:$0x3FBA];
	_ =	sdelay $0x3  }
0x34: {  	[smem:$0x3FBA] =	sst s10  }
0x35: {  	s10 =	sld [smem:$0x3FB9];
	_ =	sdelay $0x3  }
0x36: {  	p1 =	seq.s32 s10, $0x1;
	s10 =	sld [smem:$0x3FBA];
	_ =	sdelay $0x3  }
0x37: {  	[smem:$0x3FBA] =	sst s10  }
0x38: {  	s10 =	sld [smem:$0x3FBB]  }
0x39: {  	_ = 	snop;
	(pc) =	sbr.ind lr, $3  }
0x3a: {  	_ = 	snop  }
0x3b: {  	_ = 	snop  }
0x3c: {  	p2 =	seq.s32 s10, $0x1;
	s10 =	sld [smem:$0x3FBA]  }
0x3d: {  	_ =	shalt  }
0x3e: {  	_ =	shalt  }
0x3f: {  	_ =	shalt  }
0x40: {  	_ =	shalt  }
0x41: {  	_ =	shalt  }
0x42: {  	_ =	shalt  }
0x43: {  	_ =	shalt  }
0x44: {  	_ =	shalt  }
0x45: {  	_ =	shalt  }
0x46: {  	_ =	shalt  }
0x47: {  	_ =	shalt  }
0x48: {  	_ =	shalt  }
0x49: {  	_ =	shalt  }
0x4a: {  	_ =	shalt  }
0x4b: {  	_ =	shalt  }
0x4c: {  	_ =	shalt  }
0x4d: {  	_ =	shalt  }
0x4e: {  	_ =	shalt  }
0x4f: {  	_ =	shalt  }
0x50: {  	_ =	shalt  }
0x51: {  	_ =	shalt  }
0x52: {  	_ =	shalt  }
0x53: {  	_ =	shalt  }
0x54: {  	_ =	shalt  }
0x55: {  	_ =	shalt  }
0x56: {  	_ =	shalt  }
0x57: {  	_ =	shalt  }
0x58: {  	_ =	shalt  }
0x59: {  	_ =	shalt  }
0x5a: {  	_ =	shalt  }
0x5b: {  	_ =	shalt  }
0x5c: {  	_ =	shalt  }
0x5d: {  	_ =	shalt  }
0x5e: {  	_ =	shalt  }
0x5f: {  	_ =	shalt  }
0x60: {  	_ =	shalt  }
0x61: {  	_ =	shalt  }
0x62: {  	_ =	shalt  }
0x63: {  	_ =	shalt  }
0x64: {  	_ =	shalt  }
0x65: {  	_ =	shalt  }
0x66: {  	_ =	shalt  }
0x67: {  	_ =	shalt  }
0x68: {  	_ =	shalt  }
0x69: {  	_ =	shalt  }
0x6a: {  	_ =	shalt  }
0x6b: {  	_ =	shalt  }
0x6c: {  	_ =	shalt  }
0x6d: {  	_ =	shalt  }
0x6e: {  	_ =	shalt  }
0x6f: {  	_ =	shalt  }
0x70: {  	_ =	shalt  }
0x71: {  	_ =	shalt  }
0x72: {  	_ =	shalt  }
0x73: {  	_ =	shalt  }
0x74: {  	_ =	shalt  }
0x75: {  	_ =	shalt  }
0x76: {  	_ =	shalt  }
0x77: {  	_ =	shalt  }
0x78: {  	_ =	shalt  }
0x79: {  	_ =	shalt  }
0x7a: {  	_ =	shalt  }
0x7b: {  	_ =	shalt  }
0x7c: {  	_ =	shalt  }
0x7d: {  	_ =	shalt  }
0x7e: {  	_ =	shalt  }
0x7f: {  	_ =	shalt  }
0x80: {  	_ =	shalt  }
0x81: {  	_ =	shalt  }
0x82: {  	_ =	shalt  }
0x83: {  	_ =	shalt  }
0x84: {  	_ =	shalt  }
0x85: {  	_ =	shalt  }
0x86: {  	_ =	shalt  }
0x87: {  	_ =	shalt  }
.Lfunc_end0:
.L_simem_size_0:
called_computation_lowered:
.L_overlay_start_0:
0x88: {  	s2 =	sld [smem:$0x3FD9]  }
0x89: {  	s3 =	sld [smem:$0x3FFE];
	_ =	sdelay $0x1  }
0x8a: {  	s1 =	srdreg.scid  }
0x8b: {  	s0 =	sand.u32 $0x1, s1  }
0x8c: {  	s17 =	sshll.u32 s0, $0xA;
	s2 =	sadd.s32 s3, s2  }
0x8d: {  	s2 =	sadd.s32 s2, s17  }
0x8e: {  	[smem:$0x3FC6] =	sst s2  }
0x8f: {  	_ = 	snop  }
0x90: {  	s2 =	sld [smem:$0x3FD0];
	(tm) =	ssettm $0x1  }
0x91: {  	s18 =	sld [smem:$0x3FFB];
	_ =	sdelay $0x3  }
0x92: {  	_ =	strace s18  }
0x93: {  	s3 =	sld [smem:$0x3FFC];
	_ =	sdelay $0x3  }
0x94: {  	_ =	strace s3  }
0x95: {  	s3 =	sld [smem:$0x3FFD];
	_ =	sdelay $0x3  }
0x96: {  	_ =	strace s3  }
0x97: {  	_ =	strace $0x8FFFFFFF  }
0x98: {  	s19 =	sld [smem:$0x3FDB];
	_ =	sdelay $0x1  }
0x99: {  	s4 =	simm.s32 $_scs_section_size  }
0x9a: {  	s5 =	simm.s32 $_size__tile_overlayer_lowered;
	s6 =	simm.s32 $_tile_overlayer_lowered  }
0x9b: {  	s22 =	simm.s32 $0x1BFF;
	s21 =	sshll.u32 s6, $0x1;
	s3 =	sadd.s32 s4, s19  }
0x9c: {  	s7 =	simm.s32 $0x0;
	s20 =	sshll.u32 s5, $0x1;
	s5 =	sadd.s32 s21, s3  }
0x9d: {  	[timem:s7], [sflag:s22] =	dma.local [hbm:s5], s20  }
0x9e: {  	_ =	swait.ge [sflag:s22], s20  }
0x9f: {  	s4 =	ssub.s32 $0x0, s20;
	[sflag:s22] =	ssyncset.done $0x0  }
0xa0: {  	[sflag:s22] =	ssyncadd.s32 s4;
	_ =	sdelay $0x1  }
0xa1: {  	s23 =	simm.s32 $0x1B8B  }
0xa2: {  	_ =	swait.ge [sflag:s23], $0x1  }
0xa3: {  	[sflag:s23] =	ssyncset.done $0x0  }
0xa4: {  	s25 =	simm.s32 $0x1B8E;
	s24 =	sld [smem:$0x3FFE];
	[sflag:s23] =	ssyncadd.s32 $0xFFFFFFFF  }
0xa5: {  	s26 =	simm.s32 $execute0_lowered;
	[smem:$0x3FD2] =	sst s25  }
0xa6: {  	s5 =	sshll.u32 s26, $0x1;
	_ =	strace $0x80000046;
	[dreg:$0x1] =	wrdreg $0xFFFFFFFF  }
0xa7: {  	s28 =	simm.s32 $_size_execute0_lowered;
	s3 =	sadd.s32 s3, s5;
	[dreg:$0x0] =	wrdreg $0x0  }
0xa8: {  	s5 =	sshll.u32 s28, $0x1;
	[dreg:$0x2] =	wrdreg s3  }
0xa9: {  	[dreg:$0x3] =	wrdreg s5  }
0xaa: {  	[dreg:$0x4] =	wrdreg $0xC0  }
0xab: {  	_ =	task [dreg:s7], $0x5FFFF  }
0xac: {  	[dreg:$0x1] =	wrdreg $0xFFFFFFFF  }
0xad: {  	[dreg:$0x0] =	wrdreg $0x60  }
0xae: {  	[dreg:$0x2] =	wrdreg s24  }
0xaf: {  	[dreg:$0x3] =	wrdreg s2  }
0xb0: {  	[dreg:$0x4] =	wrdreg $0x9  }
0xb1: {  	_ =	task.clear_ibuf [dreg:s7], $0x5FFFF;
	_ =	strace $0x90000046  }
0xb2: {  	s29 =	simm.s32 $0x9;
	_ =	strace $0x80000048  }
0xb3: {  	_ =	swait.ge [sflag:s29], $0x1  }
0xb4: {  	[sflag:s29] =	ssyncadd.s32 $0xFFFFFFFF  }
0xb5: {  	_ =	strace $0x90000048  }
0xb6: {  	_ =	sfence  }
0xb7: {  	s30 =	sld [smem:$0x0];
	_ =	sdelay $0x2  }
0xb8: {  	s31 =	sshll.u32 s1, $0xD;
	s1 =	sshrl.u32 s1, $0x2  }
0xb9: {  	s3 =	sand.u32 $0x4000, s31;
	s1 =	sadd.s32 s1, s30  }
0xba: {  	s0 =	sor.u32 s3, s0;
	s1 =	sshll.u32 s1, $0x11  }
0xbb: {  	s0 =	sor.u32 s1, s0  }
0xbc: {  	s0 =	sadd.s32 $0x8F2B, s0  }
0xbd: {  	[sflag:s0] =	ssyncadd.remote.s32 $0x1  }
0xbe: {  	_ =	sfence.sel $0xFFFF  }
0xbf: {  	[dreg:$0x0] =	wrdreg $0xFFFFFFFF;
	(pc) =	sbr.abs _section_cstart, $3  }
0xc0: {  	[dreg:$0x1] =	wrdreg $0xFFFFFFFF  }
0xc1: {  	_ =	task.clear_ibuf [dreg:s7], $0x2FFFF;
	_ =	strace $0x9FFFFFFF  }
0xc2: {  	(tm) =	ssettm $0x7FFFFFFF  }
0xc3: {  	_ =	shalt  }
tec
execute0_lowered:
.L_overlay_start_1:
0x0: {  	(tag) =	ssettag $0x1  }
0x1: {  	s0 =	srdreg.scid;
	s2 =	stileid.u32  }
0x2: {  	s0 =	sand.u32 $0x1, s0;
	s2 =	sshll.u32 s2, $0x1  }
0x3: {  	s1 =	rddreg [dreg:$0x0];
	s4 =	sor.u32 s0, s2  }
0x4: {  	s3 =	rddreg [dreg:$0x1];
	s29 =	simm.s32 $0x14400;
	s5 =	smul.u32 $0x4800, s4  }
0x5: {  	s30 =	simm.s32 $0x5100;
	s31 =	simm.s32 $0x14D00;
	s4 =	smul.u32 $0x28800, s4  }
0x6: {  	s11 =	simm.s32 $0x7;
	s2 =	simm.s32 $0x0;
	s0 =	ssub.s32 $0x2, s0  }
0x7: {  	[smem:$0x7FF] =	sst s2;
	s5 =	sshrl.u32 s5, $0x3;
	s4 =	sshrl.u32 s4, $0x3  }
0x8: {  	_ =	strace $0x80000047;
	s5 =	sadd.s32 s5, s1;
	s12 =	sadd.s32 s3, s4  }
0x9: {  	s14 =	sadd.s32 $0xA20, s4;
	[dreg:$0x3] =	wrdreg s12;
	s13 =	sadd.s32 $0x600, s5  }
0xa: {  	s6 =	sshrl.u32 s0, $0x1;
	s7 =	sadd.s32 s3, s14;
	[dreg:$0x4] =	wrdreg s13  }
0xb: {  	s16 =	sadd.s32 $0x1440, s4;
	s15 =	sadd.s32 $0x720, s5;
	[dreg:$0x5] =	wrdreg s7  }
0xc: {  	s0 =	ssub.s32 s0, s6;
	s8 =	sadd.s32 s3, s16;
	[dreg:$0x6] =	wrdreg s15  }
0xd: {  	s1 =	sadd.s32 $0x12600, s1;
	s17 =	sadd.s32 $0x840, s5;
	[dreg:$0x7] =	wrdreg s8  }
0xe: {  	s18 =	sadd.s32 $0x1E60, s4;
	s9 =	sadd.s32 s1, s4;
	[dreg:$0x8] =	wrdreg s17  }
0xf: {  	s28 =	smax.u32 s0, $0x1;
	s19 =	sadd.s32 s3, s18;
	[dreg:$0x9] =	wrdreg s9  }
0x10: {  	s0 =	simm.s32 $0x15600;
	s20 =	sadd.s32 $0x960, s5;
	[dreg:$0xa] =	wrdreg s19  }
0x11: {  	v0 =	vimm.s32 $0x2020101;
	v1 =	vimm.s32 $0x1;
	vm0 =	vcmask $0x2300;
	s21 =	sadd.s32 $0x2880, s4;
	s6 =	sadd.s32 s1, s14;
	[dreg:$0xb] =	wrdreg s20  }
0x12: {  	vm7 =	vcmask $0xF00;
	vm1 =	vcmask $0x2B10;
	vm8 =	vcmask $0x3310;
	s22 =	sadd.s32 $0x32A0, s4;
	s10 =	sadd.s32 s3, s21;
	[dreg:$0xc] =	wrdreg s6  }
0x13: {  	vm9 =	vcmask $0x1700;
	v3 =	vimm.s32 $0x9090908;
	v4 =	vimm.s32 $0x7;
	s25 =	sadd.s32 $0x3CC0, s4;
	s23 =	sadd.s32 s3, s22;
	[dreg:$0xd] =	wrdreg s10  }
0x14: {  	vm10 =	vcmask $0x3B18;
	vm11 =	vcmask $0x2710;
	vm12 =	vcmask $0x2F10;
	s24 =	sadd.s32 s1, s18;
	s4 =	sadd.s32 $0x46E0, s4;
	[dreg:$0xf] =	wrdreg s23  }
0x15: {  	vm13 =	vcmask $0x1300;
	v7 =	vimm.s32 $0xE;
	vm14 =	vcmask $0x3714;
	s26 =	sadd.s32 s3, s25;
	s12 =	simm.s32 $0x8;
	[dreg:$0x10] =	wrdreg s24  }
0x16: {  	v9 =	vimm.s32 $0xF;
	vm15 =	vcmask $0x1B00;
	v2 =	vunpack.c.0.s8.s32 v0;
	s7 =	sadd.s32 s1, s16;
	[dreg:$0x11] =	wrdreg s26;
	s6 =	sadd.s32 s1, s21  }
0x17: {  	v5 =	vunpack.c.0.s8.s32 v3;
	v3 =	vimm.s32 $0xB0A0A0A;
	v4 =	vsel vm9, $0x5, v4;
	s3 =	sadd.s32 s3, s4;
	s20 =	sadd.s32 s1, s22;
	s21 =	sadd.s32 s1, s25  }
0x18: {  	v0 =	vsel vm0, $0x0, v1;
	v6 =	vunpack.c.0.s8.s32 v3;
	v3 =	vsel vm10, $0x6, v4;
	s22 =	sadd.s32 s1, s4;
	s23 =	sadd.s32 $0xA80, s5;
	s24 =	sadd.s32 $0xBA0, s5  }
0x19: {  	v1 =	vnsel vm7, $0x3, v2;
	v2 =	vimm.s32 $0x5;
	v4 =	vnsel vm7, $0xA, v5;
	s25 =	sadd.s32 $0xCC0, s5;
	s26 =	sadd.s32 $0xDE0, s5;
	s1 =	simm.s32 $0xA200  }
0x1a: {  	v5 =	vlaneseq.u32;
	v1 =	vsel vm1, $0x2, v1;
	v2 =	vsel vm7, $0x3, v2;
	s4 =	simm.s32 $0xF300;
	s5 =	simm.s32 $0x15F00;
	[dreg:$0xe] =	wrdreg s7  }
0x1b: {  	v4 =	vsel vm11, $0x9, v4;
	v6 =	vnsel vm7, $0xC, v6;
	v8 =	vshrl.u32 v5, $0x3;
	s8 =	simm.s32 $0x3;
	s9 =	simm.s32 $0x6;
	[dreg:$0x12] =	wrdreg s6  }
0x1c: {  	v2 =	vsel vm8, $0x4, v2;
	v5 =	vsel vm12, $0xB, v6;
	v6 =	vsel vm13, $0xC, v7;
	s10 =	simm.s32 $0x4;
	s13 =	simm.s32 $0x0;
	[dreg:$0x13] =	wrdreg s3  }
0x1d: {  	v7 =	vadd.s32 $0x7, v8;
	v8 =	vsel vm15, $0xE, v9;
	v6 =	vsel vm14, $0xD, v6;
	s3 =	simm.s32 $0x1;
	s6 =	simm.s32 $0x2;
	s7 =	simm.s32 $0x5  }
.LBB2_1:
0x1e: {  	s14 =	rddreg [dreg:$0x3]  }
0x1f: {  	[tilespmem:s2], [sflag:$0x1] =	stream.linear.gather [hbm4b:s14+s2], $0x5100, $0x38;
	[tilespmem:$0x16800] =	vst v63  }
0x20: {  	s15 =	rddreg [dreg:$0x4]  }
0x21: {  	[tilespmem:s29], [sflag:$0x1] =	stream.linear.gather [hbm4b:s15+s2], $0x900, $0x38;
	[tilespmem:$0x16800] =	vst v63  }
0x22: {  	s16 =	rddreg [dreg:$0x5]  }
0x23: {  	[tilespmem:s30], [sflag:$0x2] =	stream.linear.gather [hbm4b:s16+s2], $0x5100, $0x38;
	[tilespmem:$0x16800] =	vst v63  }
0x24: {  	s17 =	rddreg [dreg:$0x6]  }
0x25: {  	[tilespmem:s31], [sflag:$0x2] =	stream.linear.gather [hbm4b:s17+s2], $0x900, $0x38;
	[tilespmem:$0x16800] =	vst v63  }
0x26: {  	s18 =	rddreg [dreg:$0x7]  }
0x27: {  	[tilespmem:s1], [sflag:$0x3] =	stream.linear.gather [hbm4b:s18+s2], $0x5100, $0x38;
	[tilespmem:$0x16800] =	vst v63  }
0x28: {  	s19 =	rddreg [dreg:$0x8]  }
0x29: {  	[tilespmem:s0], [sflag:$0x3] =	stream.linear.gather [hbm4b:s19+s2], $0x900, $0x38;
	[tilespmem:$0x16800] =	vst v63  }
0x2a: {  	_ =	swait.ge [sflag:s3], $0x5100  }
0x2b: {  	v9 =	vor.u32 s2, v0;
	[sflag:s3] =	ssyncset.done $0x0  }
0x2c: {  	[sflag:s3] =	ssyncadd.s32 $0xFFFFAF00  }
0x2d: {  	_ =	swait.ge [sflag:s3], $0x900  }
0x2e: {  	[sflag:s3] =	ssyncset.done $0x0  }
0x2f: {  	[sflag:s3] =	ssyncadd.s32 $0xFFFFF700  }
0x30: {  	s14 =	simm.s32 $0x40;
	v9 =	vld.idx.msk [tilespmem:v9+s29+$0x0], $0xffff  }
0x31: {  	v10 =	vld [tilespmem:s14+$0xFFFFFFC0];
	_ =	sdelay $0x2  }
0x32: {  	v11 =	vor.u32 s2, v1;
	_ =	sdelay $0x1  }
0x33: {  	v9 =	vmul.f32 v9, v10;
	_ =	sdelay $0x1  }
0x34: {  	v10 =	vld [tilespmem:s14+$0xFFFFFFD0];
	[tilespmem:s14+$0xFFFFFFC0] =	vst v9  }
0x35: {  	v9 =	vld.idx.msk [tilespmem:v11+s29+$0x0], $0xffff;
	_ =	sdelay $0x2  }
0x36: {  	v11 =	vor.u32 s2, v2;
	_ =	sdelay $0x1  }
0x37: {  	v9 =	vmul.f32 v9, v10;
	_ =	sdelay $0x1  }
0x38: {  	v10 =	vld [tilespmem:s14+$0xFFFFFFE0];
	[tilespmem:s14+$0xFFFFFFD0] =	vst v9  }
0x39: {  	v9 =	vld.idx.msk [tilespmem:v11+s29+$0x0], $0xffff;
	_ =	sdelay $0x2  }
0x3a: {  	v11 =	vor.u32 s2, v3;
	_ =	sdelay $0x1  }
0x3b: {  	v9 =	vmul.f32 v9, v10;
	_ =	sdelay $0x1  }
0x3c: {  	v10 =	vld [tilespmem:s14+$0xFFFFFFF0];
	[tilespmem:s14+$0xFFFFFFE0] =	vst v9  }
0x3d: {  	v9 =	vld.idx.msk [tilespmem:v11+s29+$0x0], $0xffff;
	_ =	sdelay $0x2  }
0x3e: {  	v11 =	vor.u32 s2, v7;
	_ =	sdelay $0x1  }
0x3f: {  	v9 =	vmul.f32 v9, v10;
	_ =	sdelay $0x1  }
0x40: {  	v10 =	vld [tilespmem:s14+$0x0];
	[tilespmem:s14+$0xFFFFFFF0] =	vst v9  }
0x41: {  	v9 =	vld.idx.msk [tilespmem:v11+s29+$0x0], $0xffff;
	_ =	sdelay $0x2  }
0x42: {  	v11 =	vor.u32 s2, v4;
	_ =	sdelay $0x1  }
0x43: {  	v9 =	vmul.f32 v9, v10;
	_ =	sdelay $0x1  }
0x44: {  	v10 =	vld [tilespmem:s14+$0x10];
	[tilespmem:s14+$0x0] =	vst v9  }
0x45: {  	v9 =	vld.idx.msk [tilespmem:v11+s29+$0x0], $0xffff;
	_ =	sdelay $0x2  }
0x46: {  	v11 =	vor.u32 s2, v5;
	_ =	sdelay $0x1  }
0x47: {  	v9 =	vmul.f32 v9, v10;
	_ =	sdelay $0x1  }
0x48: {  	v10 =	vld [tilespmem:s14+$0x20];
	[tilespmem:s14+$0x10] =	vst v9  }
0x49: {  	v9 =	vld.idx.msk [tilespmem:v11+s29+$0x0], $0xffff;
	_ =	sdelay $0x2  }
0x4a: {  	v11 =	vor.u32 s2, v6;
	_ =	sdelay $0x1  }
0x4b: {  	v9 =	vmul.f32 v9, v10;
	_ =	sdelay $0x1  }
0x4c: {  	v10 =	vld [tilespmem:s14+$0x30];
	[tilespmem:s14+$0x20] =	vst v9  }
0x4d: {  	v9 =	vld.idx.msk [tilespmem:v11+s29+$0x0], $0xffff;
	_ =	sdelay $0x2  }
0x4e: {  	v11 =	vor.u32 s2, v8;
	_ =	sdelay $0x1  }
0x4f: {  	v9 =	vmul.f32 v9, v10;
	_ =	sdelay $0x1  }
0x50: {  	[tilespmem:s14+$0x30] =	vst v9  }
0x51: {  	s19 =	sand.u32 $0xFFF0, s2;
	v10 =	vld.idx.msk [tilespmem:v11+s29+$0x0], $0xffff  }
0x52: {  	v11 =	vld [tilespmem:s19+$0x80];
	_ =	sdelay $0x1  }
0x53: {  	s16 =	simm.s32 $0x10  }
0x54: {  	v9 =	vor.u32 s16, v0;
	_ =	sdelay $0x1  }
0x55: {  	s15 =	simm.s32 $0x90;
	s17 =	simm.s32 $0x120;
	v10 =	vmul.f32 v10, v11  }
.LBB2_2:
0x56: {  	p0 =	sne.s32 s17, $0x5070  }
0x57: {  	s14 =	sadd.s32 $0x90, s14;
	s18 =	smov.u32 s17;
	s17 =	sadd.s32 $0x90, s17;
	[tilespmem:s19+$0x80] =	vst v10  }
0x58: {  	v9 =	vld.idx.msk [tilespmem:v9+s29+$0x0], $0xffff  }
0x59: {  	v10 =	vld [tilespmem:s14+$0xFFFFFFC0];
	_ =	sdelay $0x2  }
0x5a: {  	v11 =	vor.u32 s16, v1;
	_ =	sdelay $0x1  }
0x5b: {  	v9 =	vmul.f32 v9, v10;
	_ =	sdelay $0x1  }
0x5c: {  	[tilespmem:s14+$0xFFFFFFC0] =	vst v9  }
0x5d: {  	v9 =	vld.idx.msk [tilespmem:v11+s29+$0x0], $0xffff  }
0x5e: {  	v10 =	vld [tilespmem:s14+$0xFFFFFFD0];
	_ =	sdelay $0x2  }
0x5f: {  	v11 =	vor.u32 s16, v2;
	_ =	sdelay $0x1  }
0x60: {  	v9 =	vmul.f32 v9, v10;
	_ =	sdelay $0x1  }
0x61: {  	[tilespmem:s14+$0xFFFFFFD0] =	vst v9  }
0x62: {  	v9 =	vld.idx.msk [tilespmem:v11+s29+$0x0], $0xffff  }
0x63: {  	v10 =	vld [tilespmem:s14+$0xFFFFFFE0];
	_ =	sdelay $0x2  }
0x64: {  	v11 =	vor.u32 s16, v3;
	_ =	sdelay $0x1  }
0x65: {  	v9 =	vmul.f32 v9, v10;
	_ =	sdelay $0x1  }
0x66: {  	[tilespmem:s14+$0xFFFFFFE0] =	vst v9  }
0x67: {  	v9 =	vld.idx.msk [tilespmem:v11+s29+$0x0], $0xffff  }
0x68: {  	v10 =	vld [tilespmem:s14+$0xFFFFFFF0];
	_ =	sdelay $0x2  }
0x69: {  	v11 =	vor.u32 s16, v7;
	_ =	sdelay $0x1  }
0x6a: {  	v9 =	vmul.f32 v9, v10;
	_ =	sdelay $0x1  }
0x6b: {  	[tilespmem:s14+$0xFFFFFFF0] =	vst v9  }
0x6c: {  	v9 =	vld.idx.msk [tilespmem:v11+s29+$0x0], $0xffff  }
0x6d: {  	v10 =	vld [tilespmem:s14+$0x0];
	_ =	sdelay $0x2  }
0x6e: {  	v11 =	vor.u32 s16, v4;
	_ =	sdelay $0x1  }
0x6f: {  	v9 =	vmul.f32 v9, v10;
	_ =	sdelay $0x1  }
0x70: {  	[tilespmem:s14+$0x0] =	vst v9  }
0x71: {  	v9 =	vld.idx.msk [tilespmem:v11+s29+$0x0], $0xffff  }
0x72: {  	v10 =	vld [tilespmem:s14+$0x10];
	_ =	sdelay $0x2  }
0x73: {  	v11 =	vor.u32 s16, v5;
	_ =	sdelay $0x1  }
0x74: {  	v9 =	vmul.f32 v9, v10;
	_ =	sdelay $0x1  }
0x75: {  	[tilespmem:s14+$0x10] =	vst v9  }
0x76: {  	v9 =	vld.idx.msk [tilespmem:v11+s29+$0x0], $0xffff  }
0x77: {  	v10 =	vld [tilespmem:s14+$0x20];
	_ =	sdelay $0x2  }
0x78: {  	v11 =	vor.u32 s16, v6;
	_ =	sdelay $0x1  }
0x79: {  	v9 =	vmul.f32 v9, v10;
	_ =	sdelay $0x1  }
0x7a: {  	[tilespmem:s14+$0x20] =	vst v9  }
0x7b: {  	v9 =	vld.idx.msk [tilespmem:v11+s29+$0x0], $0xffff  }
0x7c: {  	v10 =	vld [tilespmem:s14+$0x30];
	_ =	sdelay $0x2  }
0x7d: {  	v11 =	vor.u32 s16, v8;
	_ =	sdelay $0x1  }
0x7e: {  	v9 =	vmul.f32 v9, v10;
	_ =	sdelay $0x1  }
0x7f: {  	[tilespmem:s14+$0x30] =	vst v9  }
0x80: {  	s19 =	sand.u32 $0xFFF0, s15;
	s15 =	smov.u32 s18;
	v10 =	vld.idx.msk [tilespmem:v11+s29+$0x0], $0xffff  }
0x81: {  	v11 =	vld [tilespmem:s19+$0x80]  }
.Ltmp0:
0x82: {  	(pc) =	sbr.rel @p0 .LBB2_2-.Ltmp0, $3  }
0x83: {  	s16 =	sadd.s32 $0x10, s16  }
0x84: {  	v9 =	vor.u32 s16, v0;
	_ =	sdelay $0x1  }
0x85: {  	v10 =	vmul.f32 v10, v11  }
0x86: {  	_ =	sdelay $0x2  }
0x87: {  	[tilespmem:s19+$0x80] =	vst v10  }
0x88: {  	s14 =	sadd.s32 $0x90, s14;
	v9 =	vld.idx.msk [tilespmem:v9+s29+$0x0], $0xffff  }
0x89: {  	v10 =	vld [tilespmem:s14+$0xFFFFFFC0];
	_ =	sdelay $0x2  }
0x8a: {  	v11 =	vor.u32 s16, v1;
	_ =	sdelay $0x1  }
0x8b: {  	v9 =	vmul.f32 v9, v10;
	_ =	sdelay $0x1  }
0x8c: {  	v10 =	vld [tilespmem:s14+$0xFFFFFFD0];
	[tilespmem:s14+$0xFFFFFFC0] =	vst v9  }
0x8d: {  	v9 =	vld.idx.msk [tilespmem:v11+s29+$0x0], $0xffff;
	_ =	sdelay $0x2  }
0x8e: {  	v11 =	vor.u32 s16, v2;
	_ =	sdelay $0x1  }
0x8f: {  	v9 =	vmul.f32 v9, v10;
	_ =	sdelay $0x1  }
0x90: {  	v10 =	vld [tilespmem:s14+$0xFFFFFFE0];
	[tilespmem:s14+$0xFFFFFFD0] =	vst v9  }
0x91: {  	v9 =	vld.idx.msk [tilespmem:v11+s29+$0x0], $0xffff;
	_ =	sdelay $0x2  }
0x92: {  	v11 =	vor.u32 s16, v3;
	_ =	sdelay $0x1  }
0x93: {  	v9 =	vmul.f32 v9, v10;
	_ =	sdelay $0x1  }
0x94: {  	v10 =	vld [tilespmem:s14+$0xFFFFFFF0];
	[tilespmem:s14+$0xFFFFFFE0] =	vst v9  }
0x95: {  	v9 =	vld.idx.msk [tilespmem:v11+s29+$0x0], $0xffff;
	_ =	sdelay $0x2  }
0x96: {  	v11 =	vor.u32 s16, v7;
	_ =	sdelay $0x1  }
0x97: {  	v9 =	vmul.f32 v9, v10;
	_ =	sdelay $0x1  }
0x98: {  	v10 =	vld [tilespmem:s14+$0x0];
	[tilespmem:s14+$0xFFFFFFF0] =	vst v9  }
0x99: {  	v9 =	vld.idx.msk [tilespmem:v11+s29+$0x0], $0xffff;
	_ =	sdelay $0x2  }
0x9a: {  	v11 =	vor.u32 s16, v4;
	_ =	sdelay $0x1  }
0x9b: {  	v9 =	vmul.f32 v9, v10;
	_ =	sdelay $0x1  }
0x9c: {  	v10 =	vld [tilespmem:s14+$0x10];
	[tilespmem:s14+$0x0] =	vst v9  }
0x9d: {  	v9 =	vld.idx.msk [tilespmem:v11+s29+$0x0], $0xffff;
	_ =	sdelay $0x2  }
0x9e: {  	v11 =	vor.u32 s16, v5;
	_ =	sdelay $0x1  }
0x9f: {  	v9 =	vmul.f32 v9, v10;
	_ =	sdelay $0x1  }
0xa0: {  	v10 =	vld [tilespmem:s14+$0x20];
	[tilespmem:s14+$0x10] =	vst v9  }
0xa1: {  	v9 =	vld.idx.msk [tilespmem:v11+s29+$0x0], $0xffff;
	_ =	sdelay $0x2  }
0xa2: {  	v11 =	vor.u32 s16, v6;
	_ =	sdelay $0x1  }
0xa3: {  	v9 =	vmul.f32 v9, v10;
	_ =	sdelay $0x1  }
0xa4: {  	v10 =	vld [tilespmem:s14+$0x30];
	[tilespmem:s14+$0x20] =	vst v9  }
0xa5: {  	v9 =	vld.idx.msk [tilespmem:v11+s29+$0x0], $0xffff;
	_ =	sdelay $0x2  }
0xa6: {  	v11 =	vor.u32 s16, v8;
	_ =	sdelay $0x1  }
0xa7: {  	v9 =	vmul.f32 v9, v10;
	_ =	sdelay $0x1  }
0xa8: {  	[tilespmem:s14+$0x30] =	vst v9  }
0xa9: {  	s15 =	sand.u32 $0xFFF0, s15;
	v9 =	vld.idx.msk [tilespmem:v11+s29+$0x0], $0xffff  }
0xaa: {  	v10 =	vld [tilespmem:s15+$0x80];
	_ =	sdelay $0x4  }
0xab: {  	v9 =	vmul.f32 v9, v10;
	_ =	sdelay $0x1  }
0xac: {  	s17 =	rddreg [dreg:$0x9];
	s16 =	simm.s32 $0x0;
	[tilespmem:s15+$0x80] =	vst v9  }
0xad: {  	[hbm4b:s17+s16] =	stream.linear.scatter [tilespmem:s16], [sflag:$0x5], $0x5100, $0x38;
	[tilespmem:$0x16800] =	vst v63  }
0xae: {  	s18 =	rddreg [dreg:$0xa]  }
0xaf: {  	[tilespmem:s4], [sflag:$0x4] =	stream.linear.gather [hbm4b:s18+s16], $0x5100, $0x38;
	[tilespmem:$0x16800] =	vst v63  }
0xb0: {  	s19 =	rddreg [dreg:$0xb]  }
0xb1: {  	[tilespmem:s5], [sflag:$0x4] =	stream.linear.gather [hbm4b:s19+s16], $0x900, $0x38;
	[tilespmem:$0x16800] =	vst v63  }
0xb2: {  	_ =	swait.ge [sflag:s6], $0x5100  }
0xb3: {  	v9 =	vor.u32 s16, v0;
	[sflag:s6] =	ssyncset.done $0x0  }
0xb4: {  	[sflag:s6] =	ssyncadd.s32 $0xFFFFAF00  }
0xb5: {  	_ =	swait.ge [sflag:s6], $0x900  }
0xb6: {  	[sflag:s6] =	ssyncset.done $0x0  }
0xb7: {  	[sflag:s6] =	ssyncadd.s32 $0xFFFFF700  }
0xb8: {  	s14 =	simm.s32 $0x5140;
	v9 =	vld.idx.msk [tilespmem:v9+s31+$0x0], $0xffff  }
0xb9: {  	v10 =	vld [tilespmem:s14+$0xFFFFFFC0];
	_ =	sdelay $0x2  }
0xba: {  	v11 =	vor.u32 s16, v1;
	_ =	sdelay $0x1  }
0xbb: {  	v9 =	vmul.f32 v9, v10;
	_ =	sdelay $0x1  }
0xbc: {  	v10 =	vld [tilespmem:s14+$0xFFFFFFD0];
	[tilespmem:s14+$0xFFFFFFC0] =	vst v9  }
0xbd: {  	v9 =	vld.idx.msk [tilespmem:v11+s31+$0x0], $0xffff;
	_ =	sdelay $0x2  }
0xbe: {  	v11 =	vor.u32 s16, v2;
	_ =	sdelay $0x1  }
0xbf: {  	v9 =	vmul.f32 v9, v10;
	_ =	sdelay $0x1  }
0xc0: {  	v10 =	vld [tilespmem:s14+$0xFFFFFFE0];
	[tilespmem:s14+$0xFFFFFFD0] =	vst v9  }
0xc1: {  	v9 =	vld.idx.msk [tilespmem:v11+s31+$0x0], $0xffff;
	_ =	sdelay $0x2  }
0xc2: {  	v11 =	vor.u32 s16, v3;
	_ =	sdelay $0x1  }
0xc3: {  	v9 =	vmul.f32 v9, v10;
	_ =	sdelay $0x1  }
0xc4: {  	v10 =	vld [tilespmem:s14+$0xFFFFFFF0];
	[tilespmem:s14+$0xFFFFFFE0] =	vst v9  }
0xc5: {  	v9 =	vld.idx.msk [tilespmem:v11+s31+$0x0], $0xffff;
	_ =	sdelay $0x2  }
0xc6: {  	v11 =	vor.u32 s16, v7;
	_ =	sdelay $0x1  }
0xc7: {  	v9 =	vmul.f32 v9, v10;
	_ =	sdelay $0x1  }
0xc8: {  	v10 =	vld [tilespmem:s14+$0x0];
	[tilespmem:s14+$0xFFFFFFF0] =	vst v9  }
0xc9: {  	v9 =	vld.idx.msk [tilespmem:v11+s31+$0x0], $0xffff;
	_ =	sdelay $0x2  }
0xca: {  	v11 =	vor.u32 s16, v4;
	_ =	sdelay $0x1  }
0xcb: {  	v9 =	vmul.f32 v9, v10;
	_ =	sdelay $0x1  }
0xcc: {  	v10 =	vld [tilespmem:s14+$0x10];
	[tilespmem:s14+$0x0] =	vst v9  }
0xcd: {  	v9 =	vld.idx.msk [tilespmem:v11+s31+$0x0], $0xffff;
	_ =	sdelay $0x2  }
0xce: {  	v11 =	vor.u32 s16, v5;
	_ =	sdelay $0x1  }
0xcf: {  	v9 =	vmul.f32 v9, v10;
	_ =	sdelay $0x1  }
0xd0: {  	v10 =	vld [tilespmem:s14+$0x20];
	[tilespmem:s14+$0x10] =	vst v9  }
0xd1: {  	v9 =	vld.idx.msk [tilespmem:v11+s31+$0x0], $0xffff;
	_ =	sdelay $0x2  }
0xd2: {  	v11 =	vor.u32 s16, v6;
	_ =	sdelay $0x1  }
0xd3: {  	v9 =	vmul.f32 v9, v10;
	_ =	sdelay $0x1  }
0xd4: {  	v10 =	vld [tilespmem:s14+$0x30];
	[tilespmem:s14+$0x20] =	vst v9  }
0xd5: {  	v9 =	vld.idx.msk [tilespmem:v11+s31+$0x0], $0xffff;
	_ =	sdelay $0x2  }
0xd6: {  	v11 =	vor.u32 s16, v8;
	_ =	sdelay $0x1  }
0xd7: {  	v9 =	vmul.f32 v9, v10;
	_ =	sdelay $0x1  }
0xd8: {  	[tilespmem:s14+$0x30] =	vst v9  }
0xd9: {  	s19 =	sand.u32 $0xFFF0, s16;
	v10 =	vld.idx.msk [tilespmem:v11+s31+$0x0], $0xffff  }
0xda: {  	v11 =	vld [tilespmem:s19+$0x5180];
	_ =	sdelay $0x1  }
0xdb: {  	s16 =	simm.s32 $0x10  }
0xdc: {  	v9 =	vor.u32 s16, v0;
	_ =	sdelay $0x1  }
0xdd: {  	s15 =	simm.s32 $0x90;
	s17 =	simm.s32 $0x120;
	v10 =	vmul.f32 v10, v11  }
.LBB2_4:
0xde: {  	p0 =	sne.s32 s17, $0x5070  }
0xdf: {  	s14 =	sadd.s32 $0x90, s14;
	s18 =	smov.u32 s17;
	s17 =	sadd.s32 $0x90, s17;
	[tilespmem:s19+$0x5180] =	vst v10  }
0xe0: {  	v9 =	vld.idx.msk [tilespmem:v9+s31+$0x0], $0xffff  }
0xe1: {  	v10 =	vld [tilespmem:s14+$0xFFFFFFC0];
	_ =	sdelay $0x2  }
0xe2: {  	v11 =	vor.u32 s16, v1;
	_ =	sdelay $0x1  }
0xe3: {  	v9 =	vmul.f32 v9, v10;
	_ =	sdelay $0x1  }
0xe4: {  	[tilespmem:s14+$0xFFFFFFC0] =	vst v9  }
0xe5: {  	v9 =	vld.idx.msk [tilespmem:v11+s31+$0x0], $0xffff  }
0xe6: {  	v10 =	vld [tilespmem:s14+$0xFFFFFFD0];
	_ =	sdelay $0x2  }
0xe7: {  	v11 =	vor.u32 s16, v2;
	_ =	sdelay $0x1  }
0xe8: {  	v9 =	vmul.f32 v9, v10;
	_ =	sdelay $0x1  }
0xe9: {  	[tilespmem:s14+$0xFFFFFFD0] =	vst v9  }
0xea: {  	v9 =	vld.idx.msk [tilespmem:v11+s31+$0x0], $0xffff  }
0xeb: {  	v10 =	vld [tilespmem:s14+$0xFFFFFFE0];
	_ =	sdelay $0x2  }
0xec: {  	v11 =	vor.u32 s16, v3;
	_ =	sdelay $0x1  }
0xed: {  	v9 =	vmul.f32 v9, v10;
	_ =	sdelay $0x1  }
0xee: {  	[tilespmem:s14+$0xFFFFFFE0] =	vst v9  }
0xef: {  	v9 =	vld.idx.msk [tilespmem:v11+s31+$0x0], $0xffff  }
0xf0: {  	v10 =	vld [tilespmem:s14+$0xFFFFFFF0];
	_ =	sdelay $0x2  }
0xf1: {  	v11 =	vor.u32 s16, v7;
	_ =	sdelay $0x1  }
0xf2: {  	v9 =	vmul.f32 v9, v10;
	_ =	sdelay $0x1  }
0xf3: {  	[tilespmem:s14+$0xFFFFFFF0] =	vst v9  }
0xf4: {  	v9 =	vld.idx.msk [tilespmem:v11+s31+$0x0], $0xffff  }
0xf5: {  	v10 =	vld [tilespmem:s14+$0x0];
	_ =	sdelay $0x2  }
0xf6: {  	v11 =	vor.u32 s16, v4;
	_ =	sdelay $0x1  }
0xf7: {  	v9 =	vmul.f32 v9, v10;
	_ =	sdelay $0x1  }
0xf8: {  	[tilespmem:s14+$0x0] =	vst v9  }
0xf9: {  	v9 =	vld.idx.msk [tilespmem:v11+s31+$0x0], $0xffff  }
0xfa: {  	v10 =	vld [tilespmem:s14+$0x10];
	_ =	sdelay $0x2  }
0xfb: {  	v11 =	vor.u32 s16, v5;
	_ =	sdelay $0x1  }
0xfc: {  	v9 =	vmul.f32 v9, v10;
	_ =	sdelay $0x1  }
0xfd: {  	[tilespmem:s14+$0x10] =	vst v9  }
0xfe: {  	v9 =	vld.idx.msk [tilespmem:v11+s31+$0x0], $0xffff  }
0xff: {  	v10 =	vld [tilespmem:s14+$0x20];
	_ =	sdelay $0x2  }
0x100: {  	v11 =	vor.u32 s16, v6;
	_ =	sdelay $0x1  }
0x101: {  	v9 =	vmul.f32 v9, v10;
	_ =	sdelay $0x1  }
0x102: {  	[tilespmem:s14+$0x20] =	vst v9  }
0x103: {  	v9 =	vld.idx.msk [tilespmem:v11+s31+$0x0], $0xffff  }
0x104: {  	v10 =	vld [tilespmem:s14+$0x30];
	_ =	sdelay $0x2  }
0x105: {  	v11 =	vor.u32 s16, v8;
	_ =	sdelay $0x1  }
0x106: {  	v9 =	vmul.f32 v9, v10;
	_ =	sdelay $0x1  }
0x107: {  	[tilespmem:s14+$0x30] =	vst v9  }
0x108: {  	s19 =	sand.u32 $0xFFF0, s15;
	s15 =	smov.u32 s18;
	v10 =	vld.idx.msk [tilespmem:v11+s31+$0x0], $0xffff  }
0x109: {  	v11 =	vld [tilespmem:s19+$0x5180]  }
.Ltmp1:
0x10a: {  	(pc) =	sbr.rel @p0 .LBB2_4-.Ltmp1, $3  }
0x10b: {  	s16 =	sadd.s32 $0x10, s16  }
0x10c: {  	v9 =	vor.u32 s16, v0;
	_ =	sdelay $0x1  }
0x10d: {  	v10 =	vmul.f32 v10, v11  }
0x10e: {  	_ =	sdelay $0x2  }
0x10f: {  	[tilespmem:s19+$0x5180] =	vst v10  }
0x110: {  	s14 =	sadd.s32 $0x90, s14;
	v9 =	vld.idx.msk [tilespmem:v9+s31+$0x0], $0xffff  }
0x111: {  	v10 =	vld [tilespmem:s14+$0xFFFFFFC0];
	_ =	sdelay $0x2  }
0x112: {  	v11 =	vor.u32 s16, v1;
	_ =	sdelay $0x1  }
0x113: {  	v9 =	vmul.f32 v9, v10;
	_ =	sdelay $0x1  }
0x114: {  	v10 =	vld [tilespmem:s14+$0xFFFFFFD0];
	[tilespmem:s14+$0xFFFFFFC0] =	vst v9  }
0x115: {  	v9 =	vld.idx.msk [tilespmem:v11+s31+$0x0], $0xffff;
	_ =	sdelay $0x2  }
0x116: {  	v11 =	vor.u32 s16, v2;
	_ =	sdelay $0x1  }
0x117: {  	v9 =	vmul.f32 v9, v10;
	_ =	sdelay $0x1  }
0x118: {  	v10 =	vld [tilespmem:s14+$0xFFFFFFE0];
	[tilespmem:s14+$0xFFFFFFD0] =	vst v9  }
0x119: {  	v9 =	vld.idx.msk [tilespmem:v11+s31+$0x0], $0xffff;
	_ =	sdelay $0x2  }
0x11a: {  	v11 =	vor.u32 s16, v3;
	_ =	sdelay $0x1  }
0x11b: {  	v9 =	vmul.f32 v9, v10;
	_ =	sdelay $0x1  }
0x11c: {  	v10 =	vld [tilespmem:s14+$0xFFFFFFF0];
	[tilespmem:s14+$0xFFFFFFE0] =	vst v9  }
0x11d: {  	v9 =	vld.idx.msk [tilespmem:v11+s31+$0x0], $0xffff;
	_ =	sdelay $0x2  }
0x11e: {  	v11 =	vor.u32 s16, v7;
	_ =	sdelay $0x1  }
0x11f: {  	v9 =	vmul.f32 v9, v10;
	_ =	sdelay $0x1  }
0x120: {  	v10 =	vld [tilespmem:s14+$0x0];
	[tilespmem:s14+$0xFFFFFFF0] =	vst v9  }
0x121: {  	v9 =	vld.idx.msk [tilespmem:v11+s31+$0x0], $0xffff;
	_ =	sdelay $0x2  }
0x122: {  	v11 =	vor.u32 s16, v4;
	_ =	sdelay $0x1  }
0x123: {  	v9 =	vmul.f32 v9, v10;
	_ =	sdelay $0x1  }
0x124: {  	v10 =	vld [tilespmem:s14+$0x10];
	[tilespmem:s14+$0x0] =	vst v9  }
0x125: {  	v9 =	vld.idx.msk [tilespmem:v11+s31+$0x0], $0xffff;
	_ =	sdelay $0x2  }
0x126: {  	v11 =	vor.u32 s16, v5;
	_ =	sdelay $0x1  }
0x127: {  	v9 =	vmul.f32 v9, v10;
	_ =	sdelay $0x1  }
0x128: {  	v10 =	vld [tilespmem:s14+$0x20];
	[tilespmem:s14+$0x10] =	vst v9  }
0x129: {  	v9 =	vld.idx.msk [tilespmem:v11+s31+$0x0], $0xffff;
	_ =	sdelay $0x2  }
0x12a: {  	v11 =	vor.u32 s16, v6;
	_ =	sdelay $0x1  }
0x12b: {  	v9 =	vmul.f32 v9, v10;
	_ =	sdelay $0x1  }
0x12c: {  	v10 =	vld [tilespmem:s14+$0x30];
	[tilespmem:s14+$0x20] =	vst v9  }
0x12d: {  	v9 =	vld.idx.msk [tilespmem:v11+s31+$0x0], $0xffff;
	_ =	sdelay $0x2  }
0x12e: {  	v11 =	vor.u32 s16, v8;
	_ =	sdelay $0x1  }
0x12f: {  	v9 =	vmul.f32 v9, v10;
	_ =	sdelay $0x1  }
0x130: {  	[tilespmem:s14+$0x30] =	vst v9  }
0x131: {  	s16 =	sand.u32 $0xFFF0, s15;
	v9 =	vld.idx.msk [tilespmem:v11+s31+$0x0], $0xffff  }
0x132: {  	v10 =	vld [tilespmem:s16+$0x5180];
	_ =	sdelay $0x4  }
0x133: {  	v9 =	vmul.f32 v9, v10;
	_ =	sdelay $0x1  }
0x134: {  	s17 =	simm.s32 $0x0;
	s18 =	rddreg [dreg:$0xc];
	[tilespmem:s16+$0x5180] =	vst v9  }
0x135: {  	[hbm4b:s18+s17] =	stream.linear.scatter [tilespmem:s30], [sflag:$0x6], $0x5100, $0x38;
	[tilespmem:$0x16800] =	vst v63  }
0x136: {  	_ =	swait.ge [sflag:s7], $0x5100  }
0x137: {  	[sflag:s7] =	ssyncset.done $0x0  }
0x138: {  	s19 =	rddreg [dreg:$0xd];
	[sflag:s7] =	ssyncadd.s32 $0xFFFFAF00  }
0x139: {  	[tilespmem:s17], [sflag:$0x1] =	stream.linear.gather [hbm4b:s19+s17], $0x5100, $0x38;
	[tilespmem:$0x16800] =	vst v63  }
0x13a: {  	_ = 	snop  }
0x13b: {  	[tilespmem:s29], [sflag:$0x1] =	stream.linear.gather [hbm4b:s23+s17], $0x900, $0x38;
	[tilespmem:$0x16800] =	vst v63  }
0x13c: {  	_ =	swait.ge [sflag:s8], $0x5100  }
0x13d: {  	v9 =	vor.u32 s17, v0;
	[sflag:s8] =	ssyncset.done $0x0  }
0x13e: {  	[sflag:s8] =	ssyncadd.s32 $0xFFFFAF00  }
0x13f: {  	_ =	swait.ge [sflag:s8], $0x900  }
0x140: {  	[sflag:s8] =	ssyncset.done $0x0  }
0x141: {  	[sflag:s8] =	ssyncadd.s32 $0xFFFFF700  }
0x142: {  	s14 =	simm.s32 $0xA240;
	v9 =	vld.idx.msk [tilespmem:v9+s0+$0x0], $0xffff  }
0x143: {  	v10 =	vld [tilespmem:s14+$0xFFFFFFC0];
	_ =	sdelay $0x2  }
0x144: {  	v11 =	vor.u32 s17, v1;
	_ =	sdelay $0x1  }
0x145: {  	v9 =	vmul.f32 v9, v10;
	_ =	sdelay $0x1  }
0x146: {  	v10 =	vld [tilespmem:s14+$0xFFFFFFD0];
	[tilespmem:s14+$0xFFFFFFC0] =	vst v9  }
0x147: {  	v9 =	vld.idx.msk [tilespmem:v11+s0+$0x0], $0xffff;
	_ =	sdelay $0x2  }
0x148: {  	v11 =	vor.u32 s17, v2;
	_ =	sdelay $0x1  }
0x149: {  	v9 =	vmul.f32 v9, v10;
	_ =	sdelay $0x1  }
0x14a: {  	v10 =	vld [tilespmem:s14+$0xFFFFFFE0];
	[tilespmem:s14+$0xFFFFFFD0] =	vst v9  }
0x14b: {  	v9 =	vld.idx.msk [tilespmem:v11+s0+$0x0], $0xffff;
	_ =	sdelay $0x2  }
0x14c: {  	v11 =	vor.u32 s17, v3;
	_ =	sdelay $0x1  }
0x14d: {  	v9 =	vmul.f32 v9, v10;
	_ =	sdelay $0x1  }
0x14e: {  	v10 =	vld [tilespmem:s14+$0xFFFFFFF0];
	[tilespmem:s14+$0xFFFFFFE0] =	vst v9  }
0x14f: {  	v9 =	vld.idx.msk [tilespmem:v11+s0+$0x0], $0xffff;
	_ =	sdelay $0x2  }
0x150: {  	v11 =	vor.u32 s17, v7;
	_ =	sdelay $0x1  }
0x151: {  	v9 =	vmul.f32 v9, v10;
	_ =	sdelay $0x1  }
0x152: {  	v10 =	vld [tilespmem:s14+$0x0];
	[tilespmem:s14+$0xFFFFFFF0] =	vst v9  }
0x153: {  	v9 =	vld.idx.msk [tilespmem:v11+s0+$0x0], $0xffff;
	_ =	sdelay $0x2  }
0x154: {  	v11 =	vor.u32 s17, v4;
	_ =	sdelay $0x1  }
0x155: {  	v9 =	vmul.f32 v9, v10;
	_ =	sdelay $0x1  }
0x156: {  	v10 =	vld [tilespmem:s14+$0x10];
	[tilespmem:s14+$0x0] =	vst v9  }
0x157: {  	v9 =	vld.idx.msk [tilespmem:v11+s0+$0x0], $0xffff;
	_ =	sdelay $0x2  }
0x158: {  	v11 =	vor.u32 s17, v5;
	_ =	sdelay $0x1  }
0x159: {  	v9 =	vmul.f32 v9, v10;
	_ =	sdelay $0x1  }
0x15a: {  	v10 =	vld [tilespmem:s14+$0x20];
	[tilespmem:s14+$0x10] =	vst v9  }
0x15b: {  	v9 =	vld.idx.msk [tilespmem:v11+s0+$0x0], $0xffff;
	_ =	sdelay $0x2  }
0x15c: {  	v11 =	vor.u32 s17, v6;
	_ =	sdelay $0x1  }
0x15d: {  	v9 =	vmul.f32 v9, v10;
	_ =	sdelay $0x1  }
0x15e: {  	v10 =	vld [tilespmem:s14+$0x30];
	[tilespmem:s14+$0x20] =	vst v9  }
0x15f: {  	v9 =	vld.idx.msk [tilespmem:v11+s0+$0x0], $0xffff;
	_ =	sdelay $0x2  }
0x160: {  	v11 =	vor.u32 s17, v8;
	_ =	sdelay $0x1  }
0x161: {  	v9 =	vmul.f32 v9, v10;
	_ =	sdelay $0x1  }
0x162: {  	[tilespmem:s14+$0x30] =	vst v9  }
0x163: {  	s19 =	sand.u32 $0xFFF0, s17;
	v10 =	vld.idx.msk [tilespmem:v11+s0+$0x0], $0xffff  }
0x164: {  	v11 =	vld [tilespmem:s19+$0xA280];
	_ =	sdelay $0x1  }
0x165: {  	s16 =	simm.s32 $0x10  }
0x166: {  	v9 =	vor.u32 s16, v0;
	_ =	sdelay $0x1  }
0x167: {  	s15 =	simm.s32 $0x90;
	s17 =	simm.s32 $0x120;
	v10 =	vmul.f32 v10, v11  }
.LBB2_6:
0x168: {  	p0 =	sne.s32 s17, $0x5070  }
0x169: {  	s14 =	sadd.s32 $0x90, s14;
	s18 =	smov.u32 s17;
	s17 =	sadd.s32 $0x90, s17;
	[tilespmem:s19+$0xA280] =	vst v10  }
0x16a: {  	v9 =	vld.idx.msk [tilespmem:v9+s0+$0x0], $0xffff  }
0x16b: {  	v10 =	vld [tilespmem:s14+$0xFFFFFFC0];
	_ =	sdelay $0x2  }
0x16c: {  	v11 =	vor.u32 s16, v1;
	_ =	sdelay $0x1  }
0x16d: {  	v9 =	vmul.f32 v9, v10;
	_ =	sdelay $0x1  }
0x16e: {  	[tilespmem:s14+$0xFFFFFFC0] =	vst v9  }
0x16f: {  	v9 =	vld.idx.msk [tilespmem:v11+s0+$0x0], $0xffff  }
0x170: {  	v10 =	vld [tilespmem:s14+$0xFFFFFFD0];
	_ =	sdelay $0x2  }
0x171: {  	v11 =	vor.u32 s16, v2;
	_ =	sdelay $0x1  }
0x172: {  	v9 =	vmul.f32 v9, v10;
	_ =	sdelay $0x1  }
0x173: {  	[tilespmem:s14+$0xFFFFFFD0] =	vst v9  }
0x174: {  	v9 =	vld.idx.msk [tilespmem:v11+s0+$0x0], $0xffff  }
0x175: {  	v10 =	vld [tilespmem:s14+$0xFFFFFFE0];
	_ =	sdelay $0x2  }
0x176: {  	v11 =	vor.u32 s16, v3;
	_ =	sdelay $0x1  }
0x177: {  	v9 =	vmul.f32 v9, v10;
	_ =	sdelay $0x1  }
0x178: {  	[tilespmem:s14+$0xFFFFFFE0] =	vst v9  }
0x179: {  	v9 =	vld.idx.msk [tilespmem:v11+s0+$0x0], $0xffff  }
0x17a: {  	v10 =	vld [tilespmem:s14+$0xFFFFFFF0];
	_ =	sdelay $0x2  }
0x17b: {  	v11 =	vor.u32 s16, v7;
	_ =	sdelay $0x1  }
0x17c: {  	v9 =	vmul.f32 v9, v10;
	_ =	sdelay $0x1  }
0x17d: {  	[tilespmem:s14+$0xFFFFFFF0] =	vst v9  }
0x17e: {  	v9 =	vld.idx.msk [tilespmem:v11+s0+$0x0], $0xffff  }
0x17f: {  	v10 =	vld [tilespmem:s14+$0x0];
	_ =	sdelay $0x2  }
0x180: {  	v11 =	vor.u32 s16, v4;
	_ =	sdelay $0x1  }
0x181: {  	v9 =	vmul.f32 v9, v10;
	_ =	sdelay $0x1  }
0x182: {  	[tilespmem:s14+$0x0] =	vst v9  }
0x183: {  	v9 =	vld.idx.msk [tilespmem:v11+s0+$0x0], $0xffff  }
0x184: {  	v10 =	vld [tilespmem:s14+$0x10];
	_ =	sdelay $0x2  }
0x185: {  	v11 =	vor.u32 s16, v5;
	_ =	sdelay $0x1  }
0x186: {  	v9 =	vmul.f32 v9, v10;
	_ =	sdelay $0x1  }
0x187: {  	[tilespmem:s14+$0x10] =	vst v9  }
0x188: {  	v9 =	vld.idx.msk [tilespmem:v11+s0+$0x0], $0xffff  }
0x189: {  	v10 =	vld [tilespmem:s14+$0x20];
	_ =	sdelay $0x2  }
0x18a: {  	v11 =	vor.u32 s16, v6;
	_ =	sdelay $0x1  }
0x18b: {  	v9 =	vmul.f32 v9, v10;
	_ =	sdelay $0x1  }
0x18c: {  	[tilespmem:s14+$0x20] =	vst v9  }
0x18d: {  	v9 =	vld.idx.msk [tilespmem:v11+s0+$0x0], $0xffff  }
0x18e: {  	v10 =	vld [tilespmem:s14+$0x30];
	_ =	sdelay $0x2  }
0x18f: {  	v11 =	vor.u32 s16, v8;
	_ =	sdelay $0x1  }
0x190: {  	v9 =	vmul.f32 v9, v10;
	_ =	sdelay $0x1  }
0x191: {  	[tilespmem:s14+$0x30] =	vst v9  }
0x192: {  	s19 =	sand.u32 $0xFFF0, s15;
	s15 =	smov.u32 s18;
	v10 =	vld.idx.msk [tilespmem:v11+s0+$0x0], $0xffff  }
0x193: {  	v11 =	vld [tilespmem:s19+$0xA280]  }
.Ltmp2:
0x194: {  	(pc) =	sbr.rel @p0 .LBB2_6-.Ltmp2, $3  }
0x195: {  	s16 =	sadd.s32 $0x10, s16  }
0x196: {  	v9 =	vor.u32 s16, v0;
	_ =	sdelay $0x1  }
0x197: {  	v10 =	vmul.f32 v10, v11  }
0x198: {  	_ =	sdelay $0x2  }
0x199: {  	[tilespmem:s19+$0xA280] =	vst v10  }
0x19a: {  	s14 =	sadd.s32 $0x90, s14;
	v9 =	vld.idx.msk [tilespmem:v9+s0+$0x0], $0xffff  }
0x19b: {  	v10 =	vld [tilespmem:s14+$0xFFFFFFC0];
	_ =	sdelay $0x2  }
0x19c: {  	v11 =	vor.u32 s16, v1;
	_ =	sdelay $0x1  }
0x19d: {  	v9 =	vmul.f32 v9, v10;
	_ =	sdelay $0x1  }
0x19e: {  	v10 =	vld [tilespmem:s14+$0xFFFFFFD0];
	[tilespmem:s14+$0xFFFFFFC0] =	vst v9  }
0x19f: {  	v9 =	vld.idx.msk [tilespmem:v11+s0+$0x0], $0xffff;
	_ =	sdelay $0x2  }
0x1a0: {  	v11 =	vor.u32 s16, v2;
	_ =	sdelay $0x1  }
0x1a1: {  	v9 =	vmul.f32 v9, v10;
	_ =	sdelay $0x1  }
0x1a2: {  	v10 =	vld [tilespmem:s14+$0xFFFFFFE0];
	[tilespmem:s14+$0xFFFFFFD0] =	vst v9  }
0x1a3: {  	v9 =	vld.idx.msk [tilespmem:v11+s0+$0x0], $0xffff;
	_ =	sdelay $0x2  }
0x1a4: {  	v11 =	vor.u32 s16, v3;
	_ =	sdelay $0x1  }
0x1a5: {  	v9 =	vmul.f32 v9, v10;
	_ =	sdelay $0x1  }
0x1a6: {  	v10 =	vld [tilespmem:s14+$0xFFFFFFF0];
	[tilespmem:s14+$0xFFFFFFE0] =	vst v9  }
0x1a7: {  	v9 =	vld.idx.msk [tilespmem:v11+s0+$0x0], $0xffff;
	_ =	sdelay $0x2  }
0x1a8: {  	v11 =	vor.u32 s16, v7;
	_ =	sdelay $0x1  }
0x1a9: {  	v9 =	vmul.f32 v9, v10;
	_ =	sdelay $0x1  }
0x1aa: {  	v10 =	vld [tilespmem:s14+$0x0];
	[tilespmem:s14+$0xFFFFFFF0] =	vst v9  }
0x1ab: {  	v9 =	vld.idx.msk [tilespmem:v11+s0+$0x0], $0xffff;
	_ =	sdelay $0x2  }
0x1ac: {  	v11 =	vor.u32 s16, v4;
	_ =	sdelay $0x1  }
0x1ad: {  	v9 =	vmul.f32 v9, v10;
	_ =	sdelay $0x1  }
0x1ae: {  	v10 =	vld [tilespmem:s14+$0x10];
	[tilespmem:s14+$0x0] =	vst v9  }
0x1af: {  	v9 =	vld.idx.msk [tilespmem:v11+s0+$0x0], $0xffff;
	_ =	sdelay $0x2  }
0x1b0: {  	v11 =	vor.u32 s16, v5;
	_ =	sdelay $0x1  }
0x1b1: {  	v9 =	vmul.f32 v9, v10;
	_ =	sdelay $0x1  }
0x1b2: {  	v10 =	vld [tilespmem:s14+$0x20];
	[tilespmem:s14+$0x10] =	vst v9  }
0x1b3: {  	v9 =	vld.idx.msk [tilespmem:v11+s0+$0x0], $0xffff;
	_ =	sdelay $0x2  }
0x1b4: {  	v11 =	vor.u32 s16, v6;
	_ =	sdelay $0x1  }
0x1b5: {  	v9 =	vmul.f32 v9, v10;
	_ =	sdelay $0x1  }
0x1b6: {  	v10 =	vld [tilespmem:s14+$0x30];
	[tilespmem:s14+$0x20] =	vst v9  }
0x1b7: {  	v9 =	vld.idx.msk [tilespmem:v11+s0+$0x0], $0xffff;
	_ =	sdelay $0x2  }
0x1b8: {  	v11 =	vor.u32 s16, v8;
	_ =	sdelay $0x1  }
0x1b9: {  	v9 =	vmul.f32 v9, v10;
	_ =	sdelay $0x1  }
0x1ba: {  	[tilespmem:s14+$0x30] =	vst v9  }
0x1bb: {  	s16 =	sand.u32 $0xFFF0, s15;
	v9 =	vld.idx.msk [tilespmem:v11+s0+$0x0], $0xffff  }
0x1bc: {  	v10 =	vld [tilespmem:s16+$0xA280];
	_ =	sdelay $0x4  }
0x1bd: {  	v9 =	vmul.f32 v9, v10;
	_ =	sdelay $0x1  }
0x1be: {  	s17 =	simm.s32 $0x0;
	s18 =	rddreg [dreg:$0xe];
	[tilespmem:s16+$0xA280] =	vst v9  }
0x1bf: {  	[hbm4b:s18+s17] =	stream.linear.scatter [tilespmem:s1], [sflag:$0x7], $0x5100, $0x38;
	[tilespmem:$0x16800] =	vst v63  }
0x1c0: {  	_ =	swait.ge [sflag:s9], $0x5100  }
0x1c1: {  	[sflag:s9] =	ssyncset.done $0x0  }
0x1c2: {  	s19 =	rddreg [dreg:$0xf];
	[sflag:s9] =	ssyncadd.s32 $0xFFFFAF00  }
0x1c3: {  	[tilespmem:s30], [sflag:$0x2] =	stream.linear.gather [hbm4b:s19+s17], $0x5100, $0x38;
	[tilespmem:$0x16800] =	vst v63  }
0x1c4: {  	_ = 	snop  }
0x1c5: {  	[tilespmem:s31], [sflag:$0x2] =	stream.linear.gather [hbm4b:s24+s17], $0x900, $0x38;
	[tilespmem:$0x16800] =	vst v63  }
0x1c6: {  	_ =	swait.ge [sflag:s10], $0x5100  }
0x1c7: {  	v9 =	vor.u32 s17, v0;
	[sflag:s10] =	ssyncset.done $0x0  }
0x1c8: {  	[sflag:s10] =	ssyncadd.s32 $0xFFFFAF00  }
0x1c9: {  	_ =	swait.ge [sflag:s10], $0x900  }
0x1ca: {  	[sflag:s10] =	ssyncset.done $0x0  }
0x1cb: {  	[sflag:s10] =	ssyncadd.s32 $0xFFFFF700  }
0x1cc: {  	s14 =	simm.s32 $0xF340;
	v9 =	vld.idx.msk [tilespmem:v9+s5+$0x0], $0xffff  }
0x1cd: {  	v10 =	vld [tilespmem:s14+$0xFFFFFFC0];
	_ =	sdelay $0x2  }
0x1ce: {  	v11 =	vor.u32 s17, v1;
	_ =	sdelay $0x1  }
0x1cf: {  	v9 =	vmul.f32 v9, v10;
	_ =	sdelay $0x1  }
0x1d0: {  	v10 =	vld [tilespmem:s14+$0xFFFFFFD0];
	[tilespmem:s14+$0xFFFFFFC0] =	vst v9  }
0x1d1: {  	v9 =	vld.idx.msk [tilespmem:v11+s5+$0x0], $0xffff;
	_ =	sdelay $0x2  }
0x1d2: {  	v11 =	vor.u32 s17, v2;
	_ =	sdelay $0x1  }
0x1d3: {  	v9 =	vmul.f32 v9, v10;
	_ =	sdelay $0x1  }
0x1d4: {  	v10 =	vld [tilespmem:s14+$0xFFFFFFE0];
	[tilespmem:s14+$0xFFFFFFD0] =	vst v9  }
0x1d5: {  	v9 =	vld.idx.msk [tilespmem:v11+s5+$0x0], $0xffff;
	_ =	sdelay $0x2  }
0x1d6: {  	v11 =	vor.u32 s17, v3;
	_ =	sdelay $0x1  }
0x1d7: {  	v9 =	vmul.f32 v9, v10;
	_ =	sdelay $0x1  }
0x1d8: {  	v10 =	vld [tilespmem:s14+$0xFFFFFFF0];
	[tilespmem:s14+$0xFFFFFFE0] =	vst v9  }
0x1d9: {  	v9 =	vld.idx.msk [tilespmem:v11+s5+$0x0], $0xffff;
	_ =	sdelay $0x2  }
0x1da: {  	v11 =	vor.u32 s17, v7;
	_ =	sdelay $0x1  }
0x1db: {  	v9 =	vmul.f32 v9, v10;
	_ =	sdelay $0x1  }
0x1dc: {  	v10 =	vld [tilespmem:s14+$0x0];
	[tilespmem:s14+$0xFFFFFFF0] =	vst v9  }
0x1dd: {  	v9 =	vld.idx.msk [tilespmem:v11+s5+$0x0], $0xffff;
	_ =	sdelay $0x2  }
0x1de: {  	v11 =	vor.u32 s17, v4;
	_ =	sdelay $0x1  }
0x1df: {  	v9 =	vmul.f32 v9, v10;
	_ =	sdelay $0x1  }
0x1e0: {  	v10 =	vld [tilespmem:s14+$0x10];
	[tilespmem:s14+$0x0] =	vst v9  }
0x1e1: {  	v9 =	vld.idx.msk [tilespmem:v11+s5+$0x0], $0xffff;
	_ =	sdelay $0x2  }
0x1e2: {  	v11 =	vor.u32 s17, v5;
	_ =	sdelay $0x1  }
0x1e3: {  	v9 =	vmul.f32 v9, v10;
	_ =	sdelay $0x1  }
0x1e4: {  	v10 =	vld [tilespmem:s14+$0x20];
	[tilespmem:s14+$0x10] =	vst v9  }
0x1e5: {  	v9 =	vld.idx.msk [tilespmem:v11+s5+$0x0], $0xffff;
	_ =	sdelay $0x2  }
0x1e6: {  	v11 =	vor.u32 s17, v6;
	_ =	sdelay $0x1  }
0x1e7: {  	v9 =	vmul.f32 v9, v10;
	_ =	sdelay $0x1  }
0x1e8: {  	v10 =	vld [tilespmem:s14+$0x30];
	[tilespmem:s14+$0x20] =	vst v9  }
0x1e9: {  	v9 =	vld.idx.msk [tilespmem:v11+s5+$0x0], $0xffff;
	_ =	sdelay $0x2  }
0x1ea: {  	v11 =	vor.u32 s17, v8;
	_ =	sdelay $0x1  }
0x1eb: {  	v9 =	vmul.f32 v9, v10;
	_ =	sdelay $0x1  }
0x1ec: {  	[tilespmem:s14+$0x30] =	vst v9  }
0x1ed: {  	s19 =	sand.u32 $0xFFF0, s17;
	v10 =	vld.idx.msk [tilespmem:v11+s5+$0x0], $0xffff  }
0x1ee: {  	v11 =	vld [tilespmem:s19+$0xF380];
	_ =	sdelay $0x1  }
0x1ef: {  	s16 =	simm.s32 $0x10  }
0x1f0: {  	v9 =	vor.u32 s16, v0;
	_ =	sdelay $0x1  }
0x1f1: {  	s15 =	simm.s32 $0x90;
	s17 =	simm.s32 $0x120;
	v10 =	vmul.f32 v10, v11  }
.LBB2_8:
0x1f2: {  	p0 =	sne.s32 s17, $0x5070  }
0x1f3: {  	s14 =	sadd.s32 $0x90, s14;
	s18 =	smov.u32 s17;
	s17 =	sadd.s32 $0x90, s17;
	[tilespmem:s19+$0xF380] =	vst v10  }
0x1f4: {  	v9 =	vld.idx.msk [tilespmem:v9+s5+$0x0], $0xffff  }
0x1f5: {  	v10 =	vld [tilespmem:s14+$0xFFFFFFC0];
	_ =	sdelay $0x2  }
0x1f6: {  	v11 =	vor.u32 s16, v1;
	_ =	sdelay $0x1  }
0x1f7: {  	v9 =	vmul.f32 v9, v10;
	_ =	sdelay $0x1  }
0x1f8: {  	[tilespmem:s14+$0xFFFFFFC0] =	vst v9  }
0x1f9: {  	v9 =	vld.idx.msk [tilespmem:v11+s5+$0x0], $0xffff  }
0x1fa: {  	v10 =	vld [tilespmem:s14+$0xFFFFFFD0];
	_ =	sdelay $0x2  }
0x1fb: {  	v11 =	vor.u32 s16, v2;
	_ =	sdelay $0x1  }
0x1fc: {  	v9 =	vmul.f32 v9, v10;
	_ =	sdelay $0x1  }
0x1fd: {  	[tilespmem:s14+$0xFFFFFFD0] =	vst v9  }
0x1fe: {  	v9 =	vld.idx.msk [tilespmem:v11+s5+$0x0], $0xffff  }
0x1ff: {  	v10 =	vld [tilespmem:s14+$0xFFFFFFE0];
	_ =	sdelay $0x2  }
0x200: {  	v11 =	vor.u32 s16, v3;
	_ =	sdelay $0x1  }
0x201: {  	v9 =	vmul.f32 v9, v10;
	_ =	sdelay $0x1  }
0x202: {  	[tilespmem:s14+$0xFFFFFFE0] =	vst v9  }
0x203: {  	v9 =	vld.idx.msk [tilespmem:v11+s5+$0x0], $0xffff  }
0x204: {  	v10 =	vld [tilespmem:s14+$0xFFFFFFF0];
	_ =	sdelay $0x2  }
0x205: {  	v11 =	vor.u32 s16, v7;
	_ =	sdelay $0x1  }
0x206: {  	v9 =	vmul.f32 v9, v10;
	_ =	sdelay $0x1  }
0x207: {  	[tilespmem:s14+$0xFFFFFFF0] =	vst v9  }
0x208: {  	v9 =	vld.idx.msk [tilespmem:v11+s5+$0x0], $0xffff  }
0x209: {  	v10 =	vld [tilespmem:s14+$0x0];
	_ =	sdelay $0x2  }
0x20a: {  	v11 =	vor.u32 s16, v4;
	_ =	sdelay $0x1  }
0x20b: {  	v9 =	vmul.f32 v9, v10;
	_ =	sdelay $0x1  }
0x20c: {  	[tilespmem:s14+$0x0] =	vst v9  }
0x20d: {  	v9 =	vld.idx.msk [tilespmem:v11+s5+$0x0], $0xffff  }
0x20e: {  	v10 =	vld [tilespmem:s14+$0x10];
	_ =	sdelay $0x2  }
0x20f: {  	v11 =	vor.u32 s16, v5;
	_ =	sdelay $0x1  }
0x210: {  	v9 =	vmul.f32 v9, v10;
	_ =	sdelay $0x1  }
0x211: {  	[tilespmem:s14+$0x10] =	vst v9  }
0x212: {  	v9 =	vld.idx.msk [tilespmem:v11+s5+$0x0], $0xffff  }
0x213: {  	v10 =	vld [tilespmem:s14+$0x20];
	_ =	sdelay $0x2  }
0x214: {  	v11 =	vor.u32 s16, v6;
	_ =	sdelay $0x1  }
0x215: {  	v9 =	vmul.f32 v9, v10;
	_ =	sdelay $0x1  }
0x216: {  	[tilespmem:s14+$0x20] =	vst v9  }
0x217: {  	v9 =	vld.idx.msk [tilespmem:v11+s5+$0x0], $0xffff  }
0x218: {  	v10 =	vld [tilespmem:s14+$0x30];
	_ =	sdelay $0x2  }
0x219: {  	v11 =	vor.u32 s16, v8;
	_ =	sdelay $0x1  }
0x21a: {  	v9 =	vmul.f32 v9, v10;
	_ =	sdelay $0x1  }
0x21b: {  	[tilespmem:s14+$0x30] =	vst v9  }
0x21c: {  	s19 =	sand.u32 $0xFFF0, s15;
	s15 =	smov.u32 s18;
	v10 =	vld.idx.msk [tilespmem:v11+s5+$0x0], $0xffff  }
0x21d: {  	v11 =	vld [tilespmem:s19+$0xF380]  }
.Ltmp3:
0x21e: {  	(pc) =	sbr.rel @p0 .LBB2_8-.Ltmp3, $3  }
0x21f: {  	s16 =	sadd.s32 $0x10, s16  }
0x220: {  	v9 =	vor.u32 s16, v0;
	_ =	sdelay $0x1  }
0x221: {  	v10 =	vmul.f32 v10, v11  }
0x222: {  	_ =	sdelay $0x2  }
0x223: {  	[tilespmem:s19+$0xF380] =	vst v10  }
0x224: {  	s14 =	sadd.s32 $0x90, s14;
	v9 =	vld.idx.msk [tilespmem:v9+s5+$0x0], $0xffff  }
0x225: {  	v10 =	vld [tilespmem:s14+$0xFFFFFFC0];
	_ =	sdelay $0x2  }
0x226: {  	v11 =	vor.u32 s16, v1;
	_ =	sdelay $0x1  }
0x227: {  	v9 =	vmul.f32 v9, v10;
	_ =	sdelay $0x1  }
0x228: {  	v10 =	vld [tilespmem:s14+$0xFFFFFFD0];
	[tilespmem:s14+$0xFFFFFFC0] =	vst v9  }
0x229: {  	v9 =	vld.idx.msk [tilespmem:v11+s5+$0x0], $0xffff;
	_ =	sdelay $0x2  }
0x22a: {  	v11 =	vor.u32 s16, v2;
	_ =	sdelay $0x1  }
0x22b: {  	v9 =	vmul.f32 v9, v10;
	_ =	sdelay $0x1  }
0x22c: {  	v10 =	vld [tilespmem:s14+$0xFFFFFFE0];
	[tilespmem:s14+$0xFFFFFFD0] =	vst v9  }
0x22d: {  	v9 =	vld.idx.msk [tilespmem:v11+s5+$0x0], $0xffff;
	_ =	sdelay $0x2  }
0x22e: {  	v11 =	vor.u32 s16, v3;
	_ =	sdelay $0x1  }
0x22f: {  	v9 =	vmul.f32 v9, v10;
	_ =	sdelay $0x1  }
0x230: {  	v10 =	vld [tilespmem:s14+$0xFFFFFFF0];
	[tilespmem:s14+$0xFFFFFFE0] =	vst v9  }
0x231: {  	v9 =	vld.idx.msk [tilespmem:v11+s5+$0x0], $0xffff;
	_ =	sdelay $0x2  }
0x232: {  	v11 =	vor.u32 s16, v7;
	_ =	sdelay $0x1  }
0x233: {  	v9 =	vmul.f32 v9, v10;
	_ =	sdelay $0x1  }
0x234: {  	v10 =	vld [tilespmem:s14+$0x0];
	[tilespmem:s14+$0xFFFFFFF0] =	vst v9  }
0x235: {  	v9 =	vld.idx.msk [tilespmem:v11+s5+$0x0], $0xffff;
	_ =	sdelay $0x2  }
0x236: {  	v11 =	vor.u32 s16, v4;
	_ =	sdelay $0x1  }
0x237: {  	v9 =	vmul.f32 v9, v10;
	_ =	sdelay $0x1  }
0x238: {  	v10 =	vld [tilespmem:s14+$0x10];
	[tilespmem:s14+$0x0] =	vst v9  }
0x239: {  	v9 =	vld.idx.msk [tilespmem:v11+s5+$0x0], $0xffff;
	_ =	sdelay $0x2  }
0x23a: {  	v11 =	vor.u32 s16, v5;
	_ =	sdelay $0x1  }
0x23b: {  	v9 =	vmul.f32 v9, v10;
	_ =	sdelay $0x1  }
0x23c: {  	v10 =	vld [tilespmem:s14+$0x20];
	[tilespmem:s14+$0x10] =	vst v9  }
0x23d: {  	v9 =	vld.idx.msk [tilespmem:v11+s5+$0x0], $0xffff;
	_ =	sdelay $0x2  }
0x23e: {  	v11 =	vor.u32 s16, v6;
	_ =	sdelay $0x1  }
0x23f: {  	v9 =	vmul.f32 v9, v10;
	_ =	sdelay $0x1  }
0x240: {  	v10 =	vld [tilespmem:s14+$0x30];
	[tilespmem:s14+$0x20] =	vst v9  }
0x241: {  	v9 =	vld.idx.msk [tilespmem:v11+s5+$0x0], $0xffff;
	_ =	sdelay $0x2  }
0x242: {  	v11 =	vor.u32 s16, v8;
	_ =	sdelay $0x1  }
0x243: {  	v9 =	vmul.f32 v9, v10;
	_ =	sdelay $0x1  }
0x244: {  	[tilespmem:s14+$0x30] =	vst v9  }
0x245: {  	s16 =	sand.u32 $0xFFF0, s15;
	v9 =	vld.idx.msk [tilespmem:v11+s5+$0x0], $0xffff  }
0x246: {  	v10 =	vld [tilespmem:s16+$0xF380];
	_ =	sdelay $0x4  }
0x247: {  	v9 =	vmul.f32 v9, v10;
	_ =	sdelay $0x1  }
0x248: {  	s17 =	simm.s32 $0x0;
	s18 =	rddreg [dreg:$0x10];
	[tilespmem:s16+$0xF380] =	vst v9  }
0x249: {  	[hbm4b:s18+s17] =	stream.linear.scatter [tilespmem:s4], [sflag:$0x8], $0x5100, $0x38;
	[tilespmem:$0x16800] =	vst v63  }
0x24a: {  	_ =	swait.ge [sflag:s11], $0x5100  }
0x24b: {  	[sflag:s11] =	ssyncset.done $0x0  }
0x24c: {  	s19 =	rddreg [dreg:$0x11];
	[sflag:s11] =	ssyncadd.s32 $0xFFFFAF00  }
0x24d: {  	[tilespmem:s1], [sflag:$0x3] =	stream.linear.gather [hbm4b:s19+s17], $0x5100, $0x38;
	[tilespmem:$0x16800] =	vst v63  }
0x24e: {  	_ = 	snop  }
0x24f: {  	[tilespmem:s0], [sflag:$0x3] =	stream.linear.gather [hbm4b:s25+s17], $0x900, $0x38;
	[tilespmem:$0x16800] =	vst v63  }
0x250: {  	_ =	swait.ge [sflag:s3], $0x5100  }
0x251: {  	v9 =	vor.u32 s17, v0;
	[sflag:s3] =	ssyncset.done $0x0  }
0x252: {  	[sflag:s3] =	ssyncadd.s32 $0xFFFFAF00  }
0x253: {  	_ =	swait.ge [sflag:s3], $0x900  }
0x254: {  	[sflag:s3] =	ssyncset.done $0x0  }
0x255: {  	[sflag:s3] =	ssyncadd.s32 $0xFFFFF700  }
0x256: {  	s14 =	simm.s32 $0x40;
	v9 =	vld.idx.msk [tilespmem:v9+s29+$0x0], $0xffff  }
0x257: {  	v10 =	vld [tilespmem:s14+$0xFFFFFFC0];
	_ =	sdelay $0x2  }
0x258: {  	v11 =	vor.u32 s17, v1;
	_ =	sdelay $0x1  }
0x259: {  	v9 =	vmul.f32 v9, v10;
	_ =	sdelay $0x1  }
0x25a: {  	v10 =	vld [tilespmem:s14+$0xFFFFFFD0];
	[tilespmem:s14+$0xFFFFFFC0] =	vst v9  }
0x25b: {  	v9 =	vld.idx.msk [tilespmem:v11+s29+$0x0], $0xffff;
	_ =	sdelay $0x2  }
0x25c: {  	v11 =	vor.u32 s17, v2;
	_ =	sdelay $0x1  }
0x25d: {  	v9 =	vmul.f32 v9, v10;
	_ =	sdelay $0x1  }
0x25e: {  	v10 =	vld [tilespmem:s14+$0xFFFFFFE0];
	[tilespmem:s14+$0xFFFFFFD0] =	vst v9  }
0x25f: {  	v9 =	vld.idx.msk [tilespmem:v11+s29+$0x0], $0xffff;
	_ =	sdelay $0x2  }
0x260: {  	v11 =	vor.u32 s17, v3;
	_ =	sdelay $0x1  }
0x261: {  	v9 =	vmul.f32 v9, v10;
	_ =	sdelay $0x1  }
0x262: {  	v10 =	vld [tilespmem:s14+$0xFFFFFFF0];
	[tilespmem:s14+$0xFFFFFFE0] =	vst v9  }
0x263: {  	v9 =	vld.idx.msk [tilespmem:v11+s29+$0x0], $0xffff;
	_ =	sdelay $0x2  }
0x264: {  	v11 =	vor.u32 s17, v7;
	_ =	sdelay $0x1  }
0x265: {  	v9 =	vmul.f32 v9, v10;
	_ =	sdelay $0x1  }
0x266: {  	v10 =	vld [tilespmem:s14+$0x0];
	[tilespmem:s14+$0xFFFFFFF0] =	vst v9  }
0x267: {  	v9 =	vld.idx.msk [tilespmem:v11+s29+$0x0], $0xffff;
	_ =	sdelay $0x2  }
0x268: {  	v11 =	vor.u32 s17, v4;
	_ =	sdelay $0x1  }
0x269: {  	v9 =	vmul.f32 v9, v10;
	_ =	sdelay $0x1  }
0x26a: {  	v10 =	vld [tilespmem:s14+$0x10];
	[tilespmem:s14+$0x0] =	vst v9  }
0x26b: {  	v9 =	vld.idx.msk [tilespmem:v11+s29+$0x0], $0xffff;
	_ =	sdelay $0x2  }
0x26c: {  	v11 =	vor.u32 s17, v5;
	_ =	sdelay $0x1  }
0x26d: {  	v9 =	vmul.f32 v9, v10;
	_ =	sdelay $0x1  }
0x26e: {  	v10 =	vld [tilespmem:s14+$0x20];
	[tilespmem:s14+$0x10] =	vst v9  }
0x26f: {  	v9 =	vld.idx.msk [tilespmem:v11+s29+$0x0], $0xffff;
	_ =	sdelay $0x2  }
0x270: {  	v11 =	vor.u32 s17, v6;
	_ =	sdelay $0x1  }
0x271: {  	v9 =	vmul.f32 v9, v10;
	_ =	sdelay $0x1  }
0x272: {  	v10 =	vld [tilespmem:s14+$0x30];
	[tilespmem:s14+$0x20] =	vst v9  }
0x273: {  	v9 =	vld.idx.msk [tilespmem:v11+s29+$0x0], $0xffff;
	_ =	sdelay $0x2  }
0x274: {  	v11 =	vor.u32 s17, v8;
	_ =	sdelay $0x1  }
0x275: {  	v9 =	vmul.f32 v9, v10;
	_ =	sdelay $0x1  }
0x276: {  	[tilespmem:s14+$0x30] =	vst v9  }
0x277: {  	s19 =	sand.u32 $0xFFF0, s17;
	v10 =	vld.idx.msk [tilespmem:v11+s29+$0x0], $0xffff  }
0x278: {  	v11 =	vld [tilespmem:s19+$0x80];
	_ =	sdelay $0x1  }
0x279: {  	s16 =	simm.s32 $0x10  }
0x27a: {  	v9 =	vor.u32 s16, v0;
	_ =	sdelay $0x1  }
0x27b: {  	s15 =	simm.s32 $0x90;
	s17 =	simm.s32 $0x120;
	v10 =	vmul.f32 v10, v11  }
.LBB2_10:
0x27c: {  	p0 =	sne.s32 s17, $0x5070  }
0x27d: {  	s14 =	sadd.s32 $0x90, s14;
	s18 =	smov.u32 s17;
	s17 =	sadd.s32 $0x90, s17;
	[tilespmem:s19+$0x80] =	vst v10  }
0x27e: {  	v9 =	vld.idx.msk [tilespmem:v9+s29+$0x0], $0xffff  }
0x27f: {  	v10 =	vld [tilespmem:s14+$0xFFFFFFC0];
	_ =	sdelay $0x2  }
0x280: {  	v11 =	vor.u32 s16, v1;
	_ =	sdelay $0x1  }
0x281: {  	v9 =	vmul.f32 v9, v10;
	_ =	sdelay $0x1  }
0x282: {  	[tilespmem:s14+$0xFFFFFFC0] =	vst v9  }
0x283: {  	v9 =	vld.idx.msk [tilespmem:v11+s29+$0x0], $0xffff  }
0x284: {  	v10 =	vld [tilespmem:s14+$0xFFFFFFD0];
	_ =	sdelay $0x2  }
0x285: {  	v11 =	vor.u32 s16, v2;
	_ =	sdelay $0x1  }
0x286: {  	v9 =	vmul.f32 v9, v10;
	_ =	sdelay $0x1  }
0x287: {  	[tilespmem:s14+$0xFFFFFFD0] =	vst v9  }
0x288: {  	v9 =	vld.idx.msk [tilespmem:v11+s29+$0x0], $0xffff  }
0x289: {  	v10 =	vld [tilespmem:s14+$0xFFFFFFE0];
	_ =	sdelay $0x2  }
0x28a: {  	v11 =	vor.u32 s16, v3;
	_ =	sdelay $0x1  }
0x28b: {  	v9 =	vmul.f32 v9, v10;
	_ =	sdelay $0x1  }
0x28c: {  	[tilespmem:s14+$0xFFFFFFE0] =	vst v9  }
0x28d: {  	v9 =	vld.idx.msk [tilespmem:v11+s29+$0x0], $0xffff  }
0x28e: {  	v10 =	vld [tilespmem:s14+$0xFFFFFFF0];
	_ =	sdelay $0x2  }
0x28f: {  	v11 =	vor.u32 s16, v7;
	_ =	sdelay $0x1  }
0x290: {  	v9 =	vmul.f32 v9, v10;
	_ =	sdelay $0x1  }
0x291: {  	[tilespmem:s14+$0xFFFFFFF0] =	vst v9  }
0x292: {  	v9 =	vld.idx.msk [tilespmem:v11+s29+$0x0], $0xffff  }
0x293: {  	v10 =	vld [tilespmem:s14+$0x0];
	_ =	sdelay $0x2  }
0x294: {  	v11 =	vor.u32 s16, v4;
	_ =	sdelay $0x1  }
0x295: {  	v9 =	vmul.f32 v9, v10;
	_ =	sdelay $0x1  }
0x296: {  	[tilespmem:s14+$0x0] =	vst v9  }
0x297: {  	v9 =	vld.idx.msk [tilespmem:v11+s29+$0x0], $0xffff  }
0x298: {  	v10 =	vld [tilespmem:s14+$0x10];
	_ =	sdelay $0x2  }
0x299: {  	v11 =	vor.u32 s16, v5;
	_ =	sdelay $0x1  }
0x29a: {  	v9 =	vmul.f32 v9, v10;
	_ =	sdelay $0x1  }
0x29b: {  	[tilespmem:s14+$0x10] =	vst v9  }
0x29c: {  	v9 =	vld.idx.msk [tilespmem:v11+s29+$0x0], $0xffff  }
0x29d: {  	v10 =	vld [tilespmem:s14+$0x20];
	_ =	sdelay $0x2  }
0x29e: {  	v11 =	vor.u32 s16, v6;
	_ =	sdelay $0x1  }
0x29f: {  	v9 =	vmul.f32 v9, v10;
	_ =	sdelay $0x1  }
0x2a0: {  	[tilespmem:s14+$0x20] =	vst v9  }
0x2a1: {  	v9 =	vld.idx.msk [tilespmem:v11+s29+$0x0], $0xffff  }
0x2a2: {  	v10 =	vld [tilespmem:s14+$0x30];
	_ =	sdelay $0x2  }
0x2a3: {  	v11 =	vor.u32 s16, v8;
	_ =	sdelay $0x1  }
0x2a4: {  	v9 =	vmul.f32 v9, v10;
	_ =	sdelay $0x1  }
0x2a5: {  	[tilespmem:s14+$0x30] =	vst v9  }
0x2a6: {  	s19 =	sand.u32 $0xFFF0, s15;
	s15 =	smov.u32 s18;
	v10 =	vld.idx.msk [tilespmem:v11+s29+$0x0], $0xffff  }
0x2a7: {  	v11 =	vld [tilespmem:s19+$0x80]  }
.Ltmp4:
0x2a8: {  	(pc) =	sbr.rel @p0 .LBB2_10-.Ltmp4, $3  }
0x2a9: {  	s16 =	sadd.s32 $0x10, s16  }
0x2aa: {  	v9 =	vor.u32 s16, v0;
	_ =	sdelay $0x1  }
0x2ab: {  	v10 =	vmul.f32 v10, v11  }
0x2ac: {  	_ =	sdelay $0x2  }
0x2ad: {  	[tilespmem:s19+$0x80] =	vst v10  }
0x2ae: {  	s14 =	sadd.s32 $0x90, s14;
	v9 =	vld.idx.msk [tilespmem:v9+s29+$0x0], $0xffff  }
0x2af: {  	v10 =	vld [tilespmem:s14+$0xFFFFFFC0];
	_ =	sdelay $0x2  }
0x2b0: {  	v11 =	vor.u32 s16, v1;
	_ =	sdelay $0x1  }
0x2b1: {  	v9 =	vmul.f32 v9, v10;
	_ =	sdelay $0x1  }
0x2b2: {  	v10 =	vld [tilespmem:s14+$0xFFFFFFD0];
	[tilespmem:s14+$0xFFFFFFC0] =	vst v9  }
0x2b3: {  	v9 =	vld.idx.msk [tilespmem:v11+s29+$0x0], $0xffff;
	_ =	sdelay $0x2  }
0x2b4: {  	v11 =	vor.u32 s16, v2;
	_ =	sdelay $0x1  }
0x2b5: {  	v9 =	vmul.f32 v9, v10;
	_ =	sdelay $0x1  }
0x2b6: {  	v10 =	vld [tilespmem:s14+$0xFFFFFFE0];
	[tilespmem:s14+$0xFFFFFFD0] =	vst v9  }
0x2b7: {  	v9 =	vld.idx.msk [tilespmem:v11+s29+$0x0], $0xffff;
	_ =	sdelay $0x2  }
0x2b8: {  	v11 =	vor.u32 s16, v3;
	_ =	sdelay $0x1  }
0x2b9: {  	v9 =	vmul.f32 v9, v10;
	_ =	sdelay $0x1  }
0x2ba: {  	v10 =	vld [tilespmem:s14+$0xFFFFFFF0];
	[tilespmem:s14+$0xFFFFFFE0] =	vst v9  }
0x2bb: {  	v9 =	vld.idx.msk [tilespmem:v11+s29+$0x0], $0xffff;
	_ =	sdelay $0x2  }
0x2bc: {  	v11 =	vor.u32 s16, v7;
	_ =	sdelay $0x1  }
0x2bd: {  	v9 =	vmul.f32 v9, v10;
	_ =	sdelay $0x1  }
0x2be: {  	v10 =	vld [tilespmem:s14+$0x0];
	[tilespmem:s14+$0xFFFFFFF0] =	vst v9  }
0x2bf: {  	v9 =	vld.idx.msk [tilespmem:v11+s29+$0x0], $0xffff;
	_ =	sdelay $0x2  }
0x2c0: {  	v11 =	vor.u32 s16, v4;
	_ =	sdelay $0x1  }
0x2c1: {  	v9 =	vmul.f32 v9, v10;
	_ =	sdelay $0x1  }
0x2c2: {  	v10 =	vld [tilespmem:s14+$0x10];
	[tilespmem:s14+$0x0] =	vst v9  }
0x2c3: {  	v9 =	vld.idx.msk [tilespmem:v11+s29+$0x0], $0xffff;
	_ =	sdelay $0x2  }
0x2c4: {  	v11 =	vor.u32 s16, v5;
	_ =	sdelay $0x1  }
0x2c5: {  	v9 =	vmul.f32 v9, v10;
	_ =	sdelay $0x1  }
0x2c6: {  	v10 =	vld [tilespmem:s14+$0x20];
	[tilespmem:s14+$0x10] =	vst v9  }
0x2c7: {  	v9 =	vld.idx.msk [tilespmem:v11+s29+$0x0], $0xffff;
	_ =	sdelay $0x2  }
0x2c8: {  	v11 =	vor.u32 s16, v6;
	_ =	sdelay $0x1  }
0x2c9: {  	v9 =	vmul.f32 v9, v10;
	_ =	sdelay $0x1  }
0x2ca: {  	v10 =	vld [tilespmem:s14+$0x30];
	[tilespmem:s14+$0x20] =	vst v9  }
0x2cb: {  	v9 =	vld.idx.msk [tilespmem:v11+s29+$0x0], $0xffff;
	_ =	sdelay $0x2  }
0x2cc: {  	v11 =	vor.u32 s16, v8;
	_ =	sdelay $0x1  }
0x2cd: {  	v9 =	vmul.f32 v9, v10;
	_ =	sdelay $0x1  }
0x2ce: {  	[tilespmem:s14+$0x30] =	vst v9  }
0x2cf: {  	s16 =	sand.u32 $0xFFF0, s15;
	v9 =	vld.idx.msk [tilespmem:v11+s29+$0x0], $0xffff  }
0x2d0: {  	v10 =	vld [tilespmem:s16+$0x80];
	_ =	sdelay $0x4  }
0x2d1: {  	v9 =	vmul.f32 v9, v10;
	_ =	sdelay $0x1  }
0x2d2: {  	s17 =	simm.s32 $0x0;
	s18 =	rddreg [dreg:$0x12];
	[tilespmem:s16+$0x80] =	vst v9  }
0x2d3: {  	[hbm4b:s18+s17] =	stream.linear.scatter [tilespmem:s17], [sflag:$0x5], $0x5100, $0x38;
	[tilespmem:$0x16800] =	vst v63  }
0x2d4: {  	_ =	swait.ge [sflag:s12], $0x5100  }
0x2d5: {  	[sflag:s12] =	ssyncset.done $0x0  }
0x2d6: {  	s19 =	rddreg [dreg:$0x13];
	[sflag:s12] =	ssyncadd.s32 $0xFFFFAF00  }
0x2d7: {  	[tilespmem:s4], [sflag:$0x4] =	stream.linear.gather [hbm4b:s19+s17], $0x5100, $0x38;
	[tilespmem:$0x16800] =	vst v63  }
0x2d8: {  	_ = 	snop  }
0x2d9: {  	[tilespmem:s5], [sflag:$0x4] =	stream.linear.gather [hbm4b:s26+s17], $0x900, $0x38;
	[tilespmem:$0x16800] =	vst v63  }
0x2da: {  	_ =	swait.ge [sflag:s6], $0x5100  }
0x2db: {  	v9 =	vor.u32 s17, v0;
	[sflag:s6] =	ssyncset.done $0x0  }
0x2dc: {  	[sflag:s6] =	ssyncadd.s32 $0xFFFFAF00  }
0x2dd: {  	_ =	swait.ge [sflag:s6], $0x900  }
0x2de: {  	[sflag:s6] =	ssyncset.done $0x0  }
0x2df: {  	[sflag:s6] =	ssyncadd.s32 $0xFFFFF700  }
0x2e0: {  	s14 =	simm.s32 $0x5140;
	v9 =	vld.idx.msk [tilespmem:v9+s31+$0x0], $0xffff  }
0x2e1: {  	v10 =	vld [tilespmem:s14+$0xFFFFFFC0];
	_ =	sdelay $0x2  }
0x2e2: {  	v11 =	vor.u32 s17, v1;
	_ =	sdelay $0x1  }
0x2e3: {  	v9 =	vmul.f32 v9, v10;
	_ =	sdelay $0x1  }
0x2e4: {  	v10 =	vld [tilespmem:s14+$0xFFFFFFD0];
	[tilespmem:s14+$0xFFFFFFC0] =	vst v9  }
0x2e5: {  	v9 =	vld.idx.msk [tilespmem:v11+s31+$0x0], $0xffff;
	_ =	sdelay $0x2  }
0x2e6: {  	v11 =	vor.u32 s17, v2;
	_ =	sdelay $0x1  }
0x2e7: {  	v9 =	vmul.f32 v9, v10;
	_ =	sdelay $0x1  }
0x2e8: {  	v10 =	vld [tilespmem:s14+$0xFFFFFFE0];
	[tilespmem:s14+$0xFFFFFFD0] =	vst v9  }
0x2e9: {  	v9 =	vld.idx.msk [tilespmem:v11+s31+$0x0], $0xffff;
	_ =	sdelay $0x2  }
0x2ea: {  	v11 =	vor.u32 s17, v3;
	_ =	sdelay $0x1  }
0x2eb: {  	v9 =	vmul.f32 v9, v10;
	_ =	sdelay $0x1  }
0x2ec: {  	v10 =	vld [tilespmem:s14+$0xFFFFFFF0];
	[tilespmem:s14+$0xFFFFFFE0] =	vst v9  }
0x2ed: {  	v9 =	vld.idx.msk [tilespmem:v11+s31+$0x0], $0xffff;
	_ =	sdelay $0x2  }
0x2ee: {  	v11 =	vor.u32 s17, v7;
	_ =	sdelay $0x1  }
0x2ef: {  	v9 =	vmul.f32 v9, v10;
	_ =	sdelay $0x1  }
0x2f0: {  	v10 =	vld [tilespmem:s14+$0x0];
	[tilespmem:s14+$0xFFFFFFF0] =	vst v9  }
0x2f1: {  	v9 =	vld.idx.msk [tilespmem:v11+s31+$0x0], $0xffff;
	_ =	sdelay $0x2  }
0x2f2: {  	v11 =	vor.u32 s17, v4;
	_ =	sdelay $0x1  }
0x2f3: {  	v9 =	vmul.f32 v9, v10;
	_ =	sdelay $0x1  }
0x2f4: {  	v10 =	vld [tilespmem:s14+$0x10];
	[tilespmem:s14+$0x0] =	vst v9  }
0x2f5: {  	v9 =	vld.idx.msk [tilespmem:v11+s31+$0x0], $0xffff;
	_ =	sdelay $0x2  }
0x2f6: {  	v11 =	vor.u32 s17, v5;
	_ =	sdelay $0x1  }
0x2f7: {  	v9 =	vmul.f32 v9, v10;
	_ =	sdelay $0x1  }
0x2f8: {  	v10 =	vld [tilespmem:s14+$0x20];
	[tilespmem:s14+$0x10] =	vst v9  }
0x2f9: {  	v9 =	vld.idx.msk [tilespmem:v11+s31+$0x0], $0xffff;
	_ =	sdelay $0x2  }
0x2fa: {  	v11 =	vor.u32 s17, v6;
	_ =	sdelay $0x1  }
0x2fb: {  	v9 =	vmul.f32 v9, v10;
	_ =	sdelay $0x1  }
0x2fc: {  	v10 =	vld [tilespmem:s14+$0x30];
	[tilespmem:s14+$0x20] =	vst v9  }
0x2fd: {  	v9 =	vld.idx.msk [tilespmem:v11+s31+$0x0], $0xffff;
	_ =	sdelay $0x2  }
0x2fe: {  	v11 =	vor.u32 s17, v8;
	_ =	sdelay $0x1  }
0x2ff: {  	v9 =	vmul.f32 v9, v10;
	_ =	sdelay $0x1  }
0x300: {  	[tilespmem:s14+$0x30] =	vst v9  }
0x301: {  	s19 =	sand.u32 $0xFFF0, s17;
	v10 =	vld.idx.msk [tilespmem:v11+s31+$0x0], $0xffff  }
0x302: {  	v11 =	vld [tilespmem:s19+$0x5180];
	_ =	sdelay $0x1  }
0x303: {  	s16 =	simm.s32 $0x10  }
0x304: {  	v9 =	vor.u32 s16, v0;
	_ =	sdelay $0x1  }
0x305: {  	s15 =	simm.s32 $0x90;
	s17 =	simm.s32 $0x120;
	v10 =	vmul.f32 v10, v11  }
.LBB2_12:
0x306: {  	p0 =	sne.s32 s17, $0x5070  }
0x307: {  	s14 =	sadd.s32 $0x90, s14;
	s18 =	smov.u32 s17;
	s17 =	sadd.s32 $0x90, s17;
	[tilespmem:s19+$0x5180] =	vst v10  }
0x308: {  	v9 =	vld.idx.msk [tilespmem:v9+s31+$0x0], $0xffff  }
0x309: {  	v10 =	vld [tilespmem:s14+$0xFFFFFFC0];
	_ =	sdelay $0x2  }
0x30a: {  	v11 =	vor.u32 s16, v1;
	_ =	sdelay $0x1  }
0x30b: {  	v9 =	vmul.f32 v9, v10;
	_ =	sdelay $0x1  }
0x30c: {  	[tilespmem:s14+$0xFFFFFFC0] =	vst v9  }
0x30d: {  	v9 =	vld.idx.msk [tilespmem:v11+s31+$0x0], $0xffff  }
0x30e: {  	v10 =	vld [tilespmem:s14+$0xFFFFFFD0];
	_ =	sdelay $0x2  }
0x30f: {  	v11 =	vor.u32 s16, v2;
	_ =	sdelay $0x1  }
0x310: {  	v9 =	vmul.f32 v9, v10;
	_ =	sdelay $0x1  }
0x311: {  	[tilespmem:s14+$0xFFFFFFD0] =	vst v9  }
0x312: {  	v9 =	vld.idx.msk [tilespmem:v11+s31+$0x0], $0xffff  }
0x313: {  	v10 =	vld [tilespmem:s14+$0xFFFFFFE0];
	_ =	sdelay $0x2  }
0x314: {  	v11 =	vor.u32 s16, v3;
	_ =	sdelay $0x1  }
0x315: {  	v9 =	vmul.f32 v9, v10;
	_ =	sdelay $0x1  }
0x316: {  	[tilespmem:s14+$0xFFFFFFE0] =	vst v9  }
0x317: {  	v9 =	vld.idx.msk [tilespmem:v11+s31+$0x0], $0xffff  }
0x318: {  	v10 =	vld [tilespmem:s14+$0xFFFFFFF0];
	_ =	sdelay $0x2  }
0x319: {  	v11 =	vor.u32 s16, v7;
	_ =	sdelay $0x1  }
0x31a: {  	v9 =	vmul.f32 v9, v10;
	_ =	sdelay $0x1  }
0x31b: {  	[tilespmem:s14+$0xFFFFFFF0] =	vst v9  }
0x31c: {  	v9 =	vld.idx.msk [tilespmem:v11+s31+$0x0], $0xffff  }
0x31d: {  	v10 =	vld [tilespmem:s14+$0x0];
	_ =	sdelay $0x2  }
0x31e: {  	v11 =	vor.u32 s16, v4;
	_ =	sdelay $0x1  }
0x31f: {  	v9 =	vmul.f32 v9, v10;
	_ =	sdelay $0x1  }
0x320: {  	[tilespmem:s14+$0x0] =	vst v9  }
0x321: {  	v9 =	vld.idx.msk [tilespmem:v11+s31+$0x0], $0xffff  }
0x322: {  	v10 =	vld [tilespmem:s14+$0x10];
	_ =	sdelay $0x2  }
0x323: {  	v11 =	vor.u32 s16, v5;
	_ =	sdelay $0x1  }
0x324: {  	v9 =	vmul.f32 v9, v10;
	_ =	sdelay $0x1  }
0x325: {  	[tilespmem:s14+$0x10] =	vst v9  }
0x326: {  	v9 =	vld.idx.msk [tilespmem:v11+s31+$0x0], $0xffff  }
0x327: {  	v10 =	vld [tilespmem:s14+$0x20];
	_ =	sdelay $0x2  }
0x328: {  	v11 =	vor.u32 s16, v6;
	_ =	sdelay $0x1  }
0x329: {  	v9 =	vmul.f32 v9, v10;
	_ =	sdelay $0x1  }
0x32a: {  	[tilespmem:s14+$0x20] =	vst v9  }
0x32b: {  	v9 =	vld.idx.msk [tilespmem:v11+s31+$0x0], $0xffff  }
0x32c: {  	v10 =	vld [tilespmem:s14+$0x30];
	_ =	sdelay $0x2  }
0x32d: {  	v11 =	vor.u32 s16, v8;
	_ =	sdelay $0x1  }
0x32e: {  	v9 =	vmul.f32 v9, v10;
	_ =	sdelay $0x1  }
0x32f: {  	[tilespmem:s14+$0x30] =	vst v9  }
0x330: {  	s19 =	sand.u32 $0xFFF0, s15;
	s15 =	smov.u32 s18;
	v10 =	vld.idx.msk [tilespmem:v11+s31+$0x0], $0xffff  }
0x331: {  	v11 =	vld [tilespmem:s19+$0x5180]  }
.Ltmp5:
0x332: {  	(pc) =	sbr.rel @p0 .LBB2_12-.Ltmp5, $3  }
0x333: {  	s16 =	sadd.s32 $0x10, s16  }
0x334: {  	v9 =	vor.u32 s16, v0;
	_ =	sdelay $0x1  }
0x335: {  	v10 =	vmul.f32 v10, v11  }
0x336: {  	_ =	sdelay $0x2  }
0x337: {  	[tilespmem:s19+$0x5180] =	vst v10  }
0x338: {  	s14 =	sadd.s32 $0x90, s14;
	v9 =	vld.idx.msk [tilespmem:v9+s31+$0x0], $0xffff  }
0x339: {  	v10 =	vld [tilespmem:s14+$0xFFFFFFC0];
	_ =	sdelay $0x2  }
0x33a: {  	v11 =	vor.u32 s16, v1;
	_ =	sdelay $0x1  }
0x33b: {  	v9 =	vmul.f32 v9, v10;
	_ =	sdelay $0x1  }
0x33c: {  	v10 =	vld [tilespmem:s14+$0xFFFFFFD0];
	[tilespmem:s14+$0xFFFFFFC0] =	vst v9  }
0x33d: {  	v9 =	vld.idx.msk [tilespmem:v11+s31+$0x0], $0xffff;
	_ =	sdelay $0x2  }
0x33e: {  	v11 =	vor.u32 s16, v2;
	_ =	sdelay $0x1  }
0x33f: {  	v9 =	vmul.f32 v9, v10;
	_ =	sdelay $0x1  }
0x340: {  	v10 =	vld [tilespmem:s14+$0xFFFFFFE0];
	[tilespmem:s14+$0xFFFFFFD0] =	vst v9  }
0x341: {  	v9 =	vld.idx.msk [tilespmem:v11+s31+$0x0], $0xffff;
	_ =	sdelay $0x2  }
0x342: {  	v11 =	vor.u32 s16, v3;
	_ =	sdelay $0x1  }
0x343: {  	v9 =	vmul.f32 v9, v10;
	_ =	sdelay $0x1  }
0x344: {  	v10 =	vld [tilespmem:s14+$0xFFFFFFF0];
	[tilespmem:s14+$0xFFFFFFE0] =	vst v9  }
0x345: {  	v9 =	vld.idx.msk [tilespmem:v11+s31+$0x0], $0xffff;
	_ =	sdelay $0x2  }
0x346: {  	v11 =	vor.u32 s16, v7;
	_ =	sdelay $0x1  }
0x347: {  	v9 =	vmul.f32 v9, v10;
	_ =	sdelay $0x1  }
0x348: {  	v10 =	vld [tilespmem:s14+$0x0];
	[tilespmem:s14+$0xFFFFFFF0] =	vst v9  }
0x349: {  	v9 =	vld.idx.msk [tilespmem:v11+s31+$0x0], $0xffff;
	_ =	sdelay $0x2  }
0x34a: {  	v11 =	vor.u32 s16, v4;
	_ =	sdelay $0x1  }
0x34b: {  	v9 =	vmul.f32 v9, v10;
	_ =	sdelay $0x1  }
0x34c: {  	v10 =	vld [tilespmem:s14+$0x10];
	[tilespmem:s14+$0x0] =	vst v9  }
0x34d: {  	v9 =	vld.idx.msk [tilespmem:v11+s31+$0x0], $0xffff;
	_ =	sdelay $0x2  }
0x34e: {  	v11 =	vor.u32 s16, v5;
	_ =	sdelay $0x1  }
0x34f: {  	v9 =	vmul.f32 v9, v10;
	_ =	sdelay $0x1  }
0x350: {  	v10 =	vld [tilespmem:s14+$0x20];
	[tilespmem:s14+$0x10] =	vst v9  }
0x351: {  	v9 =	vld.idx.msk [tilespmem:v11+s31+$0x0], $0xffff;
	_ =	sdelay $0x2  }
0x352: {  	v11 =	vor.u32 s16, v6;
	_ =	sdelay $0x1  }
0x353: {  	v9 =	vmul.f32 v9, v10;
	_ =	sdelay $0x1  }
0x354: {  	v10 =	vld [tilespmem:s14+$0x30];
	[tilespmem:s14+$0x20] =	vst v9  }
0x355: {  	v9 =	vld.idx.msk [tilespmem:v11+s31+$0x0], $0xffff;
	_ =	sdelay $0x2  }
0x356: {  	v11 =	vor.u32 s16, v8;
	_ =	sdelay $0x1  }
0x357: {  	v9 =	vmul.f32 v9, v10;
	_ =	sdelay $0x1  }
0x358: {  	[tilespmem:s14+$0x30] =	vst v9  }
0x359: {  	s18 =	sand.u32 $0xFFF0, s15;
	v9 =	vld.idx.msk [tilespmem:v11+s31+$0x0], $0xffff  }
0x35a: {  	v10 =	vld [tilespmem:s18+$0x5180];
	_ =	sdelay $0x4  }
0x35b: {  	v9 =	vmul.f32 v9, v10;
	_ =	sdelay $0x1  }
0x35c: {  	s19 =	simm.s32 $0x0;
	[tilespmem:s18+$0x5180] =	vst v9  }
0x35d: {  	[hbm4b:s20+s19] =	stream.linear.scatter [tilespmem:s30], [sflag:$0x6], $0x5100, $0x38;
	[tilespmem:$0x16800] =	vst v63  }
0x35e: {  	_ =	swait.ge [sflag:s8], $0x5100  }
0x35f: {  	v9 =	vor.u32 s19, v0;
	[sflag:s8] =	ssyncset.done $0x0  }
0x360: {  	[sflag:s8] =	ssyncadd.s32 $0xFFFFAF00  }
0x361: {  	_ =	swait.ge [sflag:s8], $0x900  }
0x362: {  	[sflag:s8] =	ssyncset.done $0x0  }
0x363: {  	[sflag:s8] =	ssyncadd.s32 $0xFFFFF700  }
0x364: {  	s14 =	simm.s32 $0xA240;
	v9 =	vld.idx.msk [tilespmem:v9+s0+$0x0], $0xffff  }
0x365: {  	v10 =	vld [tilespmem:s14+$0xFFFFFFC0];
	_ =	sdelay $0x2  }
0x366: {  	v11 =	vor.u32 s19, v1;
	_ =	sdelay $0x1  }
0x367: {  	v9 =	vmul.f32 v9, v10;
	_ =	sdelay $0x1  }
0x368: {  	v10 =	vld [tilespmem:s14+$0xFFFFFFD0];
	[tilespmem:s14+$0xFFFFFFC0] =	vst v9  }
0x369: {  	v9 =	vld.idx.msk [tilespmem:v11+s0+$0x0], $0xffff;
	_ =	sdelay $0x2  }
0x36a: {  	v11 =	vor.u32 s19, v2;
	_ =	sdelay $0x1  }
0x36b: {  	v9 =	vmul.f32 v9, v10;
	_ =	sdelay $0x1  }
0x36c: {  	v10 =	vld [tilespmem:s14+$0xFFFFFFE0];
	[tilespmem:s14+$0xFFFFFFD0] =	vst v9  }
0x36d: {  	v9 =	vld.idx.msk [tilespmem:v11+s0+$0x0], $0xffff;
	_ =	sdelay $0x2  }
0x36e: {  	v11 =	vor.u32 s19, v3;
	_ =	sdelay $0x1  }
0x36f: {  	v9 =	vmul.f32 v9, v10;
	_ =	sdelay $0x1  }
0x370: {  	v10 =	vld [tilespmem:s14+$0xFFFFFFF0];
	[tilespmem:s14+$0xFFFFFFE0] =	vst v9  }
0x371: {  	v9 =	vld.idx.msk [tilespmem:v11+s0+$0x0], $0xffff;
	_ =	sdelay $0x2  }
0x372: {  	v11 =	vor.u32 s19, v7;
	_ =	sdelay $0x1  }
0x373: {  	v9 =	vmul.f32 v9, v10;
	_ =	sdelay $0x1  }
0x374: {  	v10 =	vld [tilespmem:s14+$0x0];
	[tilespmem:s14+$0xFFFFFFF0] =	vst v9  }
0x375: {  	v9 =	vld.idx.msk [tilespmem:v11+s0+$0x0], $0xffff;
	_ =	sdelay $0x2  }
0x376: {  	v11 =	vor.u32 s19, v4;
	_ =	sdelay $0x1  }
0x377: {  	v9 =	vmul.f32 v9, v10;
	_ =	sdelay $0x1  }
0x378: {  	v10 =	vld [tilespmem:s14+$0x10];
	[tilespmem:s14+$0x0] =	vst v9  }
0x379: {  	v9 =	vld.idx.msk [tilespmem:v11+s0+$0x0], $0xffff;
	_ =	sdelay $0x2  }
0x37a: {  	v11 =	vor.u32 s19, v5;
	_ =	sdelay $0x1  }
0x37b: {  	v9 =	vmul.f32 v9, v10;
	_ =	sdelay $0x1  }
0x37c: {  	v10 =	vld [tilespmem:s14+$0x20];
	[tilespmem:s14+$0x10] =	vst v9  }
0x37d: {  	v9 =	vld.idx.msk [tilespmem:v11+s0+$0x0], $0xffff;
	_ =	sdelay $0x2  }
0x37e: {  	v11 =	vor.u32 s19, v6;
	_ =	sdelay $0x1  }
0x37f: {  	v9 =	vmul.f32 v9, v10;
	_ =	sdelay $0x1  }
0x380: {  	v10 =	vld [tilespmem:s14+$0x30];
	[tilespmem:s14+$0x20] =	vst v9  }
0x381: {  	v9 =	vld.idx.msk [tilespmem:v11+s0+$0x0], $0xffff;
	_ =	sdelay $0x2  }
0x382: {  	v11 =	vor.u32 s19, v8;
	_ =	sdelay $0x1  }
0x383: {  	v9 =	vmul.f32 v9, v10;
	_ =	sdelay $0x1  }
0x384: {  	[tilespmem:s14+$0x30] =	vst v9  }
0x385: {  	s19 =	sand.u32 $0xFFF0, s19;
	v10 =	vld.idx.msk [tilespmem:v11+s0+$0x0], $0xffff  }
0x386: {  	v11 =	vld [tilespmem:s19+$0xA280];
	_ =	sdelay $0x1  }
0x387: {  	s16 =	simm.s32 $0x10  }
0x388: {  	v9 =	vor.u32 s16, v0;
	_ =	sdelay $0x1  }
0x389: {  	s15 =	simm.s32 $0x90;
	s17 =	simm.s32 $0x120;
	v10 =	vmul.f32 v10, v11  }
.LBB2_14:
0x38a: {  	p0 =	sne.s32 s17, $0x5070  }
0x38b: {  	s14 =	sadd.s32 $0x90, s14;
	s18 =	smov.u32 s17;
	s17 =	sadd.s32 $0x90, s17;
	[tilespmem:s19+$0xA280] =	vst v10  }
0x38c: {  	v9 =	vld.idx.msk [tilespmem:v9+s0+$0x0], $0xffff  }
0x38d: {  	v10 =	vld [tilespmem:s14+$0xFFFFFFC0];
	_ =	sdelay $0x2  }
0x38e: {  	v11 =	vor.u32 s16, v1;
	_ =	sdelay $0x1  }
0x38f: {  	v9 =	vmul.f32 v9, v10;
	_ =	sdelay $0x1  }
0x390: {  	[tilespmem:s14+$0xFFFFFFC0] =	vst v9  }
0x391: {  	v9 =	vld.idx.msk [tilespmem:v11+s0+$0x0], $0xffff  }
0x392: {  	v10 =	vld [tilespmem:s14+$0xFFFFFFD0];
	_ =	sdelay $0x2  }
0x393: {  	v11 =	vor.u32 s16, v2;
	_ =	sdelay $0x1  }
0x394: {  	v9 =	vmul.f32 v9, v10;
	_ =	sdelay $0x1  }
0x395: {  	[tilespmem:s14+$0xFFFFFFD0] =	vst v9  }
0x396: {  	v9 =	vld.idx.msk [tilespmem:v11+s0+$0x0], $0xffff  }
0x397: {  	v10 =	vld [tilespmem:s14+$0xFFFFFFE0];
	_ =	sdelay $0x2  }
0x398: {  	v11 =	vor.u32 s16, v3;
	_ =	sdelay $0x1  }
0x399: {  	v9 =	vmul.f32 v9, v10;
	_ =	sdelay $0x1  }
0x39a: {  	[tilespmem:s14+$0xFFFFFFE0] =	vst v9  }
0x39b: {  	v9 =	vld.idx.msk [tilespmem:v11+s0+$0x0], $0xffff  }
0x39c: {  	v10 =	vld [tilespmem:s14+$0xFFFFFFF0];
	_ =	sdelay $0x2  }
0x39d: {  	v11 =	vor.u32 s16, v7;
	_ =	sdelay $0x1  }
0x39e: {  	v9 =	vmul.f32 v9, v10;
	_ =	sdelay $0x1  }
0x39f: {  	[tilespmem:s14+$0xFFFFFFF0] =	vst v9  }
0x3a0: {  	v9 =	vld.idx.msk [tilespmem:v11+s0+$0x0], $0xffff  }
0x3a1: {  	v10 =	vld [tilespmem:s14+$0x0];
	_ =	sdelay $0x2  }
0x3a2: {  	v11 =	vor.u32 s16, v4;
	_ =	sdelay $0x1  }
0x3a3: {  	v9 =	vmul.f32 v9, v10;
	_ =	sdelay $0x1  }
0x3a4: {  	[tilespmem:s14+$0x0] =	vst v9  }
0x3a5: {  	v9 =	vld.idx.msk [tilespmem:v11+s0+$0x0], $0xffff  }
0x3a6: {  	v10 =	vld [tilespmem:s14+$0x10];
	_ =	sdelay $0x2  }
0x3a7: {  	v11 =	vor.u32 s16, v5;
	_ =	sdelay $0x1  }
0x3a8: {  	v9 =	vmul.f32 v9, v10;
	_ =	sdelay $0x1  }
0x3a9: {  	[tilespmem:s14+$0x10] =	vst v9  }
0x3aa: {  	v9 =	vld.idx.msk [tilespmem:v11+s0+$0x0], $0xffff  }
0x3ab: {  	v10 =	vld [tilespmem:s14+$0x20];
	_ =	sdelay $0x2  }
0x3ac: {  	v11 =	vor.u32 s16, v6;
	_ =	sdelay $0x1  }
0x3ad: {  	v9 =	vmul.f32 v9, v10;
	_ =	sdelay $0x1  }
0x3ae: {  	[tilespmem:s14+$0x20] =	vst v9  }
0x3af: {  	v9 =	vld.idx.msk [tilespmem:v11+s0+$0x0], $0xffff  }
0x3b0: {  	v10 =	vld [tilespmem:s14+$0x30];
	_ =	sdelay $0x2  }
0x3b1: {  	v11 =	vor.u32 s16, v8;
	_ =	sdelay $0x1  }
0x3b2: {  	v9 =	vmul.f32 v9, v10;
	_ =	sdelay $0x1  }
0x3b3: {  	[tilespmem:s14+$0x30] =	vst v9  }
0x3b4: {  	s19 =	sand.u32 $0xFFF0, s15;
	s15 =	smov.u32 s18;
	v10 =	vld.idx.msk [tilespmem:v11+s0+$0x0], $0xffff  }
0x3b5: {  	v11 =	vld [tilespmem:s19+$0xA280]  }
.Ltmp6:
0x3b6: {  	(pc) =	sbr.rel @p0 .LBB2_14-.Ltmp6, $3  }
0x3b7: {  	s16 =	sadd.s32 $0x10, s16  }
0x3b8: {  	v9 =	vor.u32 s16, v0;
	_ =	sdelay $0x1  }
0x3b9: {  	v10 =	vmul.f32 v10, v11  }
0x3ba: {  	_ =	sdelay $0x2  }
0x3bb: {  	[tilespmem:s19+$0xA280] =	vst v10  }
0x3bc: {  	s14 =	sadd.s32 $0x90, s14;
	v9 =	vld.idx.msk [tilespmem:v9+s0+$0x0], $0xffff  }
0x3bd: {  	v10 =	vld [tilespmem:s14+$0xFFFFFFC0];
	_ =	sdelay $0x2  }
0x3be: {  	v11 =	vor.u32 s16, v1;
	_ =	sdelay $0x1  }
0x3bf: {  	v9 =	vmul.f32 v9, v10;
	_ =	sdelay $0x1  }
0x3c0: {  	v10 =	vld [tilespmem:s14+$0xFFFFFFD0];
	[tilespmem:s14+$0xFFFFFFC0] =	vst v9  }
0x3c1: {  	v9 =	vld.idx.msk [tilespmem:v11+s0+$0x0], $0xffff;
	_ =	sdelay $0x2  }
0x3c2: {  	v11 =	vor.u32 s16, v2;
	_ =	sdelay $0x1  }
0x3c3: {  	v9 =	vmul.f32 v9, v10;
	_ =	sdelay $0x1  }
0x3c4: {  	v10 =	vld [tilespmem:s14+$0xFFFFFFE0];
	[tilespmem:s14+$0xFFFFFFD0] =	vst v9  }
0x3c5: {  	v9 =	vld.idx.msk [tilespmem:v11+s0+$0x0], $0xffff;
	_ =	sdelay $0x2  }
0x3c6: {  	v11 =	vor.u32 s16, v3;
	_ =	sdelay $0x1  }
0x3c7: {  	v9 =	vmul.f32 v9, v10;
	_ =	sdelay $0x1  }
0x3c8: {  	v10 =	vld [tilespmem:s14+$0xFFFFFFF0];
	[tilespmem:s14+$0xFFFFFFE0] =	vst v9  }
0x3c9: {  	v9 =	vld.idx.msk [tilespmem:v11+s0+$0x0], $0xffff;
	_ =	sdelay $0x2  }
0x3ca: {  	v11 =	vor.u32 s16, v7;
	_ =	sdelay $0x1  }
0x3cb: {  	v9 =	vmul.f32 v9, v10;
	_ =	sdelay $0x1  }
0x3cc: {  	v10 =	vld [tilespmem:s14+$0x0];
	[tilespmem:s14+$0xFFFFFFF0] =	vst v9  }
0x3cd: {  	v9 =	vld.idx.msk [tilespmem:v11+s0+$0x0], $0xffff;
	_ =	sdelay $0x2  }
0x3ce: {  	v11 =	vor.u32 s16, v4;
	_ =	sdelay $0x1  }
0x3cf: {  	v9 =	vmul.f32 v9, v10;
	_ =	sdelay $0x1  }
0x3d0: {  	v10 =	vld [tilespmem:s14+$0x10];
	[tilespmem:s14+$0x0] =	vst v9  }
0x3d1: {  	v9 =	vld.idx.msk [tilespmem:v11+s0+$0x0], $0xffff;
	_ =	sdelay $0x2  }
0x3d2: {  	v11 =	vor.u32 s16, v5;
	_ =	sdelay $0x1  }
0x3d3: {  	v9 =	vmul.f32 v9, v10;
	_ =	sdelay $0x1  }
0x3d4: {  	v10 =	vld [tilespmem:s14+$0x20];
	[tilespmem:s14+$0x10] =	vst v9  }
0x3d5: {  	v9 =	vld.idx.msk [tilespmem:v11+s0+$0x0], $0xffff;
	_ =	sdelay $0x2  }
0x3d6: {  	v11 =	vor.u32 s16, v6;
	_ =	sdelay $0x1  }
0x3d7: {  	v9 =	vmul.f32 v9, v10;
	_ =	sdelay $0x1  }
0x3d8: {  	v10 =	vld [tilespmem:s14+$0x30];
	[tilespmem:s14+$0x20] =	vst v9  }
0x3d9: {  	v9 =	vld.idx.msk [tilespmem:v11+s0+$0x0], $0xffff;
	_ =	sdelay $0x2  }
0x3da: {  	v11 =	vor.u32 s16, v8;
	_ =	sdelay $0x1  }
0x3db: {  	v9 =	vmul.f32 v9, v10;
	_ =	sdelay $0x1  }
0x3dc: {  	[tilespmem:s14+$0x30] =	vst v9  }
0x3dd: {  	s18 =	sand.u32 $0xFFF0, s15;
	v9 =	vld.idx.msk [tilespmem:v11+s0+$0x0], $0xffff  }
0x3de: {  	v10 =	vld [tilespmem:s18+$0xA280];
	_ =	sdelay $0x4  }
0x3df: {  	v9 =	vmul.f32 v9, v10;
	_ =	sdelay $0x1  }
0x3e0: {  	s19 =	simm.s32 $0x0;
	[tilespmem:s18+$0xA280] =	vst v9  }
0x3e1: {  	[hbm4b:s21+s19] =	stream.linear.scatter [tilespmem:s1], [sflag:$0x7], $0x5100, $0x38;
	[tilespmem:$0x16800] =	vst v63  }
0x3e2: {  	_ =	swait.ge [sflag:s10], $0x5100  }
0x3e3: {  	v9 =	vor.u32 s19, v0;
	[sflag:s10] =	ssyncset.done $0x0  }
0x3e4: {  	[sflag:s10] =	ssyncadd.s32 $0xFFFFAF00  }
0x3e5: {  	_ =	swait.ge [sflag:s10], $0x900  }
0x3e6: {  	[sflag:s10] =	ssyncset.done $0x0  }
0x3e7: {  	[sflag:s10] =	ssyncadd.s32 $0xFFFFF700  }
0x3e8: {  	s14 =	simm.s32 $0xF340;
	v9 =	vld.idx.msk [tilespmem:v9+s5+$0x0], $0xffff  }
0x3e9: {  	v10 =	vld [tilespmem:s14+$0xFFFFFFC0];
	_ =	sdelay $0x2  }
0x3ea: {  	v11 =	vor.u32 s19, v1;
	_ =	sdelay $0x1  }
0x3eb: {  	v9 =	vmul.f32 v9, v10;
	_ =	sdelay $0x1  }
0x3ec: {  	v10 =	vld [tilespmem:s14+$0xFFFFFFD0];
	[tilespmem:s14+$0xFFFFFFC0] =	vst v9  }
0x3ed: {  	v9 =	vld.idx.msk [tilespmem:v11+s5+$0x0], $0xffff;
	_ =	sdelay $0x2  }
0x3ee: {  	v11 =	vor.u32 s19, v2;
	_ =	sdelay $0x1  }
0x3ef: {  	v9 =	vmul.f32 v9, v10;
	_ =	sdelay $0x1  }
0x3f0: {  	v10 =	vld [tilespmem:s14+$0xFFFFFFE0];
	[tilespmem:s14+$0xFFFFFFD0] =	vst v9  }
0x3f1: {  	v9 =	vld.idx.msk [tilespmem:v11+s5+$0x0], $0xffff;
	_ =	sdelay $0x2  }
0x3f2: {  	v11 =	vor.u32 s19, v3;
	_ =	sdelay $0x1  }
0x3f3: {  	v9 =	vmul.f32 v9, v10;
	_ =	sdelay $0x1  }
0x3f4: {  	v10 =	vld [tilespmem:s14+$0xFFFFFFF0];
	[tilespmem:s14+$0xFFFFFFE0] =	vst v9  }
0x3f5: {  	v9 =	vld.idx.msk [tilespmem:v11+s5+$0x0], $0xffff;
	_ =	sdelay $0x2  }
0x3f6: {  	v11 =	vor.u32 s19, v7;
	_ =	sdelay $0x1  }
0x3f7: {  	v9 =	vmul.f32 v9, v10;
	_ =	sdelay $0x1  }
0x3f8: {  	v10 =	vld [tilespmem:s14+$0x0];
	[tilespmem:s14+$0xFFFFFFF0] =	vst v9  }
0x3f9: {  	v9 =	vld.idx.msk [tilespmem:v11+s5+$0x0], $0xffff;
	_ =	sdelay $0x2  }
0x3fa: {  	v11 =	vor.u32 s19, v4;
	_ =	sdelay $0x1  }
0x3fb: {  	v9 =	vmul.f32 v9, v10;
	_ =	sdelay $0x1  }
0x3fc: {  	v10 =	vld [tilespmem:s14+$0x10];
	[tilespmem:s14+$0x0] =	vst v9  }
0x3fd: {  	v9 =	vld.idx.msk [tilespmem:v11+s5+$0x0], $0xffff;
	_ =	sdelay $0x2  }
0x3fe: {  	v11 =	vor.u32 s19, v5;
	_ =	sdelay $0x1  }
0x3ff: {  	v9 =	vmul.f32 v9, v10;
	_ =	sdelay $0x1  }
0x400: {  	v10 =	vld [tilespmem:s14+$0x20];
	[tilespmem:s14+$0x10] =	vst v9  }
0x401: {  	v9 =	vld.idx.msk [tilespmem:v11+s5+$0x0], $0xffff;
	_ =	sdelay $0x2  }
0x402: {  	v11 =	vor.u32 s19, v6;
	_ =	sdelay $0x1  }
0x403: {  	v9 =	vmul.f32 v9, v10;
	_ =	sdelay $0x1  }
0x404: {  	v10 =	vld [tilespmem:s14+$0x30];
	[tilespmem:s14+$0x20] =	vst v9  }
0x405: {  	v9 =	vld.idx.msk [tilespmem:v11+s5+$0x0], $0xffff;
	_ =	sdelay $0x2  }
0x406: {  	v11 =	vor.u32 s19, v8;
	_ =	sdelay $0x1  }
0x407: {  	v9 =	vmul.f32 v9, v10;
	_ =	sdelay $0x1  }
0x408: {  	[tilespmem:s14+$0x30] =	vst v9  }
0x409: {  	s19 =	sand.u32 $0xFFF0, s19;
	v10 =	vld.idx.msk [tilespmem:v11+s5+$0x0], $0xffff  }
0x40a: {  	v11 =	vld [tilespmem:s19+$0xF380];
	_ =	sdelay $0x1  }
0x40b: {  	s16 =	simm.s32 $0x10  }
0x40c: {  	v9 =	vor.u32 s16, v0;
	_ =	sdelay $0x1  }
0x40d: {  	s15 =	simm.s32 $0x90;
	s17 =	simm.s32 $0x120;
	v10 =	vmul.f32 v10, v11  }
.LBB2_16:
0x40e: {  	p0 =	sne.s32 s17, $0x5070  }
0x40f: {  	s14 =	sadd.s32 $0x90, s14;
	s18 =	smov.u32 s17;
	s17 =	sadd.s32 $0x90, s17;
	[tilespmem:s19+$0xF380] =	vst v10  }
0x410: {  	v9 =	vld.idx.msk [tilespmem:v9+s5+$0x0], $0xffff  }
0x411: {  	v10 =	vld [tilespmem:s14+$0xFFFFFFC0];
	_ =	sdelay $0x2  }
0x412: {  	v11 =	vor.u32 s16, v1;
	_ =	sdelay $0x1  }
0x413: {  	v9 =	vmul.f32 v9, v10;
	_ =	sdelay $0x1  }
0x414: {  	[tilespmem:s14+$0xFFFFFFC0] =	vst v9  }
0x415: {  	v9 =	vld.idx.msk [tilespmem:v11+s5+$0x0], $0xffff  }
0x416: {  	v10 =	vld [tilespmem:s14+$0xFFFFFFD0];
	_ =	sdelay $0x2  }
0x417: {  	v11 =	vor.u32 s16, v2;
	_ =	sdelay $0x1  }
0x418: {  	v9 =	vmul.f32 v9, v10;
	_ =	sdelay $0x1  }
0x419: {  	[tilespmem:s14+$0xFFFFFFD0] =	vst v9  }
0x41a: {  	v9 =	vld.idx.msk [tilespmem:v11+s5+$0x0], $0xffff  }
0x41b: {  	v10 =	vld [tilespmem:s14+$0xFFFFFFE0];
	_ =	sdelay $0x2  }
0x41c: {  	v11 =	vor.u32 s16, v3;
	_ =	sdelay $0x1  }
0x41d: {  	v9 =	vmul.f32 v9, v10;
	_ =	sdelay $0x1  }
0x41e: {  	[tilespmem:s14+$0xFFFFFFE0] =	vst v9  }
0x41f: {  	v9 =	vld.idx.msk [tilespmem:v11+s5+$0x0], $0xffff  }
0x420: {  	v10 =	vld [tilespmem:s14+$0xFFFFFFF0];
	_ =	sdelay $0x2  }
0x421: {  	v11 =	vor.u32 s16, v7;
	_ =	sdelay $0x1  }
0x422: {  	v9 =	vmul.f32 v9, v10;
	_ =	sdelay $0x1  }
0x423: {  	[tilespmem:s14+$0xFFFFFFF0] =	vst v9  }
0x424: {  	v9 =	vld.idx.msk [tilespmem:v11+s5+$0x0], $0xffff  }
0x425: {  	v10 =	vld [tilespmem:s14+$0x0];
	_ =	sdelay $0x2  }
0x426: {  	v11 =	vor.u32 s16, v4;
	_ =	sdelay $0x1  }
0x427: {  	v9 =	vmul.f32 v9, v10;
	_ =	sdelay $0x1  }
0x428: {  	[tilespmem:s14+$0x0] =	vst v9  }
0x429: {  	v9 =	vld.idx.msk [tilespmem:v11+s5+$0x0], $0xffff  }
0x42a: {  	v10 =	vld [tilespmem:s14+$0x10];
	_ =	sdelay $0x2  }
0x42b: {  	v11 =	vor.u32 s16, v5;
	_ =	sdelay $0x1  }
0x42c: {  	v9 =	vmul.f32 v9, v10;
	_ =	sdelay $0x1  }
0x42d: {  	[tilespmem:s14+$0x10] =	vst v9  }
0x42e: {  	v9 =	vld.idx.msk [tilespmem:v11+s5+$0x0], $0xffff  }
0x42f: {  	v10 =	vld [tilespmem:s14+$0x20];
	_ =	sdelay $0x2  }
0x430: {  	v11 =	vor.u32 s16, v6;
	_ =	sdelay $0x1  }
0x431: {  	v9 =	vmul.f32 v9, v10;
	_ =	sdelay $0x1  }
0x432: {  	[tilespmem:s14+$0x20] =	vst v9  }
0x433: {  	v9 =	vld.idx.msk [tilespmem:v11+s5+$0x0], $0xffff  }
0x434: {  	v10 =	vld [tilespmem:s14+$0x30];
	_ =	sdelay $0x2  }
0x435: {  	v11 =	vor.u32 s16, v8;
	_ =	sdelay $0x1  }
0x436: {  	v9 =	vmul.f32 v9, v10;
	_ =	sdelay $0x1  }
0x437: {  	[tilespmem:s14+$0x30] =	vst v9  }
0x438: {  	s19 =	sand.u32 $0xFFF0, s15;
	s15 =	smov.u32 s18;
	v10 =	vld.idx.msk [tilespmem:v11+s5+$0x0], $0xffff  }
0x439: {  	v11 =	vld [tilespmem:s19+$0xF380]  }
.Ltmp7:
0x43a: {  	(pc) =	sbr.rel @p0 .LBB2_16-.Ltmp7, $3  }
0x43b: {  	s16 =	sadd.s32 $0x10, s16  }
0x43c: {  	v9 =	vor.u32 s16, v0;
	_ =	sdelay $0x1  }
0x43d: {  	v10 =	vmul.f32 v10, v11  }
0x43e: {  	_ =	sdelay $0x2  }
0x43f: {  	[tilespmem:s19+$0xF380] =	vst v10  }
0x440: {  	s14 =	sadd.s32 $0x90, s14;
	v9 =	vld.idx.msk [tilespmem:v9+s5+$0x0], $0xffff  }
0x441: {  	v10 =	vld [tilespmem:s14+$0xFFFFFFC0];
	_ =	sdelay $0x2  }
0x442: {  	v11 =	vor.u32 s16, v1;
	_ =	sdelay $0x1  }
0x443: {  	v9 =	vmul.f32 v9, v10;
	_ =	sdelay $0x1  }
0x444: {  	v10 =	vld [tilespmem:s14+$0xFFFFFFD0];
	[tilespmem:s14+$0xFFFFFFC0] =	vst v9  }
0x445: {  	v9 =	vld.idx.msk [tilespmem:v11+s5+$0x0], $0xffff;
	_ =	sdelay $0x2  }
0x446: {  	v11 =	vor.u32 s16, v2;
	_ =	sdelay $0x1  }
0x447: {  	v9 =	vmul.f32 v9, v10;
	_ =	sdelay $0x1  }
0x448: {  	v10 =	vld [tilespmem:s14+$0xFFFFFFE0];
	[tilespmem:s14+$0xFFFFFFD0] =	vst v9  }
0x449: {  	v9 =	vld.idx.msk [tilespmem:v11+s5+$0x0], $0xffff;
	_ =	sdelay $0x2  }
0x44a: {  	v11 =	vor.u32 s16, v3;
	_ =	sdelay $0x1  }
0x44b: {  	v9 =	vmul.f32 v9, v10;
	_ =	sdelay $0x1  }
0x44c: {  	v10 =	vld [tilespmem:s14+$0xFFFFFFF0];
	[tilespmem:s14+$0xFFFFFFE0] =	vst v9  }
0x44d: {  	v9 =	vld.idx.msk [tilespmem:v11+s5+$0x0], $0xffff;
	_ =	sdelay $0x2  }
0x44e: {  	v11 =	vor.u32 s16, v7;
	_ =	sdelay $0x1  }
0x44f: {  	v9 =	vmul.f32 v9, v10;
	_ =	sdelay $0x1  }
0x450: {  	v10 =	vld [tilespmem:s14+$0x0];
	[tilespmem:s14+$0xFFFFFFF0] =	vst v9  }
0x451: {  	v9 =	vld.idx.msk [tilespmem:v11+s5+$0x0], $0xffff;
	_ =	sdelay $0x2  }
0x452: {  	v11 =	vor.u32 s16, v4;
	_ =	sdelay $0x1  }
0x453: {  	v9 =	vmul.f32 v9, v10;
	_ =	sdelay $0x1  }
0x454: {  	v10 =	vld [tilespmem:s14+$0x10];
	[tilespmem:s14+$0x0] =	vst v9  }
0x455: {  	v9 =	vld.idx.msk [tilespmem:v11+s5+$0x0], $0xffff;
	_ =	sdelay $0x2  }
0x456: {  	v11 =	vor.u32 s16, v5;
	_ =	sdelay $0x1  }
0x457: {  	v9 =	vmul.f32 v9, v10;
	_ =	sdelay $0x1  }
0x458: {  	v10 =	vld [tilespmem:s14+$0x20];
	[tilespmem:s14+$0x10] =	vst v9  }
0x459: {  	v9 =	vld.idx.msk [tilespmem:v11+s5+$0x0], $0xffff;
	_ =	sdelay $0x2  }
0x45a: {  	v11 =	vor.u32 s16, v6;
	_ =	sdelay $0x1  }
0x45b: {  	v9 =	vmul.f32 v9, v10;
	_ =	sdelay $0x1  }
0x45c: {  	v10 =	vld [tilespmem:s14+$0x30];
	[tilespmem:s14+$0x20] =	vst v9  }
0x45d: {  	v9 =	vld.idx.msk [tilespmem:v11+s5+$0x0], $0xffff;
	_ =	sdelay $0x2  }
0x45e: {  	v11 =	vor.u32 s16, v8;
	_ =	sdelay $0x1  }
0x45f: {  	v9 =	vmul.f32 v9, v10;
	_ =	sdelay $0x1  }
0x460: {  	[tilespmem:s14+$0x30] =	vst v9  }
0x461: {  	s19 =	sand.u32 $0xFFF0, s15;
	v9 =	vld.idx.msk [tilespmem:v11+s5+$0x0], $0xffff  }
0x462: {  	v10 =	vld [tilespmem:s19+$0xF380];
	_ =	sdelay $0x4  }
0x463: {  	v9 =	vmul.f32 v9, v10;
	_ =	sdelay $0x1  }
0x464: {  	[tilespmem:s19+$0xF380] =	vst v9  }
0x465: {  	[hbm4b:s22+s2] =	stream.linear.scatter [tilespmem:s4], [sflag:$0x8], $0x5100, $0x38;
	[tilespmem:$0x16800] =	vst v63  }
0x466: {  	_ =	swait.ge [sflag:s7], $0x5100  }
0x467: {  	[sflag:s7] =	ssyncset.done $0x0  }
0x468: {  	[sflag:s7] =	ssyncadd.s32 $0xFFFFAF00  }
0x469: {  	_ =	swait.ge [sflag:s9], $0x5100  }
0x46a: {  	[sflag:s9] =	ssyncset.done $0x0  }
0x46b: {  	s13 =	sadd.s32 $0x1, s13;
	[sflag:s9] =	ssyncadd.s32 $0xFFFFAF00  }
0x46c: {  	p0 =	sne.s32 s13, s28;
	_ =	swait.ge [sflag:s11], $0x5100  }
.Ltmp8:
0x46d: {  	[sflag:s11] =	ssyncset.done $0x0;
	(pc) =	sbr.rel @p0 .LBB2_1-.Ltmp8, $4  }
0x46e: {  	[sflag:s11] =	ssyncadd.s32 $0xFFFFAF00  }
0x46f: {  	_ =	swait.ge [sflag:s12], $0x5100  }
0x470: {  	[sflag:s12] =	ssyncset.done $0x0  }
0x471: {  	[sflag:s12] =	ssyncadd.s32 $0xFFFFAF00  }
0x472: {  	_ =	sfence.sel $0x180000  }
0x473: {  	[bflag:$0x0] =	sbarrier.arrive $0xFFFF  }
0x474: {  	_ =	strace $0x90000047  }
0x475: {  	s0 =	stileid.u32;
	[bflag:$0x2] =	sbarrier.arrive $0xFFFF  }
0x476: {  	p0 =	sne.s32 s0, $0x0;
	s0 =	rddreg [dreg:$0x2]  }
0x477: {  	s0 =	sadd.s32 @!p0 $0x100000, s0  }
0x478: {  	[sflag:s0] =	ssyncadd.tile.s32 @!p0 $0x1;
	_ =	shalt  }
.Lfunc_end2:
_tile_overlayer_lowered:
.L_overlay_start_2:
0x479: {  	(tag) =	ssettag $0x2  }
0x47a: {  	s0 =	rddreg [dreg:$0x0];
	s2 =	stileid.u32  }
0x47b: {  	s1 =	rddreg [dreg:$0x1];
	p0 =	sne.s32 s2, $0x0  }
0x47c: {  	s3 =	rddreg [dreg:$0x2];
	[bflag:$0x3] =	sbarrier.arrive $0xFFFF;
	s2 =	simm.s32 @!p0 $0x1C09  }
0x47d: {  	[timem:s3], [sflag:s2] =	dma.local @!p0 [hbm:s0], s1  }
0x47e: {  	s0 =	simm.s32 @!p0 $0x9  }
0x47f: {  	_ =	swait.ge @!p0 [sflag:s0], s1  }
0x480: {  	s1 =	ssub.s32 @!p0 $0x0, s1;
	[sflag:s0] =	ssyncset.done @!p0 $0x0  }
0x481: {  	[sflag:s0] =	ssyncadd.s32 @!p0 s1  }
0x482: {  	[bflag:$0x3] =	sbarrier.arrive $0xFFFF  }
0x483: {  	_ =	shalt  }

</sc_bundles>
